<compile_context>
chip_gen: v7x
topology: tpu7x:2x2x1
jax: 0.10.2.dev20260603
libtpu: 0.0.44.dev20260713+nightly
codegen_flags: <defaults>
</compile_context>

<pallas_src>
import functools

import jax
import jax.numpy as jnp
from jax import lax
from jax.experimental import pallas as pl
from jax.experimental.pallas import tpu as pltpu
from jax.experimental.pallas import tpu_sc as plsc

B = 16384
L = 50
EMB = 64
PROJ = 128

_IDXW = 128
_GF = 4
_CHUNK = _IDXW * _GF


def _make_sc_gather(n_tokens: int):
    info = plsc.get_sparse_core_info()
    nw = info.num_cores * info.num_subcores
    per_w = n_tokens // nw
    assert n_tokens % nw == 0 and per_w % (2 * _CHUNK) == 0
    n_pairs = per_w // (2 * _CHUNK)
    mesh = plsc.VectorSubcoreMesh(core_axis_name="c", subcore_axis_name="s")

    @functools.partial(
        pl.kernel,
        mesh=mesh,
        out_type=jax.ShapeDtypeStruct((n_tokens, EMB), jnp.float32),
        scratch_types=[
            pltpu.VMEM((2, _GF, _IDXW), jnp.int32),
            pltpu.VMEM((2, _CHUNK, EMB), jnp.float32),
            pltpu.SemaphoreType.DMA,
            pltpu.SemaphoreType.DMA,
        ],
        compiler_params=pltpu.CompilerParams(use_tc_tiling_on_sc=False),
    )
    def gather_k(table_hbm, idx_hbm, out_hbm, idx_v, rows_v, sem0, sem1):
        wid = lax.axis_index("s") * info.num_cores + lax.axis_index("c")
        base = wid * per_w
        sems = (sem0, sem1)

        def fire(g, buf):
            off = base + g * _CHUNK
            pltpu.sync_copy(idx_hbm.at[pl.ds(off // _IDXW, _GF)],
                            idx_v.at[buf])
            for j in range(_GF):
                pltpu.async_copy(
                    table_hbm.at[idx_v.at[buf].at[j]],
                    rows_v.at[buf].at[pl.ds(j * _IDXW, _IDXW)],
                    sems[buf],
                )

        def drain_wb(g, buf):
            for j in range(_GF):
                pltpu.make_async_copy(
                    table_hbm.at[idx_v.at[buf].at[j]],
                    rows_v.at[buf].at[pl.ds(j * _IDXW, _IDXW)],
                    sems[buf],
                ).wait()
            pltpu.sync_copy(rows_v.at[buf],
                            out_hbm.at[pl.ds(base + g * _CHUNK, _CHUNK)])

        fire(0, 0)

        def body(k, carry):
            g0 = 2 * k
            fire(g0 + 1, 1)
            drain_wb(g0, 0)

            @pl.when(k + 1 < n_pairs)
            def _():
                fire(g0 + 2, 0)

            drain_wb(g0 + 1, 1)
            return carry

        lax.fori_loop(0, n_pairs, body, 0)

    return gather_k


_TCOLS = 8192
_TH = _TCOLS // 2
VOCAB = 1000000
_NTBLK = (VOCAB + _TCOLS - 1) // _TCOLS
VPAD = _NTBLK * _TCOLS


def _repack_kernel(t_ref, o_ref):
    x = t_ref[...]
    o_ref[...] = jnp.concatenate([x[:, :_TH].T, x[:, _TH:].T], axis=1)


def _repack_table(tT):
    return pl.pallas_call(
        _repack_kernel,
        grid=(_NTBLK,),
        in_specs=[pl.BlockSpec((EMB, _TCOLS), lambda i: (0, i))],
        out_specs=pl.BlockSpec((_TH, 2 * EMB), lambda i: (i, 0)),
        out_shape=jax.ShapeDtypeStruct((VPAD // 2, 2 * EMB), jnp.float32),
    )(tT)


def _remap_idx(idx):
    blk = idx & (_TCOLS - 1)
    return (idx - blk) + ((blk & (_TH - 1)) << 1) + (blk >> 12)


_BP = 128
_NBLK = B // (2 * _BP)


def _dense_kernel(ea_ref, eb_ref, wp2_ref, bp2_ref, w1a_ref, w1b_ref, b1_ref,
                  w2t_ref, b2_ref, out_ref):
    wp2 = wp2_ref[...].astype(jnp.bfloat16)
    bp2 = bp2_ref[...]
    inv_l = 1.0 / L

    def tower(e_ref):
        e = e_ref[...].reshape(L * _BP, 2 * EMB).astype(jnp.bfloat16)
        p = jnp.dot(e, wp2, preferred_element_type=jnp.float32) + bp2
        p = jnp.maximum(p, 0.0)
        s = jnp.sum(p.reshape(L, _BP, 2 * PROJ), axis=0)
        return s[:, :PROJ] * inv_l, s[:, PROJ:] * inv_l

    maE, maO = tower(ea_ref)
    mbE, mbO = tower(eb_ref)
    w1a = w1a_ref[...].astype(jnp.bfloat16)
    w1b = w1b_ref[...].astype(jnp.bfloat16)

    def head(ma, mb, par):
        h = (jnp.dot(ma.astype(jnp.bfloat16), w1a,
                     preferred_element_type=jnp.float32)
             + jnp.dot(mb.astype(jnp.bfloat16), w1b,
                       preferred_element_type=jnp.float32)
             + b1_ref[...])
        h = jnp.maximum(h, 0.0)
        o = jnp.sum(h * w2t_ref[...], axis=1) + b2_ref[0]
        out_ref[0, par, :] = o

    head(maE, mbE, 0)
    head(maO, mbO, 1)


_NSEG = 2
_BSEG = B // _NSEG


def _dense_call(ev, weights, nblk):
    return pl.pallas_call(
        _dense_kernel,
        grid=(nblk,),
        in_specs=[
            pl.BlockSpec((L, _BP, 2 * EMB), lambda i: (0, i, 0)),
            pl.BlockSpec((L, _BP, 2 * EMB), lambda i: (1, i, 0)),
            pl.BlockSpec((2 * EMB, 2 * PROJ), lambda i: (0, 0)),
            pl.BlockSpec((1, 2 * PROJ), lambda i: (0, 0)),
            pl.BlockSpec((PROJ, PROJ), lambda i: (0, 0)),
            pl.BlockSpec((PROJ, PROJ), lambda i: (0, 0)),
            pl.BlockSpec((1, PROJ), lambda i: (0, 0)),
            pl.BlockSpec((1, PROJ), lambda i: (0, 0)),
            pl.BlockSpec(memory_space=pltpu.SMEM),
        ],
        out_specs=pl.BlockSpec((1, 2, _BP), lambda i: (i, 0, 0)),
        out_shape=jax.ShapeDtypeStruct((nblk, 2, _BP), jnp.float32),
    )(ev, ev, *weights)


def kernel(a, b, table, W_proj, b_proj, W1, b1, W2, b2):
    table_lin = _repack_table(table.T).reshape(VPAD, EMB)

    wp2 = jnp.zeros((2 * EMB, 2 * PROJ), jnp.float32)
    wp2 = wp2.at[:EMB, :PROJ].set(W_proj).at[EMB:, PROJ:].set(W_proj)
    bp2 = jnp.concatenate([b_proj, b_proj]).reshape(1, 2 * PROJ)
    weights = (wp2, bp2, W1[:PROJ], W1[PROJ:], b1.reshape(1, PROJ),
               W2.reshape(1, PROJ), b2)

    aT, bT = a.T, b.T
    n_tok_seg = 2 * _BSEG * L
    sc_gather = _make_sc_gather(n_tok_seg)
    nblk = _BSEG // (2 * _BP)
    outs = []
    for s in range(_NSEG):
        cols = slice(s * _BSEG, (s + 1) * _BSEG)
        idx = _remap_idx(jnp.concatenate(
            [aT[:, cols].reshape(-1), bT[:, cols].reshape(-1)]))
        idx2 = idx.reshape(n_tok_seg // _IDXW, _IDXW)
        gathered = sc_gather(table_lin, idx2)
        ev = gathered.reshape(2 * L, _BSEG // 2, 2 * EMB)
        outs.append(_dense_call(ev, weights, nblk))
    out = jnp.concatenate(outs, axis=0)
    return out.transpose(0, 2, 1).reshape(B)

# --- scband reference (transcript-rebuilt; emitter-appended) ---
"""Pipeline reference for scband-two-tower-model-22892175688143 (READ-ONLY COPY).

The authoritative reference and input builder live on the scoring server;
editing this copy changes nothing except your own understanding.
"""

import jax, jax.numpy as jnp
import numpy as np

VOCAB = 1000000
EMB_DIM = 64
B = 16384
L = 50
PROJ = 128

def setup_inputs(seed: int = 0) -> dict:
    key = jax.random.key(seed)
    ks = jax.random.split(key, 9)
    a = jax.random.randint(ks[0], (B, L), 0, VOCAB, dtype=jnp.int64) if jax.config.jax_enable_x64 else jax.random.randint(ks[0], (B, L), 0, VOCAB, dtype=jnp.int32)
    b = jax.random.randint(ks[1], (B, L), 0, VOCAB, dtype=jnp.int32)
    a = a.astype(jnp.int32)
    table = (jax.random.normal(ks[2], (VOCAB, EMB_DIM), dtype=jnp.float32) * 0.02).at[0].set(0.0)  # padding_idx=0 row zeroed
    W_proj = jax.random.normal(ks[3], (EMB_DIM, PROJ), dtype=jnp.float32) * 0.05
    b_proj = jnp.zeros((PROJ,), dtype=jnp.float32)
    W1 = jax.random.normal(ks[4], (2 * PROJ, PROJ), dtype=jnp.float32) * 0.05
    b1 = jnp.zeros((PROJ,), dtype=jnp.float32)
    W2 = jax.random.normal(ks[5], (PROJ, 1), dtype=jnp.float32) * 0.05
    b2 = jnp.zeros((1,), dtype=jnp.float32)
    return {"a": a, "b": b, "table": table, "W_proj": W_proj, "b_proj": b_proj,
            "W1": W1, "b1": b1, "W2": W2, "b2": b2}


def reference(a, b, table, W_proj, b_proj, W1, b1, W2, b2):
    def _make_repre(idx):
        emb = jnp.take(table, idx, axis=0)              # [B, L, EMB_DIM] gather
        p = jax.nn.relu(emb @ W_proj + b_proj)          # emb_projection=True path
        return jnp.mean(p, axis=1)                      # [B, PROJ]
    repre_a = _make_repre(a)
    repre_b = _make_repre(b)
    repre = jnp.concatenate((repre_a, repre_b), axis=1)  # [B, 256]
    repre = jax.nn.relu(repre @ W1 + b1)                 # final_proj_1
    repre = (repre @ W2 + b2).squeeze(1)                 # final_proj_2, [B]
    return repre

if __name__ == "__main__":
    import jax
    _d = setup_inputs()
    print(jax.jit(kernel)(*tuple(_d.values())))

</pallas_src>

<mosaic_0001>
#map = affine_map<(d0, d1) -> (0, 0)>
module attributes {stable_mosaic.version = 14 : i64} {
  func.func @gather_k(%arg0: i32, %arg1: i32, %arg2: memref<1007616x64xf32, #tpu.memory_space<hbm>>, %arg3: memref<6400x128xi32, #tpu.memory_space<hbm>>, %arg4: memref<819200x64xf32, #tpu.memory_space<hbm>>, %arg5: memref<2x4x128xi32, #tpu.memory_space<vmem>>, %arg6: memref<2x512x64xf32, #tpu.memory_space<vmem>>, %arg7: memref<!tpu.dma_semaphore, #tpu.memory_space<semaphore_mem>>, %arg8: memref<!tpu.dma_semaphore, #tpu.memory_space<semaphore_mem>>) attributes {dimension_semantics = [#tpu.dimension_semantics<core_parallel>, #tpu.dimension_semantics<subcore_parallel>], iteration_bounds = array<i64: 2, 16>, scalar_prefetch = 0 : i64, scratch_operands = 4 : i64, tpu.core_type = #tpu.core_type<sc_vector_subcore>, window_params = [{transform_indices = #map}, {transform_indices = #map}, {transform_indices = #map}]} {
    %mul3A = arith.constant 2 : i32
    %mul3A_0 = arith.muli %arg1, %mul3A : i32
    %add3A = arith.addi %mul3A_0, %arg0 : i32
    %mul3A_1 = arith.constant 25600 : i32
    %mul3A_2 = arith.muli %add3A, %mul3A_1 : i32
    %add3A_3 = arith.constant 0 : i32
    %add3A_4 = arith.addi %mul3A_2, %add3A_3 : i32
    %jit3A = arith.constant 128 : i32
    %div3A = arith.divsi %add3A_4, %jit3A : i32
    %sign3A = arith.constant 0 : i32
    %sign3A_5 = arith.cmpi sgt, %add3A_4, %sign3A : i32
    %sign3A_6 = arith.extui %sign3A_5 : i1 to i32
    %sign3A_7 = arith.constant 0 : i32
    %sign3A_8 = arith.cmpi slt, %add3A_4, %sign3A_7 : i32
    %sign3A_9 = arith.extui %sign3A_8 : i1 to i32
    %sign3A_10 = arith.subi %sign3A_6, %sign3A_9 : i32
    %sign3A_11 = arith.constant 0 : i32
    %sign3A_12 = arith.cmpi sgt, %jit3A, %sign3A_11 : i32
    %sign3A_13 = arith.extui %sign3A_12 : i1 to i32
    %sign3A_14 = arith.constant 0 : i32
    %sign3A_15 = arith.cmpi slt, %jit3A, %sign3A_14 : i32
    %sign3A_16 = arith.extui %sign3A_15 : i1 to i32
    %sign3A_17 = arith.subi %sign3A_13, %sign3A_16 : i32
    %ne3A = arith.cmpi ne, %sign3A_10, %sign3A_17 : i32
    %rem3A = arith.remsi %add3A_4, %jit3A : i32
    %ne3A_18 = arith.constant 0 : i32
    %ne3A_19 = arith.cmpi ne, %rem3A, %ne3A_18 : i32
    %and3A = arith.andi %ne3A, %ne3A_19 : i1
    %sub3A = arith.constant 1 : i32
    %sub3A_20 = arith.subi %div3A, %sub3A : i32
    %select_n3A = arith.select %and3A, %sub3A_20, %div3A : i32
    %run_scoped3A = arith.constant 0 : i32
    "tpu.region"() ({
      %run_scoped3A_105 = tpu.sem_alloc : memref<!tpu.dma_semaphore, #tpu.memory_space<semaphore_mem>>
      %dma_start3A_106 = arith.constant 0 : i32
      %dma_start3A_107 = arith.constant 0 : i32
      %dma_start3A_108 = tpu.memref_slice %arg5[%run_scoped3A, %dma_start3A_106, %dma_start3A_107] : memref<2x4x128xi32, #tpu.memory_space<vmem>> -> memref<1x4x128xi32, #tpu.memory_space<vmem>>
      %dma_start3A_109 = tpu.memref_squeeze %dma_start3A_108 : memref<1x4x128xi32, #tpu.memory_space<vmem>> -> memref<4x128xi32, #tpu.memory_space<vmem>>
      %dma_start3A_110 = arith.constant 0 : i32
      %dma_start3A_111 = tpu.memref_slice %arg3[%select_n3A, %dma_start3A_110] : memref<6400x128xi32, #tpu.memory_space<hbm>> -> memref<4x128xi32, #tpu.memory_space<hbm>>
      %dma_start3A_112 = arith.constant 0 : i32
      %dma_start3A_113 = arith.constant 0 : i32
      %dma_start3A_114 = tpu.memref_slice %arg5[%run_scoped3A, %dma_start3A_112, %dma_start3A_113] : memref<2x4x128xi32, #tpu.memory_space<vmem>> -> memref<1x4x128xi32, #tpu.memory_space<vmem>>
      %dma_start3A_115 = tpu.memref_squeeze %dma_start3A_114 : memref<1x4x128xi32, #tpu.memory_space<vmem>> -> memref<4x128xi32, #tpu.memory_space<vmem>>
      %dma_start3A_116 = arith.constant 0 : i32
      %dma_start3A_117 = tpu.memref_slice %arg3[%select_n3A, %dma_start3A_116] : memref<6400x128xi32, #tpu.memory_space<hbm>> -> memref<4x128xi32, #tpu.memory_space<hbm>>
      tpu.enqueue_dma source(%dma_start3A_117 : memref<4x128xi32, #tpu.memory_space<hbm>>) target(%dma_start3A_115 : memref<4x128xi32, #tpu.memory_space<vmem>>) target_semaphore(%run_scoped3A_105 : memref<!tpu.dma_semaphore, #tpu.memory_space<semaphore_mem>>)
      %dma_wait3A = arith.constant 0 : i32
      %dma_wait3A_118 = arith.constant 0 : i32
      %dma_wait3A_119 = tpu.memref_slice %arg5[%run_scoped3A, %dma_wait3A, %dma_wait3A_118] : memref<2x4x128xi32, #tpu.memory_space<vmem>> -> memref<1x4x128xi32, #tpu.memory_space<vmem>>
      %dma_wait3A_120 = tpu.memref_squeeze %dma_wait3A_119 : memref<1x4x128xi32, #tpu.memory_space<vmem>> -> memref<4x128xi32, #tpu.memory_space<vmem>>
      %dma_wait3A_121 = arith.constant 0 : i32
      %dma_wait3A_122 = tpu.memref_slice %arg3[%select_n3A, %dma_wait3A_121] : memref<6400x128xi32, #tpu.memory_space<hbm>> -> memref<4x128xi32, #tpu.memory_space<hbm>>
      %dma_wait3A_123 = arith.constant 0 : i32
      %dma_wait3A_124 = arith.constant 0 : i32
      %dma_wait3A_125 = tpu.memref_slice %arg5[%run_scoped3A, %dma_wait3A_123, %dma_wait3A_124] : memref<2x4x128xi32, #tpu.memory_space<vmem>> -> memref<1x4x128xi32, #tpu.memory_space<vmem>>
      %dma_wait3A_126 = tpu.memref_squeeze %dma_wait3A_125 : memref<1x4x128xi32, #tpu.memory_space<vmem>> -> memref<4x128xi32, #tpu.memory_space<vmem>>
      %dma_wait3A_127 = arith.constant 0 : i32
      %dma_wait3A_128 = tpu.memref_slice %arg3[%select_n3A, %dma_wait3A_127] : memref<6400x128xi32, #tpu.memory_space<hbm>> -> memref<4x128xi32, #tpu.memory_space<hbm>>
      tpu.wait_dma2 semaphore(%run_scoped3A_105 : memref<!tpu.dma_semaphore, #tpu.memory_space<semaphore_mem>>) src(%dma_wait3A_128 : memref<4x128xi32, #tpu.memory_space<hbm>>) dst(%dma_wait3A_126 : memref<4x128xi32, #tpu.memory_space<vmem>>)
      tpu.yield
    }) : () -> ()
    %dma_start3A = arith.constant 0 : i32
    %dma_start3A_21 = arith.constant 0 : i32
    %dma_start3A_22 = arith.constant 0 : i32
    %dma_start3A_23 = arith.constant 0 : i32
    %dma_start3A_24 = arith.constant 0 : i32
    %dma_start3A_25 = tpu.memref_slice %arg6[%dma_start3A_22, %dma_start3A_23, %dma_start3A_24] : memref<2x512x64xf32, #tpu.memory_space<vmem>> -> memref<1x512x64xf32, #tpu.memory_space<vmem>>
    %dma_start3A_26 = tpu.memref_squeeze %dma_start3A_25 : memref<1x512x64xf32, #tpu.memory_space<vmem>> -> memref<512x64xf32, #tpu.memory_space<vmem>>
    %dma_start3A_27 = arith.constant 0 : i32
    %dma_start3A_28 = arith.constant 0 : i32
    %dma_start3A_29 = tpu.memref_slice %dma_start3A_26[%dma_start3A_27, %dma_start3A_28] : memref<512x64xf32, #tpu.memory_space<vmem>> -> memref<128x64xf32, #tpu.memory_space<vmem>>
    %dma_start3A_30 = arith.constant 0 : i32
    %dma_start3A_31 = arith.constant 0 : i32
    %dma_start3A_32 = tpu.memref_slice %arg5[%dma_start3A, %dma_start3A_30, %dma_start3A_31] : memref<2x4x128xi32, #tpu.memory_space<vmem>> -> memref<1x4x128xi32, #tpu.memory_space<vmem>>
    %dma_start3A_33 = tpu.memref_squeeze %dma_start3A_32 : memref<1x4x128xi32, #tpu.memory_space<vmem>> -> memref<4x128xi32, #tpu.memory_space<vmem>>
    %dma_start3A_34 = arith.constant 0 : i32
    %dma_start3A_35 = tpu.memref_slice %dma_start3A_33[%dma_start3A_21, %dma_start3A_34] : memref<4x128xi32, #tpu.memory_space<vmem>> -> memref<1x128xi32, #tpu.memory_space<vmem>>
    %dma_start3A_36 = tpu.memref_squeeze %dma_start3A_35 : memref<1x128xi32, #tpu.memory_space<vmem>> -> memref<128xi32, #tpu.memory_space<vmem>>
    %dma_start3A_37 = arith.constant 0 : i32
    %dma_start3A_38 = arith.constant 0 : i32
    %dma_start3A_39 = tpu.memref_slice %arg2[%dma_start3A_37, %dma_start3A_38] : memref<1007616x64xf32, #tpu.memory_space<hbm>> -> memref<1007616x64xf32, #tpu.memory_space<hbm>>
    tpu.enqueue_indirect_dma source(%dma_start3A_39 : memref<1007616x64xf32, #tpu.memory_space<hbm>>) target(%dma_start3A_29 : memref<128x64xf32, #tpu.memory_space<vmem>>) offsets(%dma_start3A_36 : memref<128xi32, #tpu.memory_space<vmem>>) semaphore(%arg7 : memref<!tpu.dma_semaphore, #tpu.memory_space<semaphore_mem>>)
    %dma_start3A_40 = arith.constant 0 : i32
    %dma_start3A_41 = arith.constant 1 : i32
    %dma_start3A_42 = arith.constant 0 : i32
    %dma_start3A_43 = arith.constant 0 : i32
    %dma_start3A_44 = arith.constant 0 : i32
    %dma_start3A_45 = tpu.memref_slice %arg6[%dma_start3A_42, %dma_start3A_43, %dma_start3A_44] : memref<2x512x64xf32, #tpu.memory_space<vmem>> -> memref<1x512x64xf32, #tpu.memory_space<vmem>>
    %dma_start3A_46 = tpu.memref_squeeze %dma_start3A_45 : memref<1x512x64xf32, #tpu.memory_space<vmem>> -> memref<512x64xf32, #tpu.memory_space<vmem>>
    %dma_start3A_47 = arith.constant 128 : i32
    %dma_start3A_48 = arith.constant 0 : i32
    %dma_start3A_49 = tpu.memref_slice %dma_start3A_46[%dma_start3A_47, %dma_start3A_48] : memref<512x64xf32, #tpu.memory_space<vmem>> -> memref<128x64xf32, #tpu.memory_space<vmem>>
    %dma_start3A_50 = arith.constant 0 : i32
    %dma_start3A_51 = arith.constant 0 : i32
    %dma_start3A_52 = tpu.memref_slice %arg5[%dma_start3A_40, %dma_start3A_50, %dma_start3A_51] : memref<2x4x128xi32, #tpu.memory_space<vmem>> -> memref<1x4x128xi32, #tpu.memory_space<vmem>>
    %dma_start3A_53 = tpu.memref_squeeze %dma_start3A_52 : memref<1x4x128xi32, #tpu.memory_space<vmem>> -> memref<4x128xi32, #tpu.memory_space<vmem>>
    %dma_start3A_54 = arith.constant 0 : i32
    %dma_start3A_55 = tpu.memref_slice %dma_start3A_53[%dma_start3A_41, %dma_start3A_54] : memref<4x128xi32, #tpu.memory_space<vmem>> -> memref<1x128xi32, #tpu.memory_space<vmem>>
    %dma_start3A_56 = tpu.memref_squeeze %dma_start3A_55 : memref<1x128xi32, #tpu.memory_space<vmem>> -> memref<128xi32, #tpu.memory_space<vmem>>
    %dma_start3A_57 = arith.constant 0 : i32
    %dma_start3A_58 = arith.constant 0 : i32
    %dma_start3A_59 = tpu.memref_slice %arg2[%dma_start3A_57, %dma_start3A_58] : memref<1007616x64xf32, #tpu.memory_space<hbm>> -> memref<1007616x64xf32, #tpu.memory_space<hbm>>
    tpu.enqueue_indirect_dma source(%dma_start3A_59 : memref<1007616x64xf32, #tpu.memory_space<hbm>>) target(%dma_start3A_49 : memref<128x64xf32, #tpu.memory_space<vmem>>) offsets(%dma_start3A_56 : memref<128xi32, #tpu.memory_space<vmem>>) semaphore(%arg7 : memref<!tpu.dma_semaphore, #tpu.memory_space<semaphore_mem>>)
    %dma_start3A_60 = arith.constant 0 : i32
    %dma_start3A_61 = arith.constant 2 : i32
    %dma_start3A_62 = arith.constant 0 : i32
    %dma_start3A_63 = arith.constant 0 : i32
    %dma_start3A_64 = arith.constant 0 : i32
    %dma_start3A_65 = tpu.memref_slice %arg6[%dma_start3A_62, %dma_start3A_63, %dma_start3A_64] : memref<2x512x64xf32, #tpu.memory_space<vmem>> -> memref<1x512x64xf32, #tpu.memory_space<vmem>>
    %dma_start3A_66 = tpu.memref_squeeze %dma_start3A_65 : memref<1x512x64xf32, #tpu.memory_space<vmem>> -> memref<512x64xf32, #tpu.memory_space<vmem>>
    %dma_start3A_67 = arith.constant 256 : i32
    %dma_start3A_68 = arith.constant 0 : i32
    %dma_start3A_69 = tpu.memref_slice %dma_start3A_66[%dma_start3A_67, %dma_start3A_68] : memref<512x64xf32, #tpu.memory_space<vmem>> -> memref<128x64xf32, #tpu.memory_space<vmem>>
    %dma_start3A_70 = arith.constant 0 : i32
    %dma_start3A_71 = arith.constant 0 : i32
    %dma_start3A_72 = tpu.memref_slice %arg5[%dma_start3A_60, %dma_start3A_70, %dma_start3A_71] : memref<2x4x128xi32, #tpu.memory_space<vmem>> -> memref<1x4x128xi32, #tpu.memory_space<vmem>>
    %dma_start3A_73 = tpu.memref_squeeze %dma_start3A_72 : memref<1x4x128xi32, #tpu.memory_space<vmem>> -> memref<4x128xi32, #tpu.memory_space<vmem>>
    %dma_start3A_74 = arith.constant 0 : i32
    %dma_start3A_75 = tpu.memref_slice %dma_start3A_73[%dma_start3A_61, %dma_start3A_74] : memref<4x128xi32, #tpu.memory_space<vmem>> -> memref<1x128xi32, #tpu.memory_space<vmem>>
    %dma_start3A_76 = tpu.memref_squeeze %dma_start3A_75 : memref<1x128xi32, #tpu.memory_space<vmem>> -> memref<128xi32, #tpu.memory_space<vmem>>
    %dma_start3A_77 = arith.constant 0 : i32
    %dma_start3A_78 = arith.constant 0 : i32
    %dma_start3A_79 = tpu.memref_slice %arg2[%dma_start3A_77, %dma_start3A_78] : memref<1007616x64xf32, #tpu.memory_space<hbm>> -> memref<1007616x64xf32, #tpu.memory_space<hbm>>
    tpu.enqueue_indirect_dma source(%dma_start3A_79 : memref<1007616x64xf32, #tpu.memory_space<hbm>>) target(%dma_start3A_69 : memref<128x64xf32, #tpu.memory_space<vmem>>) offsets(%dma_start3A_76 : memref<128xi32, #tpu.memory_space<vmem>>) semaphore(%arg7 : memref<!tpu.dma_semaphore, #tpu.memory_space<semaphore_mem>>)
    %dma_start3A_80 = arith.constant 0 : i32
    %dma_start3A_81 = arith.constant 3 : i32
    %dma_start3A_82 = arith.constant 0 : i32
    %dma_start3A_83 = arith.constant 0 : i32
    %dma_start3A_84 = arith.constant 0 : i32
    %dma_start3A_85 = tpu.memref_slice %arg6[%dma_start3A_82, %dma_start3A_83, %dma_start3A_84] : memref<2x512x64xf32, #tpu.memory_space<vmem>> -> memref<1x512x64xf32, #tpu.memory_space<vmem>>
    %dma_start3A_86 = tpu.memref_squeeze %dma_start3A_85 : memref<1x512x64xf32, #tpu.memory_space<vmem>> -> memref<512x64xf32, #tpu.memory_space<vmem>>
    %dma_start3A_87 = arith.constant 384 : i32
    %dma_start3A_88 = arith.constant 0 : i32
    %dma_start3A_89 = tpu.memref_slice %dma_start3A_86[%dma_start3A_87, %dma_start3A_88] : memref<512x64xf32, #tpu.memory_space<vmem>> -> memref<128x64xf32, #tpu.memory_space<vmem>>
    %dma_start3A_90 = arith.constant 0 : i32
    %dma_start3A_91 = arith.constant 0 : i32
    %dma_start3A_92 = tpu.memref_slice %arg5[%dma_start3A_80, %dma_start3A_90, %dma_start3A_91] : memref<2x4x128xi32, #tpu.memory_space<vmem>> -> memref<1x4x128xi32, #tpu.memory_space<vmem>>
    %dma_start3A_93 = tpu.memref_squeeze %dma_start3A_92 : memref<1x4x128xi32, #tpu.memory_space<vmem>> -> memref<4x128xi32, #tpu.memory_space<vmem>>
    %dma_start3A_94 = arith.constant 0 : i32
    %dma_start3A_95 = tpu.memref_slice %dma_start3A_93[%dma_start3A_81, %dma_start3A_94] : memref<4x128xi32, #tpu.memory_space<vmem>> -> memref<1x128xi32, #tpu.memory_space<vmem>>
    %dma_start3A_96 = tpu.memref_squeeze %dma_start3A_95 : memref<1x128xi32, #tpu.memory_space<vmem>> -> memref<128xi32, #tpu.memory_space<vmem>>
    %dma_start3A_97 = arith.constant 0 : i32
    %dma_start3A_98 = arith.constant 0 : i32
    %dma_start3A_99 = tpu.memref_slice %arg2[%dma_start3A_97, %dma_start3A_98] : memref<1007616x64xf32, #tpu.memory_space<hbm>> -> memref<1007616x64xf32, #tpu.memory_space<hbm>>
    tpu.enqueue_indirect_dma source(%dma_start3A_99 : memref<1007616x64xf32, #tpu.memory_space<hbm>>) target(%dma_start3A_89 : memref<128x64xf32, #tpu.memory_space<vmem>>) offsets(%dma_start3A_96 : memref<128xi32, #tpu.memory_space<vmem>>) semaphore(%arg7 : memref<!tpu.dma_semaphore, #tpu.memory_space<semaphore_mem>>)
    %scan3A = arith.constant 0 : i32
    %scan3A_100 = arith.constant 0 : i32
    %scan3A_101 = arith.constant 25 : i32
    %scan3A_102 = arith.addi %scan3A_100, %scan3A_101 : i32
    %scan3A_103 = arith.constant 1 : i32
    scf.for %scan3A_105 = %scan3A_100 to %scan3A_102 step %scan3A_103  : i32 {
      %mul3A_106 = arith.constant 2 : i32
      %mul3A_107 = arith.muli %mul3A_106, %scan3A_105 : i32
      %add3A_108 = arith.constant 1 : i32
      %add3A_109 = arith.addi %mul3A_107, %add3A_108 : i32
      %mul3A_110 = arith.constant 512 : i32
      %mul3A_111 = arith.muli %add3A_109, %mul3A_110 : i32
      %add3A_112 = arith.addi %mul3A_2, %mul3A_111 : i32
      %jit3A_113 = arith.constant 128 : i32
      %div3A_114 = arith.divsi %add3A_112, %jit3A_113 : i32
      %sign3A_115 = arith.constant 0 : i32
      %sign3A_116 = arith.cmpi sgt, %add3A_112, %sign3A_115 : i32
      %sign3A_117 = arith.extui %sign3A_116 : i1 to i32
      %sign3A_118 = arith.constant 0 : i32
      %sign3A_119 = arith.cmpi slt, %add3A_112, %sign3A_118 : i32
      %sign3A_120 = arith.extui %sign3A_119 : i1 to i32
      %sign3A_121 = arith.subi %sign3A_117, %sign3A_120 : i32
      %sign3A_122 = arith.constant 0 : i32
      %sign3A_123 = arith.cmpi sgt, %jit3A_113, %sign3A_122 : i32
      %sign3A_124 = arith.extui %sign3A_123 : i1 to i32
      %sign3A_125 = arith.constant 0 : i32
      %sign3A_126 = arith.cmpi slt, %jit3A_113, %sign3A_125 : i32
      %sign3A_127 = arith.extui %sign3A_126 : i1 to i32
      %sign3A_128 = arith.subi %sign3A_124, %sign3A_127 : i32
      %ne3A_129 = arith.cmpi ne, %sign3A_121, %sign3A_128 : i32
      %rem3A_130 = arith.remsi %add3A_112, %jit3A_113 : i32
      %ne3A_131 = arith.constant 0 : i32
      %ne3A_132 = arith.cmpi ne, %rem3A_130, %ne3A_131 : i32
      %and3A_133 = arith.andi %ne3A_129, %ne3A_132 : i1
      %sub3A_134 = arith.constant 1 : i32
      %sub3A_135 = arith.subi %div3A_114, %sub3A_134 : i32
      %select_n3A_136 = arith.select %and3A_133, %sub3A_135, %div3A_114 : i32
      %run_scoped3A_137 = arith.constant 1 : i32
      "tpu.region"() ({
        %run_scoped3A_391 = tpu.sem_alloc : memref<!tpu.dma_semaphore, #tpu.memory_space<semaphore_mem>>
        %dma_start3A_392 = arith.constant 0 : i32
        %dma_start3A_393 = arith.constant 0 : i32
        %dma_start3A_394 = tpu.memref_slice %arg5[%run_scoped3A_137, %dma_start3A_392, %dma_start3A_393] : memref<2x4x128xi32, #tpu.memory_space<vmem>> -> memref<1x4x128xi32, #tpu.memory_space<vmem>>
        %dma_start3A_395 = tpu.memref_squeeze %dma_start3A_394 : memref<1x4x128xi32, #tpu.memory_space<vmem>> -> memref<4x128xi32, #tpu.memory_space<vmem>>
        %dma_start3A_396 = arith.constant 0 : i32
        %dma_start3A_397 = tpu.memref_slice %arg3[%select_n3A_136, %dma_start3A_396] : memref<6400x128xi32, #tpu.memory_space<hbm>> -> memref<4x128xi32, #tpu.memory_space<hbm>>
        %dma_start3A_398 = arith.constant 0 : i32
        %dma_start3A_399 = arith.constant 0 : i32
        %dma_start3A_400 = tpu.memref_slice %arg5[%run_scoped3A_137, %dma_start3A_398, %dma_start3A_399] : memref<2x4x128xi32, #tpu.memory_space<vmem>> -> memref<1x4x128xi32, #tpu.memory_space<vmem>>
        %dma_start3A_401 = tpu.memref_squeeze %dma_start3A_400 : memref<1x4x128xi32, #tpu.memory_space<vmem>> -> memref<4x128xi32, #tpu.memory_space<vmem>>
        %dma_start3A_402 = arith.constant 0 : i32
        %dma_start3A_403 = tpu.memref_slice %arg3[%select_n3A_136, %dma_start3A_402] : memref<6400x128xi32, #tpu.memory_space<hbm>> -> memref<4x128xi32, #tpu.memory_space<hbm>>
        tpu.enqueue_dma source(%dma_start3A_403 : memref<4x128xi32, #tpu.memory_space<hbm>>) target(%dma_start3A_401 : memref<4x128xi32, #tpu.memory_space<vmem>>) target_semaphore(%run_scoped3A_391 : memref<!tpu.dma_semaphore, #tpu.memory_space<semaphore_mem>>)
        %dma_wait3A_404 = arith.constant 0 : i32
        %dma_wait3A_405 = arith.constant 0 : i32
        %dma_wait3A_406 = tpu.memref_slice %arg5[%run_scoped3A_137, %dma_wait3A_404, %dma_wait3A_405] : memref<2x4x128xi32, #tpu.memory_space<vmem>> -> memref<1x4x128xi32, #tpu.memory_space<vmem>>
        %dma_wait3A_407 = tpu.memref_squeeze %dma_wait3A_406 : memref<1x4x128xi32, #tpu.memory_space<vmem>> -> memref<4x128xi32, #tpu.memory_space<vmem>>
        %dma_wait3A_408 = arith.constant 0 : i32
        %dma_wait3A_409 = tpu.memref_slice %arg3[%select_n3A_136, %dma_wait3A_408] : memref<6400x128xi32, #tpu.memory_space<hbm>> -> memref<4x128xi32, #tpu.memory_space<hbm>>
        %dma_wait3A_410 = arith.constant 0 : i32
        %dma_wait3A_411 = arith.constant 0 : i32
        %dma_wait3A_412 = tpu.memref_slice %arg5[%run_scoped3A_137, %dma_wait3A_410, %dma_wait3A_411] : memref<2x4x128xi32, #tpu.memory_space<vmem>> -> memref<1x4x128xi32, #tpu.memory_space<vmem>>
        %dma_wait3A_413 = tpu.memref_squeeze %dma_wait3A_412 : memref<1x4x128xi32, #tpu.memory_space<vmem>> -> memref<4x128xi32, #tpu.memory_space<vmem>>
        %dma_wait3A_414 = arith.constant 0 : i32
        %dma_wait3A_415 = tpu.memref_slice %arg3[%select_n3A_136, %dma_wait3A_414] : memref<6400x128xi32, #tpu.memory_space<hbm>> -> memref<4x128xi32, #tpu.memory_space<hbm>>
        tpu.wait_dma2 semaphore(%run_scoped3A_391 : memref<!tpu.dma_semaphore, #tpu.memory_space<semaphore_mem>>) src(%dma_wait3A_415 : memref<4x128xi32, #tpu.memory_space<hbm>>) dst(%dma_wait3A_413 : memref<4x128xi32, #tpu.memory_space<vmem>>)
        tpu.yield
      }) : () -> ()
      %dma_start3A_138 = arith.constant 1 : i32
      %dma_start3A_139 = arith.constant 0 : i32
      %dma_start3A_140 = arith.constant 1 : i32
      %dma_start3A_141 = arith.constant 0 : i32
      %dma_start3A_142 = arith.constant 0 : i32
      %dma_start3A_143 = tpu.memref_slice %arg6[%dma_start3A_140, %dma_start3A_141, %dma_start3A_142] : memref<2x512x64xf32, #tpu.memory_space<vmem>> -> memref<1x512x64xf32, #tpu.memory_space<vmem>>
      %dma_start3A_144 = tpu.memref_squeeze %dma_start3A_143 : memref<1x512x64xf32, #tpu.memory_space<vmem>> -> memref<512x64xf32, #tpu.memory_space<vmem>>
      %dma_start3A_145 = arith.constant 0 : i32
      %dma_start3A_146 = arith.constant 0 : i32
      %dma_start3A_147 = tpu.memref_slice %dma_start3A_144[%dma_start3A_145, %dma_start3A_146] : memref<512x64xf32, #tpu.memory_space<vmem>> -> memref<128x64xf32, #tpu.memory_space<vmem>>
      %dma_start3A_148 = arith.constant 0 : i32
      %dma_start3A_149 = arith.constant 0 : i32
      %dma_start3A_150 = tpu.memref_slice %arg5[%dma_start3A_138, %dma_start3A_148, %dma_start3A_149] : memref<2x4x128xi32, #tpu.memory_space<vmem>> -> memref<1x4x128xi32, #tpu.memory_space<vmem>>
      %dma_start3A_151 = tpu.memref_squeeze %dma_start3A_150 : memref<1x4x128xi32, #tpu.memory_space<vmem>> -> memref<4x128xi32, #tpu.memory_space<vmem>>
      %dma_start3A_152 = arith.constant 0 : i32
      %dma_start3A_153 = tpu.memref_slice %dma_start3A_151[%dma_start3A_139, %dma_start3A_152] : memref<4x128xi32, #tpu.memory_space<vmem>> -> memref<1x128xi32, #tpu.memory_space<vmem>>
      %dma_start3A_154 = tpu.memref_squeeze %dma_start3A_153 : memref<1x128xi32, #tpu.memory_space<vmem>> -> memref<128xi32, #tpu.memory_space<vmem>>
      %dma_start3A_155 = arith.constant 0 : i32
      %dma_start3A_156 = arith.constant 0 : i32
      %dma_start3A_157 = tpu.memref_slice %arg2[%dma_start3A_155, %dma_start3A_156] : memref<1007616x64xf32, #tpu.memory_space<hbm>> -> memref<1007616x64xf32, #tpu.memory_space<hbm>>
      tpu.enqueue_indirect_dma source(%dma_start3A_157 : memref<1007616x64xf32, #tpu.memory_space<hbm>>) target(%dma_start3A_147 : memref<128x64xf32, #tpu.memory_space<vmem>>) offsets(%dma_start3A_154 : memref<128xi32, #tpu.memory_space<vmem>>) semaphore(%arg8 : memref<!tpu.dma_semaphore, #tpu.memory_space<semaphore_mem>>)
      %dma_start3A_158 = arith.constant 1 : i32
      %dma_start3A_159 = arith.constant 1 : i32
      %dma_start3A_160 = arith.constant 1 : i32
      %dma_start3A_161 = arith.constant 0 : i32
      %dma_start3A_162 = arith.constant 0 : i32
      %dma_start3A_163 = tpu.memref_slice %arg6[%dma_start3A_160, %dma_start3A_161, %dma_start3A_162] : memref<2x512x64xf32, #tpu.memory_space<vmem>> -> memref<1x512x64xf32, #tpu.memory_space<vmem>>
      %dma_start3A_164 = tpu.memref_squeeze %dma_start3A_163 : memref<1x512x64xf32, #tpu.memory_space<vmem>> -> memref<512x64xf32, #tpu.memory_space<vmem>>
      %dma_start3A_165 = arith.constant 128 : i32
      %dma_start3A_166 = arith.constant 0 : i32
      %dma_start3A_167 = tpu.memref_slice %dma_start3A_164[%dma_start3A_165, %dma_start3A_166] : memref<512x64xf32, #tpu.memory_space<vmem>> -> memref<128x64xf32, #tpu.memory_space<vmem>>
      %dma_start3A_168 = arith.constant 0 : i32
      %dma_start3A_169 = arith.constant 0 : i32
      %dma_start3A_170 = tpu.memref_slice %arg5[%dma_start3A_158, %dma_start3A_168, %dma_start3A_169] : memref<2x4x128xi32, #tpu.memory_space<vmem>> -> memref<1x4x128xi32, #tpu.memory_space<vmem>>
      %dma_start3A_171 = tpu.memref_squeeze %dma_start3A_170 : memref<1x4x128xi32, #tpu.memory_space<vmem>> -> memref<4x128xi32, #tpu.memory_space<vmem>>
      %dma_start3A_172 = arith.constant 0 : i32
      %dma_start3A_173 = tpu.memref_slice %dma_start3A_171[%dma_start3A_159, %dma_start3A_172] : memref<4x128xi32, #tpu.memory_space<vmem>> -> memref<1x128xi32, #tpu.memory_space<vmem>>
      %dma_start3A_174 = tpu.memref_squeeze %dma_start3A_173 : memref<1x128xi32, #tpu.memory_space<vmem>> -> memref<128xi32, #tpu.memory_space<vmem>>
      %dma_start3A_175 = arith.constant 0 : i32
      %dma_start3A_176 = arith.constant 0 : i32
      %dma_start3A_177 = tpu.memref_slice %arg2[%dma_start3A_175, %dma_start3A_176] : memref<1007616x64xf32, #tpu.memory_space<hbm>> -> memref<1007616x64xf32, #tpu.memory_space<hbm>>
      tpu.enqueue_indirect_dma source(%dma_start3A_177 : memref<1007616x64xf32, #tpu.memory_space<hbm>>) target(%dma_start3A_167 : memref<128x64xf32, #tpu.memory_space<vmem>>) offsets(%dma_start3A_174 : memref<128xi32, #tpu.memory_space<vmem>>) semaphore(%arg8 : memref<!tpu.dma_semaphore, #tpu.memory_space<semaphore_mem>>)
      %dma_start3A_178 = arith.constant 1 : i32
      %dma_start3A_179 = arith.constant 2 : i32
      %dma_start3A_180 = arith.constant 1 : i32
      %dma_start3A_181 = arith.constant 0 : i32
      %dma_start3A_182 = arith.constant 0 : i32
      %dma_start3A_183 = tpu.memref_slice %arg6[%dma_start3A_180, %dma_start3A_181, %dma_start3A_182] : memref<2x512x64xf32, #tpu.memory_space<vmem>> -> memref<1x512x64xf32, #tpu.memory_space<vmem>>
      %dma_start3A_184 = tpu.memref_squeeze %dma_start3A_183 : memref<1x512x64xf32, #tpu.memory_space<vmem>> -> memref<512x64xf32, #tpu.memory_space<vmem>>
      %dma_start3A_185 = arith.constant 256 : i32
      %dma_start3A_186 = arith.constant 0 : i32
      %dma_start3A_187 = tpu.memref_slice %dma_start3A_184[%dma_start3A_185, %dma_start3A_186] : memref<512x64xf32, #tpu.memory_space<vmem>> -> memref<128x64xf32, #tpu.memory_space<vmem>>
      %dma_start3A_188 = arith.constant 0 : i32
      %dma_start3A_189 = arith.constant 0 : i32
      %dma_start3A_190 = tpu.memref_slice %arg5[%dma_start3A_178, %dma_start3A_188, %dma_start3A_189] : memref<2x4x128xi32, #tpu.memory_space<vmem>> -> memref<1x4x128xi32, #tpu.memory_space<vmem>>
      %dma_start3A_191 = tpu.memref_squeeze %dma_start3A_190 : memref<1x4x128xi32, #tpu.memory_space<vmem>> -> memref<4x128xi32, #tpu.memory_space<vmem>>
      %dma_start3A_192 = arith.constant 0 : i32
      %dma_start3A_193 = tpu.memref_slice %dma_start3A_191[%dma_start3A_179, %dma_start3A_192] : memref<4x128xi32, #tpu.memory_space<vmem>> -> memref<1x128xi32, #tpu.memory_space<vmem>>
      %dma_start3A_194 = tpu.memref_squeeze %dma_start3A_193 : memref<1x128xi32, #tpu.memory_space<vmem>> -> memref<128xi32, #tpu.memory_space<vmem>>
      %dma_start3A_195 = arith.constant 0 : i32
      %dma_start3A_196 = arith.constant 0 : i32
      %dma_start3A_197 = tpu.memref_slice %arg2[%dma_start3A_195, %dma_start3A_196] : memref<1007616x64xf32, #tpu.memory_space<hbm>> -> memref<1007616x64xf32, #tpu.memory_space<hbm>>
      tpu.enqueue_indirect_dma source(%dma_start3A_197 : memref<1007616x64xf32, #tpu.memory_space<hbm>>) target(%dma_start3A_187 : memref<128x64xf32, #tpu.memory_space<vmem>>) offsets(%dma_start3A_194 : memref<128xi32, #tpu.memory_space<vmem>>) semaphore(%arg8 : memref<!tpu.dma_semaphore, #tpu.memory_space<semaphore_mem>>)
      %dma_start3A_198 = arith.constant 1 : i32
      %dma_start3A_199 = arith.constant 3 : i32
      %dma_start3A_200 = arith.constant 1 : i32
      %dma_start3A_201 = arith.constant 0 : i32
      %dma_start3A_202 = arith.constant 0 : i32
      %dma_start3A_203 = tpu.memref_slice %arg6[%dma_start3A_200, %dma_start3A_201, %dma_start3A_202] : memref<2x512x64xf32, #tpu.memory_space<vmem>> -> memref<1x512x64xf32, #tpu.memory_space<vmem>>
      %dma_start3A_204 = tpu.memref_squeeze %dma_start3A_203 : memref<1x512x64xf32, #tpu.memory_space<vmem>> -> memref<512x64xf32, #tpu.memory_space<vmem>>
      %dma_start3A_205 = arith.constant 384 : i32
      %dma_start3A_206 = arith.constant 0 : i32
      %dma_start3A_207 = tpu.memref_slice %dma_start3A_204[%dma_start3A_205, %dma_start3A_206] : memref<512x64xf32, #tpu.memory_space<vmem>> -> memref<128x64xf32, #tpu.memory_space<vmem>>
      %dma_start3A_208 = arith.constant 0 : i32
      %dma_start3A_209 = arith.constant 0 : i32
      %dma_start3A_210 = tpu.memref_slice %arg5[%dma_start3A_198, %dma_start3A_208, %dma_start3A_209] : memref<2x4x128xi32, #tpu.memory_space<vmem>> -> memref<1x4x128xi32, #tpu.memory_space<vmem>>
      %dma_start3A_211 = tpu.memref_squeeze %dma_start3A_210 : memref<1x4x128xi32, #tpu.memory_space<vmem>> -> memref<4x128xi32, #tpu.memory_space<vmem>>
      %dma_start3A_212 = arith.constant 0 : i32
      %dma_start3A_213 = tpu.memref_slice %dma_start3A_211[%dma_start3A_199, %dma_start3A_212] : memref<4x128xi32, #tpu.memory_space<vmem>> -> memref<1x128xi32, #tpu.memory_space<vmem>>
      %dma_start3A_214 = tpu.memref_squeeze %dma_start3A_213 : memref<1x128xi32, #tpu.memory_space<vmem>> -> memref<128xi32, #tpu.memory_space<vmem>>
      %dma_start3A_215 = arith.constant 0 : i32
      %dma_start3A_216 = arith.constant 0 : i32
      %dma_start3A_217 = tpu.memref_slice %arg2[%dma_start3A_215, %dma_start3A_216] : memref<1007616x64xf32, #tpu.memory_space<hbm>> -> memref<1007616x64xf32, #tpu.memory_space<hbm>>
      tpu.enqueue_indirect_dma source(%dma_start3A_217 : memref<1007616x64xf32, #tpu.memory_space<hbm>>) target(%dma_start3A_207 : memref<128x64xf32, #tpu.memory_space<vmem>>) offsets(%dma_start3A_214 : memref<128xi32, #tpu.memory_space<vmem>>) semaphore(%arg8 : memref<!tpu.dma_semaphore, #tpu.memory_space<semaphore_mem>>)
      %dma_wait3A = arith.constant 0 : i32
      %dma_wait3A_218 = arith.constant 0 : i32
      %dma_wait3A_219 = arith.constant 0 : i32
      %dma_wait3A_220 = arith.constant 0 : i32
      %dma_wait3A_221 = arith.constant 0 : i32
      %dma_wait3A_222 = tpu.memref_slice %arg6[%dma_wait3A_219, %dma_wait3A_220, %dma_wait3A_221] : memref<2x512x64xf32, #tpu.memory_space<vmem>> -> memref<1x512x64xf32, #tpu.memory_space<vmem>>
      %dma_wait3A_223 = tpu.memref_squeeze %dma_wait3A_222 : memref<1x512x64xf32, #tpu.memory_space<vmem>> -> memref<512x64xf32, #tpu.memory_space<vmem>>
      %dma_wait3A_224 = arith.constant 0 : i32
      %dma_wait3A_225 = arith.constant 0 : i32
      %dma_wait3A_226 = tpu.memref_slice %dma_wait3A_223[%dma_wait3A_224, %dma_wait3A_225] : memref<512x64xf32, #tpu.memory_space<vmem>> -> memref<128x64xf32, #tpu.memory_space<vmem>>
      %dma_wait3A_227 = arith.constant 0 : i32
      %dma_wait3A_228 = arith.constant 0 : i32
      %dma_wait3A_229 = tpu.memref_slice %arg5[%dma_wait3A, %dma_wait3A_227, %dma_wait3A_228] : memref<2x4x128xi32, #tpu.memory_space<vmem>> -> memref<1x4x128xi32, #tpu.memory_space<vmem>>
      %dma_wait3A_230 = tpu.memref_squeeze %dma_wait3A_229 : memref<1x4x128xi32, #tpu.memory_space<vmem>> -> memref<4x128xi32, #tpu.memory_space<vmem>>
      %dma_wait3A_231 = arith.constant 0 : i32
      %dma_wait3A_232 = tpu.memref_slice %dma_wait3A_230[%dma_wait3A_218, %dma_wait3A_231] : memref<4x128xi32, #tpu.memory_space<vmem>> -> memref<1x128xi32, #tpu.memory_space<vmem>>
      %dma_wait3A_233 = tpu.memref_squeeze %dma_wait3A_232 : memref<1x128xi32, #tpu.memory_space<vmem>> -> memref<128xi32, #tpu.memory_space<vmem>>
      %dma_wait3A_234 = arith.constant 0 : i32
      %dma_wait3A_235 = arith.constant 0 : i32
      %dma_wait3A_236 = tpu.memref_slice %arg2[%dma_wait3A_234, %dma_wait3A_235] : memref<1007616x64xf32, #tpu.memory_space<hbm>> -> memref<1007616x64xf32, #tpu.memory_space<hbm>>
      tpu.wait_indirect_dma semaphore(%arg7 : memref<!tpu.dma_semaphore, #tpu.memory_space<semaphore_mem>>) src(%dma_wait3A_236 : memref<1007616x64xf32, #tpu.memory_space<hbm>>) dst(%dma_wait3A_226 : memref<128x64xf32, #tpu.memory_space<vmem>>)
      %dma_wait3A_237 = arith.constant 0 : i32
      %dma_wait3A_238 = arith.constant 1 : i32
      %dma_wait3A_239 = arith.constant 0 : i32
      %dma_wait3A_240 = arith.constant 0 : i32
      %dma_wait3A_241 = arith.constant 0 : i32
      %dma_wait3A_242 = tpu.memref_slice %arg6[%dma_wait3A_239, %dma_wait3A_240, %dma_wait3A_241] : memref<2x512x64xf32, #tpu.memory_space<vmem>> -> memref<1x512x64xf32, #tpu.memory_space<vmem>>
      %dma_wait3A_243 = tpu.memref_squeeze %dma_wait3A_242 : memref<1x512x64xf32, #tpu.memory_space<vmem>> -> memref<512x64xf32, #tpu.memory_space<vmem>>
      %dma_wait3A_244 = arith.constant 128 : i32
      %dma_wait3A_245 = arith.constant 0 : i32
      %dma_wait3A_246 = tpu.memref_slice %dma_wait3A_243[%dma_wait3A_244, %dma_wait3A_245] : memref<512x64xf32, #tpu.memory_space<vmem>> -> memref<128x64xf32, #tpu.memory_space<vmem>>
      %dma_wait3A_247 = arith.constant 0 : i32
      %dma_wait3A_248 = arith.constant 0 : i32
      %dma_wait3A_249 = tpu.memref_slice %arg5[%dma_wait3A_237, %dma_wait3A_247, %dma_wait3A_248] : memref<2x4x128xi32, #tpu.memory_space<vmem>> -> memref<1x4x128xi32, #tpu.memory_space<vmem>>
      %dma_wait3A_250 = tpu.memref_squeeze %dma_wait3A_249 : memref<1x4x128xi32, #tpu.memory_space<vmem>> -> memref<4x128xi32, #tpu.memory_space<vmem>>
      %dma_wait3A_251 = arith.constant 0 : i32
      %dma_wait3A_252 = tpu.memref_slice %dma_wait3A_250[%dma_wait3A_238, %dma_wait3A_251] : memref<4x128xi32, #tpu.memory_space<vmem>> -> memref<1x128xi32, #tpu.memory_space<vmem>>
      %dma_wait3A_253 = tpu.memref_squeeze %dma_wait3A_252 : memref<1x128xi32, #tpu.memory_space<vmem>> -> memref<128xi32, #tpu.memory_space<vmem>>
      %dma_wait3A_254 = arith.constant 0 : i32
      %dma_wait3A_255 = arith.constant 0 : i32
      %dma_wait3A_256 = tpu.memref_slice %arg2[%dma_wait3A_254, %dma_wait3A_255] : memref<1007616x64xf32, #tpu.memory_space<hbm>> -> memref<1007616x64xf32, #tpu.memory_space<hbm>>
      tpu.wait_indirect_dma semaphore(%arg7 : memref<!tpu.dma_semaphore, #tpu.memory_space<semaphore_mem>>) src(%dma_wait3A_256 : memref<1007616x64xf32, #tpu.memory_space<hbm>>) dst(%dma_wait3A_246 : memref<128x64xf32, #tpu.memory_space<vmem>>)
      %dma_wait3A_257 = arith.constant 0 : i32
      %dma_wait3A_258 = arith.constant 2 : i32
      %dma_wait3A_259 = arith.constant 0 : i32
      %dma_wait3A_260 = arith.constant 0 : i32
      %dma_wait3A_261 = arith.constant 0 : i32
      %dma_wait3A_262 = tpu.memref_slice %arg6[%dma_wait3A_259, %dma_wait3A_260, %dma_wait3A_261] : memref<2x512x64xf32, #tpu.memory_space<vmem>> -> memref<1x512x64xf32, #tpu.memory_space<vmem>>
      %dma_wait3A_263 = tpu.memref_squeeze %dma_wait3A_262 : memref<1x512x64xf32, #tpu.memory_space<vmem>> -> memref<512x64xf32, #tpu.memory_space<vmem>>
      %dma_wait3A_264 = arith.constant 256 : i32
      %dma_wait3A_265 = arith.constant 0 : i32
      %dma_wait3A_266 = tpu.memref_slice %dma_wait3A_263[%dma_wait3A_264, %dma_wait3A_265] : memref<512x64xf32, #tpu.memory_space<vmem>> -> memref<128x64xf32, #tpu.memory_space<vmem>>
      %dma_wait3A_267 = arith.constant 0 : i32
      %dma_wait3A_268 = arith.constant 0 : i32
      %dma_wait3A_269 = tpu.memref_slice %arg5[%dma_wait3A_257, %dma_wait3A_267, %dma_wait3A_268] : memref<2x4x128xi32, #tpu.memory_space<vmem>> -> memref<1x4x128xi32, #tpu.memory_space<vmem>>
      %dma_wait3A_270 = tpu.memref_squeeze %dma_wait3A_269 : memref<1x4x128xi32, #tpu.memory_space<vmem>> -> memref<4x128xi32, #tpu.memory_space<vmem>>
      %dma_wait3A_271 = arith.constant 0 : i32
      %dma_wait3A_272 = tpu.memref_slice %dma_wait3A_270[%dma_wait3A_258, %dma_wait3A_271] : memref<4x128xi32, #tpu.memory_space<vmem>> -> memref<1x128xi32, #tpu.memory_space<vmem>>
      %dma_wait3A_273 = tpu.memref_squeeze %dma_wait3A_272 : memref<1x128xi32, #tpu.memory_space<vmem>> -> memref<128xi32, #tpu.memory_space<vmem>>
      %dma_wait3A_274 = arith.constant 0 : i32
      %dma_wait3A_275 = arith.constant 0 : i32
      %dma_wait3A_276 = tpu.memref_slice %arg2[%dma_wait3A_274, %dma_wait3A_275] : memref<1007616x64xf32, #tpu.memory_space<hbm>> -> memref<1007616x64xf32, #tpu.memory_space<hbm>>
      tpu.wait_indirect_dma semaphore(%arg7 : memref<!tpu.dma_semaphore, #tpu.memory_space<semaphore_mem>>) src(%dma_wait3A_276 : memref<1007616x64xf32, #tpu.memory_space<hbm>>) dst(%dma_wait3A_266 : memref<128x64xf32, #tpu.memory_space<vmem>>)
      %dma_wait3A_277 = arith.constant 0 : i32
      %dma_wait3A_278 = arith.constant 3 : i32
      %dma_wait3A_279 = arith.constant 0 : i32
      %dma_wait3A_280 = arith.constant 0 : i32
      %dma_wait3A_281 = arith.constant 0 : i32
      %dma_wait3A_282 = tpu.memref_slice %arg6[%dma_wait3A_279, %dma_wait3A_280, %dma_wait3A_281] : memref<2x512x64xf32, #tpu.memory_space<vmem>> -> memref<1x512x64xf32, #tpu.memory_space<vmem>>
      %dma_wait3A_283 = tpu.memref_squeeze %dma_wait3A_282 : memref<1x512x64xf32, #tpu.memory_space<vmem>> -> memref<512x64xf32, #tpu.memory_space<vmem>>
      %dma_wait3A_284 = arith.constant 384 : i32
      %dma_wait3A_285 = arith.constant 0 : i32
      %dma_wait3A_286 = tpu.memref_slice %dma_wait3A_283[%dma_wait3A_284, %dma_wait3A_285] : memref<512x64xf32, #tpu.memory_space<vmem>> -> memref<128x64xf32, #tpu.memory_space<vmem>>
      %dma_wait3A_287 = arith.constant 0 : i32
      %dma_wait3A_288 = arith.constant 0 : i32
      %dma_wait3A_289 = tpu.memref_slice %arg5[%dma_wait3A_277, %dma_wait3A_287, %dma_wait3A_288] : memref<2x4x128xi32, #tpu.memory_space<vmem>> -> memref<1x4x128xi32, #tpu.memory_space<vmem>>
      %dma_wait3A_290 = tpu.memref_squeeze %dma_wait3A_289 : memref<1x4x128xi32, #tpu.memory_space<vmem>> -> memref<4x128xi32, #tpu.memory_space<vmem>>
      %dma_wait3A_291 = arith.constant 0 : i32
      %dma_wait3A_292 = tpu.memref_slice %dma_wait3A_290[%dma_wait3A_278, %dma_wait3A_291] : memref<4x128xi32, #tpu.memory_space<vmem>> -> memref<1x128xi32, #tpu.memory_space<vmem>>
      %dma_wait3A_293 = tpu.memref_squeeze %dma_wait3A_292 : memref<1x128xi32, #tpu.memory_space<vmem>> -> memref<128xi32, #tpu.memory_space<vmem>>
      %dma_wait3A_294 = arith.constant 0 : i32
      %dma_wait3A_295 = arith.constant 0 : i32
      %dma_wait3A_296 = tpu.memref_slice %arg2[%dma_wait3A_294, %dma_wait3A_295] : memref<1007616x64xf32, #tpu.memory_space<hbm>> -> memref<1007616x64xf32, #tpu.memory_space<hbm>>
      tpu.wait_indirect_dma semaphore(%arg7 : memref<!tpu.dma_semaphore, #tpu.memory_space<semaphore_mem>>) src(%dma_wait3A_296 : memref<1007616x64xf32, #tpu.memory_space<hbm>>) dst(%dma_wait3A_286 : memref<128x64xf32, #tpu.memory_space<vmem>>)
      %mul3A_297 = arith.constant 512 : i32
      %mul3A_298 = arith.muli %mul3A_107, %mul3A_297 : i32
      %add3A_299 = arith.addi %mul3A_2, %mul3A_298 : i32
      %run_scoped3A_300 = arith.constant 0 : i32
      "tpu.region"() ({
        %run_scoped3A_391 = tpu.sem_alloc : memref<!tpu.dma_semaphore, #tpu.memory_space<semaphore_mem>>
        %dma_start3A_392 = arith.constant 0 : i32
        %dma_start3A_393 = arith.constant 0 : i32
        %dma_start3A_394 = tpu.memref_slice %arg6[%run_scoped3A_300, %dma_start3A_392, %dma_start3A_393] : memref<2x512x64xf32, #tpu.memory_space<vmem>> -> memref<1x512x64xf32, #tpu.memory_space<vmem>>
        %dma_start3A_395 = tpu.memref_squeeze %dma_start3A_394 : memref<1x512x64xf32, #tpu.memory_space<vmem>> -> memref<512x64xf32, #tpu.memory_space<vmem>>
        %dma_start3A_396 = arith.constant 0 : i32
        %dma_start3A_397 = tpu.memref_slice %arg4[%add3A_299, %dma_start3A_396] : memref<819200x64xf32, #tpu.memory_space<hbm>> -> memref<512x64xf32, #tpu.memory_space<hbm>>
        %dma_start3A_398 = arith.constant 0 : i32
        %dma_start3A_399 = tpu.memref_slice %arg4[%add3A_299, %dma_start3A_398] : memref<819200x64xf32, #tpu.memory_space<hbm>> -> memref<512x64xf32, #tpu.memory_space<hbm>>
        %dma_start3A_400 = arith.constant 0 : i32
        %dma_start3A_401 = arith.constant 0 : i32
        %dma_start3A_402 = tpu.memref_slice %arg6[%run_scoped3A_300, %dma_start3A_400, %dma_start3A_401] : memref<2x512x64xf32, #tpu.memory_space<vmem>> -> memref<1x512x64xf32, #tpu.memory_space<vmem>>
        %dma_start3A_403 = tpu.memref_squeeze %dma_start3A_402 : memref<1x512x64xf32, #tpu.memory_space<vmem>> -> memref<512x64xf32, #tpu.memory_space<vmem>>
        tpu.enqueue_dma source(%dma_start3A_403 : memref<512x64xf32, #tpu.memory_space<vmem>>) target(%dma_start3A_399 : memref<512x64xf32, #tpu.memory_space<hbm>>) target_semaphore(%run_scoped3A_391 : memref<!tpu.dma_semaphore, #tpu.memory_space<semaphore_mem>>)
        %dma_wait3A_404 = arith.constant 0 : i32
        %dma_wait3A_405 = arith.constant 0 : i32
        %dma_wait3A_406 = tpu.memref_slice %arg6[%run_scoped3A_300, %dma_wait3A_404, %dma_wait3A_405] : memref<2x512x64xf32, #tpu.memory_space<vmem>> -> memref<1x512x64xf32, #tpu.memory_space<vmem>>
        %dma_wait3A_407 = tpu.memref_squeeze %dma_wait3A_406 : memref<1x512x64xf32, #tpu.memory_space<vmem>> -> memref<512x64xf32, #tpu.memory_space<vmem>>
        %dma_wait3A_408 = arith.constant 0 : i32
        %dma_wait3A_409 = tpu.memref_slice %arg4[%add3A_299, %dma_wait3A_408] : memref<819200x64xf32, #tpu.memory_space<hbm>> -> memref<512x64xf32, #tpu.memory_space<hbm>>
        %dma_wait3A_410 = arith.constant 0 : i32
        %dma_wait3A_411 = tpu.memref_slice %arg4[%add3A_299, %dma_wait3A_410] : memref<819200x64xf32, #tpu.memory_space<hbm>> -> memref<512x64xf32, #tpu.memory_space<hbm>>
        %dma_wait3A_412 = arith.constant 0 : i32
        %dma_wait3A_413 = arith.constant 0 : i32
        %dma_wait3A_414 = tpu.memref_slice %arg6[%run_scoped3A_300, %dma_wait3A_412, %dma_wait3A_413] : memref<2x512x64xf32, #tpu.memory_space<vmem>> -> memref<1x512x64xf32, #tpu.memory_space<vmem>>
        %dma_wait3A_415 = tpu.memref_squeeze %dma_wait3A_414 : memref<1x512x64xf32, #tpu.memory_space<vmem>> -> memref<512x64xf32, #tpu.memory_space<vmem>>
        tpu.wait_dma2 semaphore(%run_scoped3A_391 : memref<!tpu.dma_semaphore, #tpu.memory_space<semaphore_mem>>) src(%dma_wait3A_415 : memref<512x64xf32, #tpu.memory_space<vmem>>) dst(%dma_wait3A_411 : memref<512x64xf32, #tpu.memory_space<hbm>>)
        tpu.yield
      }) : () -> ()
      %add3A_301 = arith.constant 1 : i32
      %add3A_302 = arith.addi %scan3A_105, %add3A_301 : i32
      %lt3A = arith.constant 25 : i32
      %lt3A_303 = arith.cmpi slt, %add3A_302, %lt3A : i32
      %convert_element_type3A = arith.extui %lt3A_303 : i1 to i32
      %cond3A = arith.constant 0 : i32
      %cond3A_304 = arith.cmpi ne, %convert_element_type3A, %cond3A : i32
      scf.if %cond3A_304 {
        %add3A_391 = arith.constant 2 : i32
        %add3A_392 = arith.addi %mul3A_107, %add3A_391 : i32
        %mul3A_393 = arith.constant 512 : i32
        %mul3A_394 = arith.muli %add3A_392, %mul3A_393 : i32
        %add3A_395 = arith.addi %mul3A_2, %mul3A_394 : i32
        %jit3A_396 = arith.constant 128 : i32
        %div3A_397 = arith.divsi %add3A_395, %jit3A_396 : i32
        %sign3A_398 = arith.constant 0 : i32
        %sign3A_399 = arith.cmpi sgt, %add3A_395, %sign3A_398 : i32
        %sign3A_400 = arith.extui %sign3A_399 : i1 to i32
        %sign3A_401 = arith.constant 0 : i32
        %sign3A_402 = arith.cmpi slt, %add3A_395, %sign3A_401 : i32
        %sign3A_403 = arith.extui %sign3A_402 : i1 to i32
        %sign3A_404 = arith.subi %sign3A_400, %sign3A_403 : i32
        %sign3A_405 = arith.constant 0 : i32
        %sign3A_406 = arith.cmpi sgt, %jit3A_396, %sign3A_405 : i32
        %sign3A_407 = arith.extui %sign3A_406 : i1 to i32
        %sign3A_408 = arith.constant 0 : i32
        %sign3A_409 = arith.cmpi slt, %jit3A_396, %sign3A_408 : i32
        %sign3A_410 = arith.extui %sign3A_409 : i1 to i32
        %sign3A_411 = arith.subi %sign3A_407, %sign3A_410 : i32
        %ne3A_412 = arith.cmpi ne, %sign3A_404, %sign3A_411 : i32
        %rem3A_413 = arith.remsi %add3A_395, %jit3A_396 : i32
        %ne3A_414 = arith.constant 0 : i32
        %ne3A_415 = arith.cmpi ne, %rem3A_413, %ne3A_414 : i32
        %and3A_416 = arith.andi %ne3A_412, %ne3A_415 : i1
        %sub3A_417 = arith.constant 1 : i32
        %sub3A_418 = arith.subi %div3A_397, %sub3A_417 : i32
        %select_n3A_419 = arith.select %and3A_416, %sub3A_418, %div3A_397 : i32
        %run_scoped3A_420 = arith.constant 0 : i32
        "tpu.region"() ({
          %run_scoped3A_501 = tpu.sem_alloc : memref<!tpu.dma_semaphore, #tpu.memory_space<semaphore_mem>>
          %dma_start3A_502 = arith.constant 0 : i32
          %dma_start3A_503 = arith.constant 0 : i32
          %dma_start3A_504 = tpu.memref_slice %arg5[%run_scoped3A_420, %dma_start3A_502, %dma_start3A_503] : memref<2x4x128xi32, #tpu.memory_space<vmem>> -> memref<1x4x128xi32, #tpu.memory_space<vmem>>
          %dma_start3A_505 = tpu.memref_squeeze %dma_start3A_504 : memref<1x4x128xi32, #tpu.memory_space<vmem>> -> memref<4x128xi32, #tpu.memory_space<vmem>>
          %dma_start3A_506 = arith.constant 0 : i32
          %dma_start3A_507 = tpu.memref_slice %arg3[%select_n3A_419, %dma_start3A_506] : memref<6400x128xi32, #tpu.memory_space<hbm>> -> memref<4x128xi32, #tpu.memory_space<hbm>>
          %dma_start3A_508 = arith.constant 0 : i32
          %dma_start3A_509 = arith.constant 0 : i32
          %dma_start3A_510 = tpu.memref_slice %arg5[%run_scoped3A_420, %dma_start3A_508, %dma_start3A_509] : memref<2x4x128xi32, #tpu.memory_space<vmem>> -> memref<1x4x128xi32, #tpu.memory_space<vmem>>
          %dma_start3A_511 = tpu.memref_squeeze %dma_start3A_510 : memref<1x4x128xi32, #tpu.memory_space<vmem>> -> memref<4x128xi32, #tpu.memory_space<vmem>>
          %dma_start3A_512 = arith.constant 0 : i32
          %dma_start3A_513 = tpu.memref_slice %arg3[%select_n3A_419, %dma_start3A_512] : memref<6400x128xi32, #tpu.memory_space<hbm>> -> memref<4x128xi32, #tpu.memory_space<hbm>>
          tpu.enqueue_dma source(%dma_start3A_513 : memref<4x128xi32, #tpu.memory_space<hbm>>) target(%dma_start3A_511 : memref<4x128xi32, #tpu.memory_space<vmem>>) target_semaphore(%run_scoped3A_501 : memref<!tpu.dma_semaphore, #tpu.memory_space<semaphore_mem>>)
          %dma_wait3A_514 = arith.constant 0 : i32
          %dma_wait3A_515 = arith.constant 0 : i32
          %dma_wait3A_516 = tpu.memref_slice %arg5[%run_scoped3A_420, %dma_wait3A_514, %dma_wait3A_515] : memref<2x4x128xi32, #tpu.memory_space<vmem>> -> memref<1x4x128xi32, #tpu.memory_space<vmem>>
          %dma_wait3A_517 = tpu.memref_squeeze %dma_wait3A_516 : memref<1x4x128xi32, #tpu.memory_space<vmem>> -> memref<4x128xi32, #tpu.memory_space<vmem>>
          %dma_wait3A_518 = arith.constant 0 : i32
          %dma_wait3A_519 = tpu.memref_slice %arg3[%select_n3A_419, %dma_wait3A_518] : memref<6400x128xi32, #tpu.memory_space<hbm>> -> memref<4x128xi32, #tpu.memory_space<hbm>>
          %dma_wait3A_520 = arith.constant 0 : i32
          %dma_wait3A_521 = arith.constant 0 : i32
          %dma_wait3A_522 = tpu.memref_slice %arg5[%run_scoped3A_420, %dma_wait3A_520, %dma_wait3A_521] : memref<2x4x128xi32, #tpu.memory_space<vmem>> -> memref<1x4x128xi32, #tpu.memory_space<vmem>>
          %dma_wait3A_523 = tpu.memref_squeeze %dma_wait3A_522 : memref<1x4x128xi32, #tpu.memory_space<vmem>> -> memref<4x128xi32, #tpu.memory_space<vmem>>
          %dma_wait3A_524 = arith.constant 0 : i32
          %dma_wait3A_525 = tpu.memref_slice %arg3[%select_n3A_419, %dma_wait3A_524] : memref<6400x128xi32, #tpu.memory_space<hbm>> -> memref<4x128xi32, #tpu.memory_space<hbm>>
          tpu.wait_dma2 semaphore(%run_scoped3A_501 : memref<!tpu.dma_semaphore, #tpu.memory_space<semaphore_mem>>) src(%dma_wait3A_525 : memref<4x128xi32, #tpu.memory_space<hbm>>) dst(%dma_wait3A_523 : memref<4x128xi32, #tpu.memory_space<vmem>>)
          tpu.yield
        }) : () -> ()
        %dma_start3A_421 = arith.constant 0 : i32
        %dma_start3A_422 = arith.constant 0 : i32
        %dma_start3A_423 = arith.constant 0 : i32
        %dma_start3A_424 = arith.constant 0 : i32
        %dma_start3A_425 = arith.constant 0 : i32
        %dma_start3A_426 = tpu.memref_slice %arg6[%dma_start3A_423, %dma_start3A_424, %dma_start3A_425] : memref<2x512x64xf32, #tpu.memory_space<vmem>> -> memref<1x512x64xf32, #tpu.memory_space<vmem>>
        %dma_start3A_427 = tpu.memref_squeeze %dma_start3A_426 : memref<1x512x64xf32, #tpu.memory_space<vmem>> -> memref<512x64xf32, #tpu.memory_space<vmem>>
        %dma_start3A_428 = arith.constant 0 : i32
        %dma_start3A_429 = arith.constant 0 : i32
        %dma_start3A_430 = tpu.memref_slice %dma_start3A_427[%dma_start3A_428, %dma_start3A_429] : memref<512x64xf32, #tpu.memory_space<vmem>> -> memref<128x64xf32, #tpu.memory_space<vmem>>
        %dma_start3A_431 = arith.constant 0 : i32
        %dma_start3A_432 = arith.constant 0 : i32
        %dma_start3A_433 = tpu.memref_slice %arg5[%dma_start3A_421, %dma_start3A_431, %dma_start3A_432] : memref<2x4x128xi32, #tpu.memory_space<vmem>> -> memref<1x4x128xi32, #tpu.memory_space<vmem>>
        %dma_start3A_434 = tpu.memref_squeeze %dma_start3A_433 : memref<1x4x128xi32, #tpu.memory_space<vmem>> -> memref<4x128xi32, #tpu.memory_space<vmem>>
        %dma_start3A_435 = arith.constant 0 : i32
        %dma_start3A_436 = tpu.memref_slice %dma_start3A_434[%dma_start3A_422, %dma_start3A_435] : memref<4x128xi32, #tpu.memory_space<vmem>> -> memref<1x128xi32, #tpu.memory_space<vmem>>
        %dma_start3A_437 = tpu.memref_squeeze %dma_start3A_436 : memref<1x128xi32, #tpu.memory_space<vmem>> -> memref<128xi32, #tpu.memory_space<vmem>>
        %dma_start3A_438 = arith.constant 0 : i32
        %dma_start3A_439 = arith.constant 0 : i32
        %dma_start3A_440 = tpu.memref_slice %arg2[%dma_start3A_438, %dma_start3A_439] : memref<1007616x64xf32, #tpu.memory_space<hbm>> -> memref<1007616x64xf32, #tpu.memory_space<hbm>>
        tpu.enqueue_indirect_dma source(%dma_start3A_440 : memref<1007616x64xf32, #tpu.memory_space<hbm>>) target(%dma_start3A_430 : memref<128x64xf32, #tpu.memory_space<vmem>>) offsets(%dma_start3A_437 : memref<128xi32, #tpu.memory_space<vmem>>) semaphore(%arg7 : memref<!tpu.dma_semaphore, #tpu.memory_space<semaphore_mem>>)
        %dma_start3A_441 = arith.constant 0 : i32
        %dma_start3A_442 = arith.constant 1 : i32
        %dma_start3A_443 = arith.constant 0 : i32
        %dma_start3A_444 = arith.constant 0 : i32
        %dma_start3A_445 = arith.constant 0 : i32
        %dma_start3A_446 = tpu.memref_slice %arg6[%dma_start3A_443, %dma_start3A_444, %dma_start3A_445] : memref<2x512x64xf32, #tpu.memory_space<vmem>> -> memref<1x512x64xf32, #tpu.memory_space<vmem>>
        %dma_start3A_447 = tpu.memref_squeeze %dma_start3A_446 : memref<1x512x64xf32, #tpu.memory_space<vmem>> -> memref<512x64xf32, #tpu.memory_space<vmem>>
        %dma_start3A_448 = arith.constant 128 : i32
        %dma_start3A_449 = arith.constant 0 : i32
        %dma_start3A_450 = tpu.memref_slice %dma_start3A_447[%dma_start3A_448, %dma_start3A_449] : memref<512x64xf32, #tpu.memory_space<vmem>> -> memref<128x64xf32, #tpu.memory_space<vmem>>
        %dma_start3A_451 = arith.constant 0 : i32
        %dma_start3A_452 = arith.constant 0 : i32
        %dma_start3A_453 = tpu.memref_slice %arg5[%dma_start3A_441, %dma_start3A_451, %dma_start3A_452] : memref<2x4x128xi32, #tpu.memory_space<vmem>> -> memref<1x4x128xi32, #tpu.memory_space<vmem>>
        %dma_start3A_454 = tpu.memref_squeeze %dma_start3A_453 : memref<1x4x128xi32, #tpu.memory_space<vmem>> -> memref<4x128xi32, #tpu.memory_space<vmem>>
        %dma_start3A_455 = arith.constant 0 : i32
        %dma_start3A_456 = tpu.memref_slice %dma_start3A_454[%dma_start3A_442, %dma_start3A_455] : memref<4x128xi32, #tpu.memory_space<vmem>> -> memref<1x128xi32, #tpu.memory_space<vmem>>
        %dma_start3A_457 = tpu.memref_squeeze %dma_start3A_456 : memref<1x128xi32, #tpu.memory_space<vmem>> -> memref<128xi32, #tpu.memory_space<vmem>>
        %dma_start3A_458 = arith.constant 0 : i32
        %dma_start3A_459 = arith.constant 0 : i32
        %dma_start3A_460 = tpu.memref_slice %arg2[%dma_start3A_458, %dma_start3A_459] : memref<1007616x64xf32, #tpu.memory_space<hbm>> -> memref<1007616x64xf32, #tpu.memory_space<hbm>>
        tpu.enqueue_indirect_dma source(%dma_start3A_460 : memref<1007616x64xf32, #tpu.memory_space<hbm>>) target(%dma_start3A_450 : memref<128x64xf32, #tpu.memory_space<vmem>>) offsets(%dma_start3A_457 : memref<128xi32, #tpu.memory_space<vmem>>) semaphore(%arg7 : memref<!tpu.dma_semaphore, #tpu.memory_space<semaphore_mem>>)
        %dma_start3A_461 = arith.constant 0 : i32
        %dma_start3A_462 = arith.constant 2 : i32
        %dma_start3A_463 = arith.constant 0 : i32
        %dma_start3A_464 = arith.constant 0 : i32
        %dma_start3A_465 = arith.constant 0 : i32
        %dma_start3A_466 = tpu.memref_slice %arg6[%dma_start3A_463, %dma_start3A_464, %dma_start3A_465] : memref<2x512x64xf32, #tpu.memory_space<vmem>> -> memref<1x512x64xf32, #tpu.memory_space<vmem>>
        %dma_start3A_467 = tpu.memref_squeeze %dma_start3A_466 : memref<1x512x64xf32, #tpu.memory_space<vmem>> -> memref<512x64xf32, #tpu.memory_space<vmem>>
        %dma_start3A_468 = arith.constant 256 : i32
        %dma_start3A_469 = arith.constant 0 : i32
        %dma_start3A_470 = tpu.memref_slice %dma_start3A_467[%dma_start3A_468, %dma_start3A_469] : memref<512x64xf32, #tpu.memory_space<vmem>> -> memref<128x64xf32, #tpu.memory_space<vmem>>
        %dma_start3A_471 = arith.constant 0 : i32
        %dma_start3A_472 = arith.constant 0 : i32
        %dma_start3A_473 = tpu.memref_slice %arg5[%dma_start3A_461, %dma_start3A_471, %dma_start3A_472] : memref<2x4x128xi32, #tpu.memory_space<vmem>> -> memref<1x4x128xi32, #tpu.memory_space<vmem>>
        %dma_start3A_474 = tpu.memref_squeeze %dma_start3A_473 : memref<1x4x128xi32, #tpu.memory_space<vmem>> -> memref<4x128xi32, #tpu.memory_space<vmem>>
        %dma_start3A_475 = arith.constant 0 : i32
        %dma_start3A_476 = tpu.memref_slice %dma_start3A_474[%dma_start3A_462, %dma_start3A_475] : memref<4x128xi32, #tpu.memory_space<vmem>> -> memref<1x128xi32, #tpu.memory_space<vmem>>
        %dma_start3A_477 = tpu.memref_squeeze %dma_start3A_476 : memref<1x128xi32, #tpu.memory_space<vmem>> -> memref<128xi32, #tpu.memory_space<vmem>>
        %dma_start3A_478 = arith.constant 0 : i32
        %dma_start3A_479 = arith.constant 0 : i32
        %dma_start3A_480 = tpu.memref_slice %arg2[%dma_start3A_478, %dma_start3A_479] : memref<1007616x64xf32, #tpu.memory_space<hbm>> -> memref<1007616x64xf32, #tpu.memory_space<hbm>>
        tpu.enqueue_indirect_dma source(%dma_start3A_480 : memref<1007616x64xf32, #tpu.memory_space<hbm>>) target(%dma_start3A_470 : memref<128x64xf32, #tpu.memory_space<vmem>>) offsets(%dma_start3A_477 : memref<128xi32, #tpu.memory_space<vmem>>) semaphore(%arg7 : memref<!tpu.dma_semaphore, #tpu.memory_space<semaphore_mem>>)
        %dma_start3A_481 = arith.constant 0 : i32
        %dma_start3A_482 = arith.constant 3 : i32
        %dma_start3A_483 = arith.constant 0 : i32
        %dma_start3A_484 = arith.constant 0 : i32
        %dma_start3A_485 = arith.constant 0 : i32
        %dma_start3A_486 = tpu.memref_slice %arg6[%dma_start3A_483, %dma_start3A_484, %dma_start3A_485] : memref<2x512x64xf32, #tpu.memory_space<vmem>> -> memref<1x512x64xf32, #tpu.memory_space<vmem>>
        %dma_start3A_487 = tpu.memref_squeeze %dma_start3A_486 : memref<1x512x64xf32, #tpu.memory_space<vmem>> -> memref<512x64xf32, #tpu.memory_space<vmem>>
        %dma_start3A_488 = arith.constant 384 : i32
        %dma_start3A_489 = arith.constant 0 : i32
        %dma_start3A_490 = tpu.memref_slice %dma_start3A_487[%dma_start3A_488, %dma_start3A_489] : memref<512x64xf32, #tpu.memory_space<vmem>> -> memref<128x64xf32, #tpu.memory_space<vmem>>
        %dma_start3A_491 = arith.constant 0 : i32
        %dma_start3A_492 = arith.constant 0 : i32
        %dma_start3A_493 = tpu.memref_slice %arg5[%dma_start3A_481, %dma_start3A_491, %dma_start3A_492] : memref<2x4x128xi32, #tpu.memory_space<vmem>> -> memref<1x4x128xi32, #tpu.memory_space<vmem>>
        %dma_start3A_494 = tpu.memref_squeeze %dma_start3A_493 : memref<1x4x128xi32, #tpu.memory_space<vmem>> -> memref<4x128xi32, #tpu.memory_space<vmem>>
        %dma_start3A_495 = arith.constant 0 : i32
        %dma_start3A_496 = tpu.memref_slice %dma_start3A_494[%dma_start3A_482, %dma_start3A_495] : memref<4x128xi32, #tpu.memory_space<vmem>> -> memref<1x128xi32, #tpu.memory_space<vmem>>
        %dma_start3A_497 = tpu.memref_squeeze %dma_start3A_496 : memref<1x128xi32, #tpu.memory_space<vmem>> -> memref<128xi32, #tpu.memory_space<vmem>>
        %dma_start3A_498 = arith.constant 0 : i32
        %dma_start3A_499 = arith.constant 0 : i32
        %dma_start3A_500 = tpu.memref_slice %arg2[%dma_start3A_498, %dma_start3A_499] : memref<1007616x64xf32, #tpu.memory_space<hbm>> -> memref<1007616x64xf32, #tpu.memory_space<hbm>>
        tpu.enqueue_indirect_dma source(%dma_start3A_500 : memref<1007616x64xf32, #tpu.memory_space<hbm>>) target(%dma_start3A_490 : memref<128x64xf32, #tpu.memory_space<vmem>>) offsets(%dma_start3A_497 : memref<128xi32, #tpu.memory_space<vmem>>) semaphore(%arg7 : memref<!tpu.dma_semaphore, #tpu.memory_space<semaphore_mem>>)
      } else {
      }
      %add3A_305 = arith.constant 1 : i32
      %add3A_306 = arith.addi %mul3A_107, %add3A_305 : i32
      %dma_wait3A_307 = arith.constant 1 : i32
      %dma_wait3A_308 = arith.constant 0 : i32
      %dma_wait3A_309 = arith.constant 1 : i32
      %dma_wait3A_310 = arith.constant 0 : i32
      %dma_wait3A_311 = arith.constant 0 : i32
      %dma_wait3A_312 = tpu.memref_slice %arg6[%dma_wait3A_309, %dma_wait3A_310, %dma_wait3A_311] : memref<2x512x64xf32, #tpu.memory_space<vmem>> -> memref<1x512x64xf32, #tpu.memory_space<vmem>>
      %dma_wait3A_313 = tpu.memref_squeeze %dma_wait3A_312 : memref<1x512x64xf32, #tpu.memory_space<vmem>> -> memref<512x64xf32, #tpu.memory_space<vmem>>
      %dma_wait3A_314 = arith.constant 0 : i32
      %dma_wait3A_315 = arith.constant 0 : i32
      %dma_wait3A_316 = tpu.memref_slice %dma_wait3A_313[%dma_wait3A_314, %dma_wait3A_315] : memref<512x64xf32, #tpu.memory_space<vmem>> -> memref<128x64xf32, #tpu.memory_space<vmem>>
      %dma_wait3A_317 = arith.constant 0 : i32
      %dma_wait3A_318 = arith.constant 0 : i32
      %dma_wait3A_319 = tpu.memref_slice %arg5[%dma_wait3A_307, %dma_wait3A_317, %dma_wait3A_318] : memref<2x4x128xi32, #tpu.memory_space<vmem>> -> memref<1x4x128xi32, #tpu.memory_space<vmem>>
      %dma_wait3A_320 = tpu.memref_squeeze %dma_wait3A_319 : memref<1x4x128xi32, #tpu.memory_space<vmem>> -> memref<4x128xi32, #tpu.memory_space<vmem>>
      %dma_wait3A_321 = arith.constant 0 : i32
      %dma_wait3A_322 = tpu.memref_slice %dma_wait3A_320[%dma_wait3A_308, %dma_wait3A_321] : memref<4x128xi32, #tpu.memory_space<vmem>> -> memref<1x128xi32, #tpu.memory_space<vmem>>
      %dma_wait3A_323 = tpu.memref_squeeze %dma_wait3A_322 : memref<1x128xi32, #tpu.memory_space<vmem>> -> memref<128xi32, #tpu.memory_space<vmem>>
      %dma_wait3A_324 = arith.constant 0 : i32
      %dma_wait3A_325 = arith.constant 0 : i32
      %dma_wait3A_326 = tpu.memref_slice %arg2[%dma_wait3A_324, %dma_wait3A_325] : memref<1007616x64xf32, #tpu.memory_space<hbm>> -> memref<1007616x64xf32, #tpu.memory_space<hbm>>
      tpu.wait_indirect_dma semaphore(%arg8 : memref<!tpu.dma_semaphore, #tpu.memory_space<semaphore_mem>>) src(%dma_wait3A_326 : memref<1007616x64xf32, #tpu.memory_space<hbm>>) dst(%dma_wait3A_316 : memref<128x64xf32, #tpu.memory_space<vmem>>)
      %dma_wait3A_327 = arith.constant 1 : i32
      %dma_wait3A_328 = arith.constant 1 : i32
      %dma_wait3A_329 = arith.constant 1 : i32
      %dma_wait3A_330 = arith.constant 0 : i32
      %dma_wait3A_331 = arith.constant 0 : i32
      %dma_wait3A_332 = tpu.memref_slice %arg6[%dma_wait3A_329, %dma_wait3A_330, %dma_wait3A_331] : memref<2x512x64xf32, #tpu.memory_space<vmem>> -> memref<1x512x64xf32, #tpu.memory_space<vmem>>
      %dma_wait3A_333 = tpu.memref_squeeze %dma_wait3A_332 : memref<1x512x64xf32, #tpu.memory_space<vmem>> -> memref<512x64xf32, #tpu.memory_space<vmem>>
      %dma_wait3A_334 = arith.constant 128 : i32
      %dma_wait3A_335 = arith.constant 0 : i32
      %dma_wait3A_336 = tpu.memref_slice %dma_wait3A_333[%dma_wait3A_334, %dma_wait3A_335] : memref<512x64xf32, #tpu.memory_space<vmem>> -> memref<128x64xf32, #tpu.memory_space<vmem>>
      %dma_wait3A_337 = arith.constant 0 : i32
      %dma_wait3A_338 = arith.constant 0 : i32
      %dma_wait3A_339 = tpu.memref_slice %arg5[%dma_wait3A_327, %dma_wait3A_337, %dma_wait3A_338] : memref<2x4x128xi32, #tpu.memory_space<vmem>> -> memref<1x4x128xi32, #tpu.memory_space<vmem>>
      %dma_wait3A_340 = tpu.memref_squeeze %dma_wait3A_339 : memref<1x4x128xi32, #tpu.memory_space<vmem>> -> memref<4x128xi32, #tpu.memory_space<vmem>>
      %dma_wait3A_341 = arith.constant 0 : i32
      %dma_wait3A_342 = tpu.memref_slice %dma_wait3A_340[%dma_wait3A_328, %dma_wait3A_341] : memref<4x128xi32, #tpu.memory_space<vmem>> -> memref<1x128xi32, #tpu.memory_space<vmem>>
      %dma_wait3A_343 = tpu.memref_squeeze %dma_wait3A_342 : memref<1x128xi32, #tpu.memory_space<vmem>> -> memref<128xi32, #tpu.memory_space<vmem>>
      %dma_wait3A_344 = arith.constant 0 : i32
      %dma_wait3A_345 = arith.constant 0 : i32
      %dma_wait3A_346 = tpu.memref_slice %arg2[%dma_wait3A_344, %dma_wait3A_345] : memref<1007616x64xf32, #tpu.memory_space<hbm>> -> memref<1007616x64xf32, #tpu.memory_space<hbm>>
      tpu.wait_indirect_dma semaphore(%arg8 : memref<!tpu.dma_semaphore, #tpu.memory_space<semaphore_mem>>) src(%dma_wait3A_346 : memref<1007616x64xf32, #tpu.memory_space<hbm>>) dst(%dma_wait3A_336 : memref<128x64xf32, #tpu.memory_space<vmem>>)
      %dma_wait3A_347 = arith.constant 1 : i32
      %dma_wait3A_348 = arith.constant 2 : i32
      %dma_wait3A_349 = arith.constant 1 : i32
      %dma_wait3A_350 = arith.constant 0 : i32
      %dma_wait3A_351 = arith.constant 0 : i32
      %dma_wait3A_352 = tpu.memref_slice %arg6[%dma_wait3A_349, %dma_wait3A_350, %dma_wait3A_351] : memref<2x512x64xf32, #tpu.memory_space<vmem>> -> memref<1x512x64xf32, #tpu.memory_space<vmem>>
      %dma_wait3A_353 = tpu.memref_squeeze %dma_wait3A_352 : memref<1x512x64xf32, #tpu.memory_space<vmem>> -> memref<512x64xf32, #tpu.memory_space<vmem>>
      %dma_wait3A_354 = arith.constant 256 : i32
      %dma_wait3A_355 = arith.constant 0 : i32
      %dma_wait3A_356 = tpu.memref_slice %dma_wait3A_353[%dma_wait3A_354, %dma_wait3A_355] : memref<512x64xf32, #tpu.memory_space<vmem>> -> memref<128x64xf32, #tpu.memory_space<vmem>>
      %dma_wait3A_357 = arith.constant 0 : i32
      %dma_wait3A_358 = arith.constant 0 : i32
      %dma_wait3A_359 = tpu.memref_slice %arg5[%dma_wait3A_347, %dma_wait3A_357, %dma_wait3A_358] : memref<2x4x128xi32, #tpu.memory_space<vmem>> -> memref<1x4x128xi32, #tpu.memory_space<vmem>>
      %dma_wait3A_360 = tpu.memref_squeeze %dma_wait3A_359 : memref<1x4x128xi32, #tpu.memory_space<vmem>> -> memref<4x128xi32, #tpu.memory_space<vmem>>
      %dma_wait3A_361 = arith.constant 0 : i32
      %dma_wait3A_362 = tpu.memref_slice %dma_wait3A_360[%dma_wait3A_348, %dma_wait3A_361] : memref<4x128xi32, #tpu.memory_space<vmem>> -> memref<1x128xi32, #tpu.memory_space<vmem>>
      %dma_wait3A_363 = tpu.memref_squeeze %dma_wait3A_362 : memref<1x128xi32, #tpu.memory_space<vmem>> -> memref<128xi32, #tpu.memory_space<vmem>>
      %dma_wait3A_364 = arith.constant 0 : i32
      %dma_wait3A_365 = arith.constant 0 : i32
      %dma_wait3A_366 = tpu.memref_slice %arg2[%dma_wait3A_364, %dma_wait3A_365] : memref<1007616x64xf32, #tpu.memory_space<hbm>> -> memref<1007616x64xf32, #tpu.memory_space<hbm>>
      tpu.wait_indirect_dma semaphore(%arg8 : memref<!tpu.dma_semaphore, #tpu.memory_space<semaphore_mem>>) src(%dma_wait3A_366 : memref<1007616x64xf32, #tpu.memory_space<hbm>>) dst(%dma_wait3A_356 : memref<128x64xf32, #tpu.memory_space<vmem>>)
      %dma_wait3A_367 = arith.constant 1 : i32
      %dma_wait3A_368 = arith.constant 3 : i32
      %dma_wait3A_369 = arith.constant 1 : i32
      %dma_wait3A_370 = arith.constant 0 : i32
      %dma_wait3A_371 = arith.constant 0 : i32
      %dma_wait3A_372 = tpu.memref_slice %arg6[%dma_wait3A_369, %dma_wait3A_370, %dma_wait3A_371] : memref<2x512x64xf32, #tpu.memory_space<vmem>> -> memref<1x512x64xf32, #tpu.memory_space<vmem>>
      %dma_wait3A_373 = tpu.memref_squeeze %dma_wait3A_372 : memref<1x512x64xf32, #tpu.memory_space<vmem>> -> memref<512x64xf32, #tpu.memory_space<vmem>>
      %dma_wait3A_374 = arith.constant 384 : i32
      %dma_wait3A_375 = arith.constant 0 : i32
      %dma_wait3A_376 = tpu.memref_slice %dma_wait3A_373[%dma_wait3A_374, %dma_wait3A_375] : memref<512x64xf32, #tpu.memory_space<vmem>> -> memref<128x64xf32, #tpu.memory_space<vmem>>
      %dma_wait3A_377 = arith.constant 0 : i32
      %dma_wait3A_378 = arith.constant 0 : i32
      %dma_wait3A_379 = tpu.memref_slice %arg5[%dma_wait3A_367, %dma_wait3A_377, %dma_wait3A_378] : memref<2x4x128xi32, #tpu.memory_space<vmem>> -> memref<1x4x128xi32, #tpu.memory_space<vmem>>
      %dma_wait3A_380 = tpu.memref_squeeze %dma_wait3A_379 : memref<1x4x128xi32, #tpu.memory_space<vmem>> -> memref<4x128xi32, #tpu.memory_space<vmem>>
      %dma_wait3A_381 = arith.constant 0 : i32
      %dma_wait3A_382 = tpu.memref_slice %dma_wait3A_380[%dma_wait3A_368, %dma_wait3A_381] : memref<4x128xi32, #tpu.memory_space<vmem>> -> memref<1x128xi32, #tpu.memory_space<vmem>>
      %dma_wait3A_383 = tpu.memref_squeeze %dma_wait3A_382 : memref<1x128xi32, #tpu.memory_space<vmem>> -> memref<128xi32, #tpu.memory_space<vmem>>
      %dma_wait3A_384 = arith.constant 0 : i32
      %dma_wait3A_385 = arith.constant 0 : i32
      %dma_wait3A_386 = tpu.memref_slice %arg2[%dma_wait3A_384, %dma_wait3A_385] : memref<1007616x64xf32, #tpu.memory_space<hbm>> -> memref<1007616x64xf32, #tpu.memory_space<hbm>>
      tpu.wait_indirect_dma semaphore(%arg8 : memref<!tpu.dma_semaphore, #tpu.memory_space<semaphore_mem>>) src(%dma_wait3A_386 : memref<1007616x64xf32, #tpu.memory_space<hbm>>) dst(%dma_wait3A_376 : memref<128x64xf32, #tpu.memory_space<vmem>>)
      %mul3A_387 = arith.constant 512 : i32
      %mul3A_388 = arith.muli %add3A_306, %mul3A_387 : i32
      %add3A_389 = arith.addi %mul3A_2, %mul3A_388 : i32
      %run_scoped3A_390 = arith.constant 1 : i32
      "tpu.region"() ({
        %run_scoped3A_391 = tpu.sem_alloc : memref<!tpu.dma_semaphore, #tpu.memory_space<semaphore_mem>>
        %dma_start3A_392 = arith.constant 0 : i32
        %dma_start3A_393 = arith.constant 0 : i32
        %dma_start3A_394 = tpu.memref_slice %arg6[%run_scoped3A_390, %dma_start3A_392, %dma_start3A_393] : memref<2x512x64xf32, #tpu.memory_space<vmem>> -> memref<1x512x64xf32, #tpu.memory_space<vmem>>
        %dma_start3A_395 = tpu.memref_squeeze %dma_start3A_394 : memref<1x512x64xf32, #tpu.memory_space<vmem>> -> memref<512x64xf32, #tpu.memory_space<vmem>>
        %dma_start3A_396 = arith.constant 0 : i32
        %dma_start3A_397 = tpu.memref_slice %arg4[%add3A_389, %dma_start3A_396] : memref<819200x64xf32, #tpu.memory_space<hbm>> -> memref<512x64xf32, #tpu.memory_space<hbm>>
        %dma_start3A_398 = arith.constant 0 : i32
        %dma_start3A_399 = tpu.memref_slice %arg4[%add3A_389, %dma_start3A_398] : memref<819200x64xf32, #tpu.memory_space<hbm>> -> memref<512x64xf32, #tpu.memory_space<hbm>>
        %dma_start3A_400 = arith.constant 0 : i32
        %dma_start3A_401 = arith.constant 0 : i32
        %dma_start3A_402 = tpu.memref_slice %arg6[%run_scoped3A_390, %dma_start3A_400, %dma_start3A_401] : memref<2x512x64xf32, #tpu.memory_space<vmem>> -> memref<1x512x64xf32, #tpu.memory_space<vmem>>
        %dma_start3A_403 = tpu.memref_squeeze %dma_start3A_402 : memref<1x512x64xf32, #tpu.memory_space<vmem>> -> memref<512x64xf32, #tpu.memory_space<vmem>>
        tpu.enqueue_dma source(%dma_start3A_403 : memref<512x64xf32, #tpu.memory_space<vmem>>) target(%dma_start3A_399 : memref<512x64xf32, #tpu.memory_space<hbm>>) target_semaphore(%run_scoped3A_391 : memref<!tpu.dma_semaphore, #tpu.memory_space<semaphore_mem>>)
        %dma_wait3A_404 = arith.constant 0 : i32
        %dma_wait3A_405 = arith.constant 0 : i32
        %dma_wait3A_406 = tpu.memref_slice %arg6[%run_scoped3A_390, %dma_wait3A_404, %dma_wait3A_405] : memref<2x512x64xf32, #tpu.memory_space<vmem>> -> memref<1x512x64xf32, #tpu.memory_space<vmem>>
        %dma_wait3A_407 = tpu.memref_squeeze %dma_wait3A_406 : memref<1x512x64xf32, #tpu.memory_space<vmem>> -> memref<512x64xf32, #tpu.memory_space<vmem>>
        %dma_wait3A_408 = arith.constant 0 : i32
        %dma_wait3A_409 = tpu.memref_slice %arg4[%add3A_389, %dma_wait3A_408] : memref<819200x64xf32, #tpu.memory_space<hbm>> -> memref<512x64xf32, #tpu.memory_space<hbm>>
        %dma_wait3A_410 = arith.constant 0 : i32
        %dma_wait3A_411 = tpu.memref_slice %arg4[%add3A_389, %dma_wait3A_410] : memref<819200x64xf32, #tpu.memory_space<hbm>> -> memref<512x64xf32, #tpu.memory_space<hbm>>
        %dma_wait3A_412 = arith.constant 0 : i32
        %dma_wait3A_413 = arith.constant 0 : i32
        %dma_wait3A_414 = tpu.memref_slice %arg6[%run_scoped3A_390, %dma_wait3A_412, %dma_wait3A_413] : memref<2x512x64xf32, #tpu.memory_space<vmem>> -> memref<1x512x64xf32, #tpu.memory_space<vmem>>
        %dma_wait3A_415 = tpu.memref_squeeze %dma_wait3A_414 : memref<1x512x64xf32, #tpu.memory_space<vmem>> -> memref<512x64xf32, #tpu.memory_space<vmem>>
        tpu.wait_dma2 semaphore(%run_scoped3A_391 : memref<!tpu.dma_semaphore, #tpu.memory_space<semaphore_mem>>) src(%dma_wait3A_415 : memref<512x64xf32, #tpu.memory_space<vmem>>) dst(%dma_wait3A_411 : memref<512x64xf32, #tpu.memory_space<hbm>>)
        tpu.yield
      }) : () -> ()
    }
    %scan3A_104 = arith.constant 25 : i32
    return
  }
}

#map = affine_map<(d0, d1) -> (0, 0)>
module attributes {stable_mosaic.version = 14 : i64} {
  func.func @gather_k(%arg0: i32, %arg1: i32, %arg2: memref<1007616x64xf32, #tpu.memory_space<hbm>>, %arg3: memref<6400x128xi32, #tpu.memory_space<hbm>>, %arg4: memref<819200x64xf32, #tpu.memory_space<hbm>>, %arg5: memref<2x4x128xi32, #tpu.memory_space<vmem>>, %arg6: memref<2x512x64xf32, #tpu.memory_space<vmem>>, %arg7: memref<!tpu.dma_semaphore, #tpu.memory_space<semaphore_mem>>, %arg8: memref<!tpu.dma_semaphore, #tpu.memory_space<semaphore_mem>>) attributes {dimension_semantics = [#tpu.dimension_semantics<core_parallel>, #tpu.dimension_semantics<subcore_parallel>], iteration_bounds = array<i64: 2, 16>, scalar_prefetch = 0 : i64, scratch_operands = 4 : i64, tpu.core_type = #tpu.core_type<sc_vector_subcore>, window_params = [{transform_indices = #map}, {transform_indices = #map}, {transform_indices = #map}]} {
    %mul3A = arith.constant 2 : i32
    %mul3A_0 = arith.muli %arg1, %mul3A : i32
    %add3A = arith.addi %mul3A_0, %arg0 : i32
    %mul3A_1 = arith.constant 25600 : i32
    %mul3A_2 = arith.muli %add3A, %mul3A_1 : i32
    %add3A_3 = arith.constant 0 : i32
    %add3A_4 = arith.addi %mul3A_2, %add3A_3 : i32
    %jit3A = arith.constant 128 : i32
    %div3A = arith.divsi %add3A_4, %jit3A : i32
    %sign3A = arith.constant 0 : i32
    %sign3A_5 = arith.cmpi sgt, %add3A_4, %sign3A : i32
    %sign3A_6 = arith.extui %sign3A_5 : i1 to i32
    %sign3A_7 = arith.constant 0 : i32
    %sign3A_8 = arith.cmpi slt, %add3A_4, %sign3A_7 : i32
    %sign3A_9 = arith.extui %sign3A_8 : i1 to i32
    %sign3A_10 = arith.subi %sign3A_6, %sign3A_9 : i32
    %sign3A_11 = arith.constant 0 : i32
    %sign3A_12 = arith.cmpi sgt, %jit3A, %sign3A_11 : i32
    %sign3A_13 = arith.extui %sign3A_12 : i1 to i32
    %sign3A_14 = arith.constant 0 : i32
    %sign3A_15 = arith.cmpi slt, %jit3A, %sign3A_14 : i32
    %sign3A_16 = arith.extui %sign3A_15 : i1 to i32
    %sign3A_17 = arith.subi %sign3A_13, %sign3A_16 : i32
    %ne3A = arith.cmpi ne, %sign3A_10, %sign3A_17 : i32
    %rem3A = arith.remsi %add3A_4, %jit3A : i32
    %ne3A_18 = arith.constant 0 : i32
    %ne3A_19 = arith.cmpi ne, %rem3A, %ne3A_18 : i32
    %and3A = arith.andi %ne3A, %ne3A_19 : i1
    %sub3A = arith.constant 1 : i32
    %sub3A_20 = arith.subi %div3A, %sub3A : i32
    %select_n3A = arith.select %and3A, %sub3A_20, %div3A : i32
    %run_scoped3A = arith.constant 0 : i32
    "tpu.region"() ({
      %run_scoped3A_105 = tpu.sem_alloc : memref<!tpu.dma_semaphore, #tpu.memory_space<semaphore_mem>>
      %dma_start3A_106 = arith.constant 0 : i32
      %dma_start3A_107 = arith.constant 0 : i32
      %dma_start3A_108 = tpu.memref_slice %arg5[%run_scoped3A, %dma_start3A_106, %dma_start3A_107] : memref<2x4x128xi32, #tpu.memory_space<vmem>> -> memref<1x4x128xi32, #tpu.memory_space<vmem>>
      %dma_start3A_109 = tpu.memref_squeeze %dma_start3A_108 : memref<1x4x128xi32, #tpu.memory_space<vmem>> -> memref<4x128xi32, #tpu.memory_space<vmem>>
      %dma_start3A_110 = arith.constant 0 : i32
      %dma_start3A_111 = tpu.memref_slice %arg3[%select_n3A, %dma_start3A_110] : memref<6400x128xi32, #tpu.memory_space<hbm>> -> memref<4x128xi32, #tpu.memory_space<hbm>>
      %dma_start3A_112 = arith.constant 0 : i32
      %dma_start3A_113 = arith.constant 0 : i32
      %dma_start3A_114 = tpu.memref_slice %arg5[%run_scoped3A, %dma_start3A_112, %dma_start3A_113] : memref<2x4x128xi32, #tpu.memory_space<vmem>> -> memref<1x4x128xi32, #tpu.memory_space<vmem>>
      %dma_start3A_115 = tpu.memref_squeeze %dma_start3A_114 : memref<1x4x128xi32, #tpu.memory_space<vmem>> -> memref<4x128xi32, #tpu.memory_space<vmem>>
      %dma_start3A_116 = arith.constant 0 : i32
      %dma_start3A_117 = tpu.memref_slice %arg3[%select_n3A, %dma_start3A_116] : memref<6400x128xi32, #tpu.memory_space<hbm>> -> memref<4x128xi32, #tpu.memory_space<hbm>>
      tpu.enqueue_dma source(%dma_start3A_117 : memref<4x128xi32, #tpu.memory_space<hbm>>) target(%dma_start3A_115 : memref<4x128xi32, #tpu.memory_space<vmem>>) target_semaphore(%run_scoped3A_105 : memref<!tpu.dma_semaphore, #tpu.memory_space<semaphore_mem>>)
      %dma_wait3A = arith.constant 0 : i32
      %dma_wait3A_118 = arith.constant 0 : i32
      %dma_wait3A_119 = tpu.memref_slice %arg5[%run_scoped3A, %dma_wait3A, %dma_wait3A_118] : memref<2x4x128xi32, #tpu.memory_space<vmem>> -> memref<1x4x128xi32, #tpu.memory_space<vmem>>
      %dma_wait3A_120 = tpu.memref_squeeze %dma_wait3A_119 : memref<1x4x128xi32, #tpu.memory_space<vmem>> -> memref<4x128xi32, #tpu.memory_space<vmem>>
      %dma_wait3A_121 = arith.constant 0 : i32
      %dma_wait3A_122 = tpu.memref_slice %arg3[%select_n3A, %dma_wait3A_121] : memref<6400x128xi32, #tpu.memory_space<hbm>> -> memref<4x128xi32, #tpu.memory_space<hbm>>
      %dma_wait3A_123 = arith.constant 0 : i32
      %dma_wait3A_124 = arith.constant 0 : i32
      %dma_wait3A_125 = tpu.memref_slice %arg5[%run_scoped3A, %dma_wait3A_123, %dma_wait3A_124] : memref<2x4x128xi32, #tpu.memory_space<vmem>> -> memref<1x4x128xi32, #tpu.memory_space<vmem>>
      %dma_wait3A_126 = tpu.memref_squeeze %dma_wait3A_125 : memref<1x4x128xi32, #tpu.memory_space<vmem>> -> memref<4x128xi32, #tpu.memory_space<vmem>>
      %dma_wait3A_127 = arith.constant 0 : i32
      %dma_wait3A_128 = tpu.memref_slice %arg3[%select_n3A, %dma_wait3A_127] : memref<6400x128xi32, #tpu.memory_space<hbm>> -> memref<4x128xi32, #tpu.memory_space<hbm>>
      tpu.wait_dma2 semaphore(%run_scoped3A_105 : memref<!tpu.dma_semaphore, #tpu.memory_space<semaphore_mem>>) src(%dma_wait3A_128 : memref<4x128xi32, #tpu.memory_space<hbm>>) dst(%dma_wait3A_126 : memref<4x128xi32, #tpu.memory_space<vmem>>)
      tpu.yield
    }) : () -> ()
    %dma_start3A = arith.constant 0 : i32
    %dma_start3A_21 = arith.constant 0 : i32
    %dma_start3A_22 = arith.constant 0 : i32
    %dma_start3A_23 = arith.constant 0 : i32
    %dma_start3A_24 = arith.constant 0 : i32
    %dma_start3A_25 = tpu.memref_slice %arg6[%dma_start3A_22, %dma_start3A_23, %dma_start3A_24] : memref<2x512x64xf32, #tpu.memory_space<vmem>> -> memref<1x512x64xf32, #tpu.memory_space<vmem>>
    %dma_start3A_26 = tpu.memref_squeeze %dma_start3A_25 : memref<1x512x64xf32, #tpu.memory_space<vmem>> -> memref<512x64xf32, #tpu.memory_space<vmem>>
    %dma_start3A_27 = arith.constant 0 : i32
    %dma_start3A_28 = arith.constant 0 : i32
    %dma_start3A_29 = tpu.memref_slice %dma_start3A_26[%dma_start3A_27, %dma_start3A_28] : memref<512x64xf32, #tpu.memory_space<vmem>> -> memref<128x64xf32, #tpu.memory_space<vmem>>
    %dma_start3A_30 = arith.constant 0 : i32
    %dma_start3A_31 = arith.constant 0 : i32
    %dma_start3A_32 = tpu.memref_slice %arg5[%dma_start3A, %dma_start3A_30, %dma_start3A_31] : memref<2x4x128xi32, #tpu.memory_space<vmem>> -> memref<1x4x128xi32, #tpu.memory_space<vmem>>
    %dma_start3A_33 = tpu.memref_squeeze %dma_start3A_32 : memref<1x4x128xi32, #tpu.memory_space<vmem>> -> memref<4x128xi32, #tpu.memory_space<vmem>>
    %dma_start3A_34 = arith.constant 0 : i32
    %dma_start3A_35 = tpu.memref_slice %dma_start3A_33[%dma_start3A_21, %dma_start3A_34] : memref<4x128xi32, #tpu.memory_space<vmem>> -> memref<1x128xi32, #tpu.memory_space<vmem>>
    %dma_start3A_36 = tpu.memref_squeeze %dma_start3A_35 : memref<1x128xi32, #tpu.memory_space<vmem>> -> memref<128xi32, #tpu.memory_space<vmem>>
    %dma_start3A_37 = arith.constant 0 : i32
    %dma_start3A_38 = arith.constant 0 : i32
    %dma_start3A_39 = tpu.memref_slice %arg2[%dma_start3A_37, %dma_start3A_38] : memref<1007616x64xf32, #tpu.memory_space<hbm>> -> memref<1007616x64xf32, #tpu.memory_space<hbm>>
    tpu.enqueue_indirect_dma source(%dma_start3A_39 : memref<1007616x64xf32, #tpu.memory_space<hbm>>) target(%dma_start3A_29 : memref<128x64xf32, #tpu.memory_space<vmem>>) offsets(%dma_start3A_36 : memref<128xi32, #tpu.memory_space<vmem>>) semaphore(%arg7 : memref<!tpu.dma_semaphore, #tpu.memory_space<semaphore_mem>>)
    %dma_start3A_40 = arith.constant 0 : i32
    %dma_start3A_41 = arith.constant 1 : i32
    %dma_start3A_42 = arith.constant 0 : i32
    %dma_start3A_43 = arith.constant 0 : i32
    %dma_start3A_44 = arith.constant 0 : i32
    %dma_start3A_45 = tpu.memref_slice %arg6[%dma_start3A_42, %dma_start3A_43, %dma_start3A_44] : memref<2x512x64xf32, #tpu.memory_space<vmem>> -> memref<1x512x64xf32, #tpu.memory_space<vmem>>
    %dma_start3A_46 = tpu.memref_squeeze %dma_start3A_45 : memref<1x512x64xf32, #tpu.memory_space<vmem>> -> memref<512x64xf32, #tpu.memory_space<vmem>>
    %dma_start3A_47 = arith.constant 128 : i32
    %dma_start3A_48 = arith.constant 0 : i32
    %dma_start3A_49 = tpu.memref_slice %dma_start3A_46[%dma_start3A_47, %dma_start3A_48] : memref<512x64xf32, #tpu.memory_space<vmem>> -> memref<128x64xf32, #tpu.memory_space<vmem>>
    %dma_start3A_50 = arith.constant 0 : i32
    %dma_start3A_51 = arith.constant 0 : i32
    %dma_start3A_52 = tpu.memref_slice %arg5[%dma_start3A_40, %dma_start3A_50, %dma_start3A_51] : memref<2x4x128xi32, #tpu.memory_space<vmem>> -> memref<1x4x128xi32, #tpu.memory_space<vmem>>
    %dma_start3A_53 = tpu.memref_squeeze %dma_start3A_52 : memref<1x4x128xi32, #tpu.memory_space<vmem>> -> memref<4x128xi32, #tpu.memory_space<vmem>>
    %dma_start3A_54 = arith.constant 0 : i32
    %dma_start3A_55 = tpu.memref_slice %dma_start3A_53[%dma_start3A_41, %dma_start3A_54] : memref<4x128xi32, #tpu.memory_space<vmem>> -> memref<1x128xi32, #tpu.memory_space<vmem>>
    %dma_start3A_56 = tpu.memref_squeeze %dma_start3A_55 : memref<1x128xi32, #tpu.memory_space<vmem>> -> memref<128xi32, #tpu.memory_space<vmem>>
    %dma_start3A_57 = arith.constant 0 : i32
    %dma_start3A_58 = arith.constant 0 : i32
    %dma_start3A_59 = tpu.memref_slice %arg2[%dma_start3A_57, %dma_start3A_58] : memref<1007616x64xf32, #tpu.memory_space<hbm>> -> memref<1007616x64xf32, #tpu.memory_space<hbm>>
    tpu.enqueue_indirect_dma source(%dma_start3A_59 : memref<1007616x64xf32, #tpu.memory_space<hbm>>) target(%dma_start3A_49 : memref<128x64xf32, #tpu.memory_space<vmem>>) offsets(%dma_start3A_56 : memref<128xi32, #tpu.memory_space<vmem>>) semaphore(%arg7 : memref<!tpu.dma_semaphore, #tpu.memory_space<semaphore_mem>>)
    %dma_start3A_60 = arith.constant 0 : i32
    %dma_start3A_61 = arith.constant 2 : i32
    %dma_start3A_62 = arith.constant 0 : i32
    %dma_start3A_63 = arith.constant 0 : i32
    %dma_start3A_64 = arith.constant 0 : i32
    %dma_start3A_65 = tpu.memref_slice %arg6[%dma_start3A_62, %dma_start3A_63, %dma_start3A_64] : memref<2x512x64xf32, #tpu.memory_space<vmem>> -> memref<1x512x64xf32, #tpu.memory_space<vmem>>
    %dma_start3A_66 = tpu.memref_squeeze %dma_start3A_65 : memref<1x512x64xf32, #tpu.memory_space<vmem>> -> memref<512x64xf32, #tpu.memory_space<vmem>>
    %dma_start3A_67 = arith.constant 256 : i32
    %dma_start3A_68 = arith.constant 0 : i32
    %dma_start3A_69 = tpu.memref_slice %dma_start3A_66[%dma_start3A_67, %dma_start3A_68] : memref<512x64xf32, #tpu.memory_space<vmem>> -> memref<128x64xf32, #tpu.memory_space<vmem>>
    %dma_start3A_70 = arith.constant 0 : i32
    %dma_start3A_71 = arith.constant 0 : i32
    %dma_start3A_72 = tpu.memref_slice %arg5[%dma_start3A_60, %dma_start3A_70, %dma_start3A_71] : memref<2x4x128xi32, #tpu.memory_space<vmem>> -> memref<1x4x128xi32, #tpu.memory_space<vmem>>
    %dma_start3A_73 = tpu.memref_squeeze %dma_start3A_72 : memref<1x4x128xi32, #tpu.memory_space<vmem>> -> memref<4x128xi32, #tpu.memory_space<vmem>>
    %dma_start3A_74 = arith.constant 0 : i32
    %dma_start3A_75 = tpu.memref_slice %dma_start3A_73[%dma_start3A_61, %dma_start3A_74] : memref<4x128xi32, #tpu.memory_space<vmem>> -> memref<1x128xi32, #tpu.memory_space<vmem>>
    %dma_start3A_76 = tpu.memref_squeeze %dma_start3A_75 : memref<1x128xi32, #tpu.memory_space<vmem>> -> memref<128xi32, #tpu.memory_space<vmem>>
    %dma_start3A_77 = arith.constant 0 : i32
    %dma_start3A_78 = arith.constant 0 : i32
    %dma_start3A_79 = tpu.memref_slice %arg2[%dma_start3A_77, %dma_start3A_78] : memref<1007616x64xf32, #tpu.memory_space<hbm>> -> memref<1007616x64xf32, #tpu.memory_space<hbm>>
    tpu.enqueue_indirect_dma source(%dma_start3A_79 : memref<1007616x64xf32, #tpu.memory_space<hbm>>) target(%dma_start3A_69 : memref<128x64xf32, #tpu.memory_space<vmem>>) offsets(%dma_start3A_76 : memref<128xi32, #tpu.memory_space<vmem>>) semaphore(%arg7 : memref<!tpu.dma_semaphore, #tpu.memory_space<semaphore_mem>>)
    %dma_start3A_80 = arith.constant 0 : i32
    %dma_start3A_81 = arith.constant 3 : i32
    %dma_start3A_82 = arith.constant 0 : i32
    %dma_start3A_83 = arith.constant 0 : i32
    %dma_start3A_84 = arith.constant 0 : i32
    %dma_start3A_85 = tpu.memref_slice %arg6[%dma_start3A_82, %dma_start3A_83, %dma_start3A_84] : memref<2x512x64xf32, #tpu.memory_space<vmem>> -> memref<1x512x64xf32, #tpu.memory_space<vmem>>
    %dma_start3A_86 = tpu.memref_squeeze %dma_start3A_85 : memref<1x512x64xf32, #tpu.memory_space<vmem>> -> memref<512x64xf32, #tpu.memory_space<vmem>>
    %dma_start3A_87 = arith.constant 384 : i32
    %dma_start3A_88 = arith.constant 0 : i32
    %dma_start3A_89 = tpu.memref_slice %dma_start3A_86[%dma_start3A_87, %dma_start3A_88] : memref<512x64xf32, #tpu.memory_space<vmem>> -> memref<128x64xf32, #tpu.memory_space<vmem>>
    %dma_start3A_90 = arith.constant 0 : i32
    %dma_start3A_91 = arith.constant 0 : i32
    %dma_start3A_92 = tpu.memref_slice %arg5[%dma_start3A_80, %dma_start3A_90, %dma_start3A_91] : memref<2x4x128xi32, #tpu.memory_space<vmem>> -> memref<1x4x128xi32, #tpu.memory_space<vmem>>
    %dma_start3A_93 = tpu.memref_squeeze %dma_start3A_92 : memref<1x4x128xi32, #tpu.memory_space<vmem>> -> memref<4x128xi32, #tpu.memory_space<vmem>>
    %dma_start3A_94 = arith.constant 0 : i32
    %dma_start3A_95 = tpu.memref_slice %dma_start3A_93[%dma_start3A_81, %dma_start3A_94] : memref<4x128xi32, #tpu.memory_space<vmem>> -> memref<1x128xi32, #tpu.memory_space<vmem>>
    %dma_start3A_96 = tpu.memref_squeeze %dma_start3A_95 : memref<1x128xi32, #tpu.memory_space<vmem>> -> memref<128xi32, #tpu.memory_space<vmem>>
    %dma_start3A_97 = arith.constant 0 : i32
    %dma_start3A_98 = arith.constant 0 : i32
    %dma_start3A_99 = tpu.memref_slice %arg2[%dma_start3A_97, %dma_start3A_98] : memref<1007616x64xf32, #tpu.memory_space<hbm>> -> memref<1007616x64xf32, #tpu.memory_space<hbm>>
    tpu.enqueue_indirect_dma source(%dma_start3A_99 : memref<1007616x64xf32, #tpu.memory_space<hbm>>) target(%dma_start3A_89 : memref<128x64xf32, #tpu.memory_space<vmem>>) offsets(%dma_start3A_96 : memref<128xi32, #tpu.memory_space<vmem>>) semaphore(%arg7 : memref<!tpu.dma_semaphore, #tpu.memory_space<semaphore_mem>>)
    %scan3A = arith.constant 0 : i32
    %scan3A_100 = arith.constant 0 : i32
    %scan3A_101 = arith.constant 25 : i32
    %scan3A_102 = arith.addi %scan3A_100, %scan3A_101 : i32
    %scan3A_103 = arith.constant 1 : i32
    scf.for %scan3A_105 = %scan3A_100 to %scan3A_102 step %scan3A_103  : i32 {
      %mul3A_106 = arith.constant 2 : i32
      %mul3A_107 = arith.muli %mul3A_106, %scan3A_105 : i32
      %add3A_108 = arith.constant 1 : i32
      %add3A_109 = arith.addi %mul3A_107, %add3A_108 : i32
      %mul3A_110 = arith.constant 512 : i32
      %mul3A_111 = arith.muli %add3A_109, %mul3A_110 : i32
      %add3A_112 = arith.addi %mul3A_2, %mul3A_111 : i32
      %jit3A_113 = arith.constant 128 : i32
      %div3A_114 = arith.divsi %add3A_112, %jit3A_113 : i32
      %sign3A_115 = arith.constant 0 : i32
      %sign3A_116 = arith.cmpi sgt, %add3A_112, %sign3A_115 : i32
      %sign3A_117 = arith.extui %sign3A_116 : i1 to i32
      %sign3A_118 = arith.constant 0 : i32
      %sign3A_119 = arith.cmpi slt, %add3A_112, %sign3A_118 : i32
      %sign3A_120 = arith.extui %sign3A_119 : i1 to i32
      %sign3A_121 = arith.subi %sign3A_117, %sign3A_120 : i32
      %sign3A_122 = arith.constant 0 : i32
      %sign3A_123 = arith.cmpi sgt, %jit3A_113, %sign3A_122 : i32
      %sign3A_124 = arith.extui %sign3A_123 : i1 to i32
      %sign3A_125 = arith.constant 0 : i32
      %sign3A_126 = arith.cmpi slt, %jit3A_113, %sign3A_125 : i32
      %sign3A_127 = arith.extui %sign3A_126 : i1 to i32
      %sign3A_128 = arith.subi %sign3A_124, %sign3A_127 : i32
      %ne3A_129 = arith.cmpi ne, %sign3A_121, %sign3A_128 : i32
      %rem3A_130 = arith.remsi %add3A_112, %jit3A_113 : i32
      %ne3A_131 = arith.constant 0 : i32
      %ne3A_132 = arith.cmpi ne, %rem3A_130, %ne3A_131 : i32
      %and3A_133 = arith.andi %ne3A_129, %ne3A_132 : i1
      %sub3A_134 = arith.constant 1 : i32
      %sub3A_135 = arith.subi %div3A_114, %sub3A_134 : i32
      %select_n3A_136 = arith.select %and3A_133, %sub3A_135, %div3A_114 : i32
      %run_scoped3A_137 = arith.constant 1 : i32
      "tpu.region"() ({
        %run_scoped3A_391 = tpu.sem_alloc : memref<!tpu.dma_semaphore, #tpu.memory_space<semaphore_mem>>
        %dma_start3A_392 = arith.constant 0 : i32
        %dma_start3A_393 = arith.constant 0 : i32
        %dma_start3A_394 = tpu.memref_slice %arg5[%run_scoped3A_137, %dma_start3A_392, %dma_start3A_393] : memref<2x4x128xi32, #tpu.memory_space<vmem>> -> memref<1x4x128xi32, #tpu.memory_space<vmem>>
        %dma_start3A_395 = tpu.memref_squeeze %dma_start3A_394 : memref<1x4x128xi32, #tpu.memory_space<vmem>> -> memref<4x128xi32, #tpu.memory_space<vmem>>
        %dma_start3A_396 = arith.constant 0 : i32
        %dma_start3A_397 = tpu.memref_slice %arg3[%select_n3A_136, %dma_start3A_396] : memref<6400x128xi32, #tpu.memory_space<hbm>> -> memref<4x128xi32, #tpu.memory_space<hbm>>
        %dma_start3A_398 = arith.constant 0 : i32
        %dma_start3A_399 = arith.constant 0 : i32
        %dma_start3A_400 = tpu.memref_slice %arg5[%run_scoped3A_137, %dma_start3A_398, %dma_start3A_399] : memref<2x4x128xi32, #tpu.memory_space<vmem>> -> memref<1x4x128xi32, #tpu.memory_space<vmem>>
        %dma_start3A_401 = tpu.memref_squeeze %dma_start3A_400 : memref<1x4x128xi32, #tpu.memory_space<vmem>> -> memref<4x128xi32, #tpu.memory_space<vmem>>
        %dma_start3A_402 = arith.constant 0 : i32
        %dma_start3A_403 = tpu.memref_slice %arg3[%select_n3A_136, %dma_start3A_402] : memref<6400x128xi32, #tpu.memory_space<hbm>> -> memref<4x128xi32, #tpu.memory_space<hbm>>
        tpu.enqueue_dma source(%dma_start3A_403 : memref<4x128xi32, #tpu.memory_space<hbm>>) target(%dma_start3A_401 : memref<4x128xi32, #tpu.memory_space<vmem>>) target_semaphore(%run_scoped3A_391 : memref<!tpu.dma_semaphore, #tpu.memory_space<semaphore_mem>>)
        %dma_wait3A_404 = arith.constant 0 : i32
        %dma_wait3A_405 = arith.constant 0 : i32
        %dma_wait3A_406 = tpu.memref_slice %arg5[%run_scoped3A_137, %dma_wait3A_404, %dma_wait3A_405] : memref<2x4x128xi32, #tpu.memory_space<vmem>> -> memref<1x4x128xi32, #tpu.memory_space<vmem>>
        %dma_wait3A_407 = tpu.memref_squeeze %dma_wait3A_406 : memref<1x4x128xi32, #tpu.memory_space<vmem>> -> memref<4x128xi32, #tpu.memory_space<vmem>>
        %dma_wait3A_408 = arith.constant 0 : i32
        %dma_wait3A_409 = tpu.memref_slice %arg3[%select_n3A_136, %dma_wait3A_408] : memref<6400x128xi32, #tpu.memory_space<hbm>> -> memref<4x128xi32, #tpu.memory_space<hbm>>
        %dma_wait3A_410 = arith.constant 0 : i32
        %dma_wait3A_411 = arith.constant 0 : i32
        %dma_wait3A_412 = tpu.memref_slice %arg5[%run_scoped3A_137, %dma_wait3A_410, %dma_wait3A_411] : memref<2x4x128xi32, #tpu.memory_space<vmem>> -> memref<1x4x128xi32, #tpu.memory_space<vmem>>
        %dma_wait3A_413 = tpu.memref_squeeze %dma_wait3A_412 : memref<1x4x128xi32, #tpu.memory_space<vmem>> -> memref<4x128xi32, #tpu.memory_space<vmem>>
        %dma_wait3A_414 = arith.constant 0 : i32
        %dma_wait3A_415 = tpu.memref_slice %arg3[%select_n3A_136, %dma_wait3A_414] : memref<6400x128xi32, #tpu.memory_space<hbm>> -> memref<4x128xi32, #tpu.memory_space<hbm>>
        tpu.wait_dma2 semaphore(%run_scoped3A_391 : memref<!tpu.dma_semaphore, #tpu.memory_space<semaphore_mem>>) src(%dma_wait3A_415 : memref<4x128xi32, #tpu.memory_space<hbm>>) dst(%dma_wait3A_413 : memref<4x128xi32, #tpu.memory_space<vmem>>)
        tpu.yield
      }) : () -> ()
      %dma_start3A_138 = arith.constant 1 : i32
      %dma_start3A_139 = arith.constant 0 : i32
      %dma_start3A_140 = arith.constant 1 : i32
      %dma_start3A_141 = arith.constant 0 : i32
      %dma_start3A_142 = arith.constant 0 : i32
      %dma_start3A_143 = tpu.memref_slice %arg6[%dma_start3A_140, %dma_start3A_141, %dma_start3A_142] : memref<2x512x64xf32, #tpu.memory_space<vmem>> -> memref<1x512x64xf32, #tpu.memory_space<vmem>>
      %dma_start3A_144 = tpu.memref_squeeze %dma_start3A_143 : memref<1x512x64xf32, #tpu.memory_space<vmem>> -> memref<512x64xf32, #tpu.memory_space<vmem>>
      %dma_start3A_145 = arith.constant 0 : i32
      %dma_start3A_146 = arith.constant 0 : i32
      %dma_start3A_147 = tpu.memref_slice %dma_start3A_144[%dma_start3A_145, %dma_start3A_146] : memref<512x64xf32, #tpu.memory_space<vmem>> -> memref<128x64xf32, #tpu.memory_space<vmem>>
      %dma_start3A_148 = arith.constant 0 : i32
      %dma_start3A_149 = arith.constant 0 : i32
      %dma_start3A_150 = tpu.memref_slice %arg5[%dma_start3A_138, %dma_start3A_148, %dma_start3A_149] : memref<2x4x128xi32, #tpu.memory_space<vmem>> -> memref<1x4x128xi32, #tpu.memory_space<vmem>>
      %dma_start3A_151 = tpu.memref_squeeze %dma_start3A_150 : memref<1x4x128xi32, #tpu.memory_space<vmem>> -> memref<4x128xi32, #tpu.memory_space<vmem>>
      %dma_start3A_152 = arith.constant 0 : i32
      %dma_start3A_153 = tpu.memref_slice %dma_start3A_151[%dma_start3A_139, %dma_start3A_152] : memref<4x128xi32, #tpu.memory_space<vmem>> -> memref<1x128xi32, #tpu.memory_space<vmem>>
      %dma_start3A_154 = tpu.memref_squeeze %dma_start3A_153 : memref<1x128xi32, #tpu.memory_space<vmem>> -> memref<128xi32, #tpu.memory_space<vmem>>
      %dma_start3A_155 = arith.constant 0 : i32
      %dma_start3A_156 = arith.constant 0 : i32
      %dma_start3A_157 = tpu.memref_slice %arg2[%dma_start3A_155, %dma_start3A_156] : memref<1007616x64xf32, #tpu.memory_space<hbm>> -> memref<1007616x64xf32, #tpu.memory_space<hbm>>
      tpu.enqueue_indirect_dma source(%dma_start3A_157 : memref<1007616x64xf32, #tpu.memory_space<hbm>>) target(%dma_start3A_147 : memref<128x64xf32, #tpu.memory_space<vmem>>) offsets(%dma_start3A_154 : memref<128xi32, #tpu.memory_space<vmem>>) semaphore(%arg8 : memref<!tpu.dma_semaphore, #tpu.memory_space<semaphore_mem>>)
      %dma_start3A_158 = arith.constant 1 : i32
      %dma_start3A_159 = arith.constant 1 : i32
      %dma_start3A_160 = arith.constant 1 : i32
      %dma_start3A_161 = arith.constant 0 : i32
      %dma_start3A_162 = arith.constant 0 : i32
      %dma_start3A_163 = tpu.memref_slice %arg6[%dma_start3A_160, %dma_start3A_161, %dma_start3A_162] : memref<2x512x64xf32, #tpu.memory_space<vmem>> -> memref<1x512x64xf32, #tpu.memory_space<vmem>>
      %dma_start3A_164 = tpu.memref_squeeze %dma_start3A_163 : memref<1x512x64xf32, #tpu.memory_space<vmem>> -> memref<512x64xf32, #tpu.memory_space<vmem>>
      %dma_start3A_165 = arith.constant 128 : i32
      %dma_start3A_166 = arith.constant 0 : i32
      %dma_start3A_167 = tpu.memref_slice %dma_start3A_164[%dma_start3A_165, %dma_start3A_166] : memref<512x64xf32, #tpu.memory_space<vmem>> -> memref<128x64xf32, #tpu.memory_space<vmem>>
      %dma_start3A_168 = arith.constant 0 : i32
      %dma_start3A_169 = arith.constant 0 : i32
      %dma_start3A_170 = tpu.memref_slice %arg5[%dma_start3A_158, %dma_start3A_168, %dma_start3A_169] : memref<2x4x128xi32, #tpu.memory_space<vmem>> -> memref<1x4x128xi32, #tpu.memory_space<vmem>>
      %dma_start3A_171 = tpu.memref_squeeze %dma_start3A_170 : memref<1x4x128xi32, #tpu.memory_space<vmem>> -> memref<4x128xi32, #tpu.memory_space<vmem>>
      %dma_start3A_172 = arith.constant 0 : i32
      %dma_start3A_173 = tpu.memref_slice %dma_start3A_171[%dma_start3A_159, %dma_start3A_172] : memref<4x128xi32, #tpu.memory_space<vmem>> -> memref<1x128xi32, #tpu.memory_space<vmem>>
      %dma_start3A_174 = tpu.memref_squeeze %dma_start3A_173 : memref<1x128xi32, #tpu.memory_space<vmem>> -> memref<128xi32, #tpu.memory_space<vmem>>
      %dma_start3A_175 = arith.constant 0 : i32
      %dma_start3A_176 = arith.constant 0 : i32
      %dma_start3A_177 = tpu.memref_slice %arg2[%dma_start3A_175, %dma_start3A_176] : memref<1007616x64xf32, #tpu.memory_space<hbm>> -> memref<1007616x64xf32, #tpu.memory_space<hbm>>
      tpu.enqueue_indirect_dma source(%dma_start3A_177 : memref<1007616x64xf32, #tpu.memory_space<hbm>>) target(%dma_start3A_167 : memref<128x64xf32, #tpu.memory_space<vmem>>) offsets(%dma_start3A_174 : memref<128xi32, #tpu.memory_space<vmem>>) semaphore(%arg8 : memref<!tpu.dma_semaphore, #tpu.memory_space<semaphore_mem>>)
      %dma_start3A_178 = arith.constant 1 : i32
      %dma_start3A_179 = arith.constant 2 : i32
      %dma_start3A_180 = arith.constant 1 : i32
      %dma_start3A_181 = arith.constant 0 : i32
      %dma_start3A_182 = arith.constant 0 : i32
      %dma_start3A_183 = tpu.memref_slice %arg6[%dma_start3A_180, %dma_start3A_181, %dma_start3A_182] : memref<2x512x64xf32, #tpu.memory_space<vmem>> -> memref<1x512x64xf32, #tpu.memory_space<vmem>>
      %dma_start3A_184 = tpu.memref_squeeze %dma_start3A_183 : memref<1x512x64xf32, #tpu.memory_space<vmem>> -> memref<512x64xf32, #tpu.memory_space<vmem>>
      %dma_start3A_185 = arith.constant 256 : i32
      %dma_start3A_186 = arith.constant 0 : i32
      %dma_start3A_187 = tpu.memref_slice %dma_start3A_184[%dma_start3A_185, %dma_start3A_186] : memref<512x64xf32, #tpu.memory_space<vmem>> -> memref<128x64xf32, #tpu.memory_space<vmem>>
      %dma_start3A_188 = arith.constant 0 : i32
      %dma_start3A_189 = arith.constant 0 : i32
      %dma_start3A_190 = tpu.memref_slice %arg5[%dma_start3A_178, %dma_start3A_188, %dma_start3A_189] : memref<2x4x128xi32, #tpu.memory_space<vmem>> -> memref<1x4x128xi32, #tpu.memory_space<vmem>>
      %dma_start3A_191 = tpu.memref_squeeze %dma_start3A_190 : memref<1x4x128xi32, #tpu.memory_space<vmem>> -> memref<4x128xi32, #tpu.memory_space<vmem>>
      %dma_start3A_192 = arith.constant 0 : i32
      %dma_start3A_193 = tpu.memref_slice %dma_start3A_191[%dma_start3A_179, %dma_start3A_192] : memref<4x128xi32, #tpu.memory_space<vmem>> -> memref<1x128xi32, #tpu.memory_space<vmem>>
      %dma_start3A_194 = tpu.memref_squeeze %dma_start3A_193 : memref<1x128xi32, #tpu.memory_space<vmem>> -> memref<128xi32, #tpu.memory_space<vmem>>
      %dma_start3A_195 = arith.constant 0 : i32
      %dma_start3A_196 = arith.constant 0 : i32
      %dma_start3A_197 = tpu.memref_slice %arg2[%dma_start3A_195, %dma_start3A_196] : memref<1007616x64xf32, #tpu.memory_space<hbm>> -> memref<1007616x64xf32, #tpu.memory_space<hbm>>
      tpu.enqueue_indirect_dma source(%dma_start3A_197 : memref<1007616x64xf32, #tpu.memory_space<hbm>>) target(%dma_start3A_187 : memref<128x64xf32, #tpu.memory_space<vmem>>) offsets(%dma_start3A_194 : memref<128xi32, #tpu.memory_space<vmem>>) semaphore(%arg8 : memref<!tpu.dma_semaphore, #tpu.memory_space<semaphore_mem>>)
      %dma_start3A_198 = arith.constant 1 : i32
      %dma_start3A_199 = arith.constant 3 : i32
      %dma_start3A_200 = arith.constant 1 : i32
      %dma_start3A_201 = arith.constant 0 : i32
      %dma_start3A_202 = arith.constant 0 : i32
      %dma_start3A_203 = tpu.memref_slice %arg6[%dma_start3A_200, %dma_start3A_201, %dma_start3A_202] : memref<2x512x64xf32, #tpu.memory_space<vmem>> -> memref<1x512x64xf32, #tpu.memory_space<vmem>>
      %dma_start3A_204 = tpu.memref_squeeze %dma_start3A_203 : memref<1x512x64xf32, #tpu.memory_space<vmem>> -> memref<512x64xf32, #tpu.memory_space<vmem>>
      %dma_start3A_205 = arith.constant 384 : i32
      %dma_start3A_206 = arith.constant 0 : i32
      %dma_start3A_207 = tpu.memref_slice %dma_start3A_204[%dma_start3A_205, %dma_start3A_206] : memref<512x64xf32, #tpu.memory_space<vmem>> -> memref<128x64xf32, #tpu.memory_space<vmem>>
      %dma_start3A_208 = arith.constant 0 : i32
      %dma_start3A_209 = arith.constant 0 : i32
      %dma_start3A_210 = tpu.memref_slice %arg5[%dma_start3A_198, %dma_start3A_208, %dma_start3A_209] : memref<2x4x128xi32, #tpu.memory_space<vmem>> -> memref<1x4x128xi32, #tpu.memory_space<vmem>>
      %dma_start3A_211 = tpu.memref_squeeze %dma_start3A_210 : memref<1x4x128xi32, #tpu.memory_space<vmem>> -> memref<4x128xi32, #tpu.memory_space<vmem>>
      %dma_start3A_212 = arith.constant 0 : i32
      %dma_start3A_213 = tpu.memref_slice %dma_start3A_211[%dma_start3A_199, %dma_start3A_212] : memref<4x128xi32, #tpu.memory_space<vmem>> -> memref<1x128xi32, #tpu.memory_space<vmem>>
      %dma_start3A_214 = tpu.memref_squeeze %dma_start3A_213 : memref<1x128xi32, #tpu.memory_space<vmem>> -> memref<128xi32, #tpu.memory_space<vmem>>
      %dma_start3A_215 = arith.constant 0 : i32
      %dma_start3A_216 = arith.constant 0 : i32
      %dma_start3A_217 = tpu.memref_slice %arg2[%dma_start3A_215, %dma_start3A_216] : memref<1007616x64xf32, #tpu.memory_space<hbm>> -> memref<1007616x64xf32, #tpu.memory_space<hbm>>
      tpu.enqueue_indirect_dma source(%dma_start3A_217 : memref<1007616x64xf32, #tpu.memory_space<hbm>>) target(%dma_start3A_207 : memref<128x64xf32, #tpu.memory_space<vmem>>) offsets(%dma_start3A_214 : memref<128xi32, #tpu.memory_space<vmem>>) semaphore(%arg8 : memref<!tpu.dma_semaphore, #tpu.memory_space<semaphore_mem>>)
      %dma_wait3A = arith.constant 0 : i32
      %dma_wait3A_218 = arith.constant 0 : i32
      %dma_wait3A_219 = arith.constant 0 : i32
      %dma_wait3A_220 = arith.constant 0 : i32
      %dma_wait3A_221 = arith.constant 0 : i32
      %dma_wait3A_222 = tpu.memref_slice %arg6[%dma_wait3A_219, %dma_wait3A_220, %dma_wait3A_221] : memref<2x512x64xf32, #tpu.memory_space<vmem>> -> memref<1x512x64xf32, #tpu.memory_space<vmem>>
      %dma_wait3A_223 = tpu.memref_squeeze %dma_wait3A_222 : memref<1x512x64xf32, #tpu.memory_space<vmem>> -> memref<512x64xf32, #tpu.memory_space<vmem>>
      %dma_wait3A_224 = arith.constant 0 : i32
      %dma_wait3A_225 = arith.constant 0 : i32
      %dma_wait3A_226 = tpu.memref_slice %dma_wait3A_223[%dma_wait3A_224, %dma_wait3A_225] : memref<512x64xf32, #tpu.memory_space<vmem>> -> memref<128x64xf32, #tpu.memory_space<vmem>>
      %dma_wait3A_227 = arith.constant 0 : i32
      %dma_wait3A_228 = arith.constant 0 : i32
      %dma_wait3A_229 = tpu.memref_slice %arg5[%dma_wait3A, %dma_wait3A_227, %dma_wait3A_228] : memref<2x4x128xi32, #tpu.memory_space<vmem>> -> memref<1x4x128xi32, #tpu.memory_space<vmem>>
      %dma_wait3A_230 = tpu.memref_squeeze %dma_wait3A_229 : memref<1x4x128xi32, #tpu.memory_space<vmem>> -> memref<4x128xi32, #tpu.memory_space<vmem>>
      %dma_wait3A_231 = arith.constant 0 : i32
      %dma_wait3A_232 = tpu.memref_slice %dma_wait3A_230[%dma_wait3A_218, %dma_wait3A_231] : memref<4x128xi32, #tpu.memory_space<vmem>> -> memref<1x128xi32, #tpu.memory_space<vmem>>
      %dma_wait3A_233 = tpu.memref_squeeze %dma_wait3A_232 : memref<1x128xi32, #tpu.memory_space<vmem>> -> memref<128xi32, #tpu.memory_space<vmem>>
      %dma_wait3A_234 = arith.constant 0 : i32
      %dma_wait3A_235 = arith.constant 0 : i32
      %dma_wait3A_236 = tpu.memref_slice %arg2[%dma_wait3A_234, %dma_wait3A_235] : memref<1007616x64xf32, #tpu.memory_space<hbm>> -> memref<1007616x64xf32, #tpu.memory_space<hbm>>
      tpu.wait_indirect_dma semaphore(%arg7 : memref<!tpu.dma_semaphore, #tpu.memory_space<semaphore_mem>>) src(%dma_wait3A_236 : memref<1007616x64xf32, #tpu.memory_space<hbm>>) dst(%dma_wait3A_226 : memref<128x64xf32, #tpu.memory_space<vmem>>)
      %dma_wait3A_237 = arith.constant 0 : i32
      %dma_wait3A_238 = arith.constant 1 : i32
      %dma_wait3A_239 = arith.constant 0 : i32
      %dma_wait3A_240 = arith.constant 0 : i32
      %dma_wait3A_241 = arith.constant 0 : i32
      %dma_wait3A_242 = tpu.memref_slice %arg6[%dma_wait3A_239, %dma_wait3A_240, %dma_wait3A_241] : memref<2x512x64xf32, #tpu.memory_space<vmem>> -> memref<1x512x64xf32, #tpu.memory_space<vmem>>
      %dma_wait3A_243 = tpu.memref_squeeze %dma_wait3A_242 : memref<1x512x64xf32, #tpu.memory_space<vmem>> -> memref<512x64xf32, #tpu.memory_space<vmem>>
      %dma_wait3A_244 = arith.constant 128 : i32
      %dma_wait3A_245 = arith.constant 0 : i32
      %dma_wait3A_246 = tpu.memref_slice %dma_wait3A_243[%dma_wait3A_244, %dma_wait3A_245] : memref<512x64xf32, #tpu.memory_space<vmem>> -> memref<128x64xf32, #tpu.memory_space<vmem>>
      %dma_wait3A_247 = arith.constant 0 : i32
      %dma_wait3A_248 = arith.constant 0 : i32
      %dma_wait3A_249 = tpu.memref_slice %arg5[%dma_wait3A_237, %dma_wait3A_247, %dma_wait3A_248] : memref<2x4x128xi32, #tpu.memory_space<vmem>> -> memref<1x4x128xi32, #tpu.memory_space<vmem>>
      %dma_wait3A_250 = tpu.memref_squeeze %dma_wait3A_249 : memref<1x4x128xi32, #tpu.memory_space<vmem>> -> memref<4x128xi32, #tpu.memory_space<vmem>>
      %dma_wait3A_251 = arith.constant 0 : i32
      %dma_wait3A_252 = tpu.memref_slice %dma_wait3A_250[%dma_wait3A_238, %dma_wait3A_251] : memref<4x128xi32, #tpu.memory_space<vmem>> -> memref<1x128xi32, #tpu.memory_space<vmem>>
      %dma_wait3A_253 = tpu.memref_squeeze %dma_wait3A_252 : memref<1x128xi32, #tpu.memory_space<vmem>> -> memref<128xi32, #tpu.memory_space<vmem>>
      %dma_wait3A_254 = arith.constant 0 : i32
      %dma_wait3A_255 = arith.constant 0 : i32
      %dma_wait3A_256 = tpu.memref_slice %arg2[%dma_wait3A_254, %dma_wait3A_255] : memref<1007616x64xf32, #tpu.memory_space<hbm>> -> memref<1007616x64xf32, #tpu.memory_space<hbm>>
      tpu.wait_indirect_dma semaphore(%arg7 : memref<!tpu.dma_semaphore, #tpu.memory_space<semaphore_mem>>) src(%dma_wait3A_256 : memref<1007616x64xf32, #tpu.memory_space<hbm>>) dst(%dma_wait3A_246 : memref<128x64xf32, #tpu.memory_space<vmem>>)
      %dma_wait3A_257 = arith.constant 0 : i32
      %dma_wait3A_258 = arith.constant 2 : i32
      %dma_wait3A_259 = arith.constant 0 : i32
      %dma_wait3A_260 = arith.constant 0 : i32
      %dma_wait3A_261 = arith.constant 0 : i32
      %dma_wait3A_262 = tpu.memref_slice %arg6[%dma_wait3A_259, %dma_wait3A_260, %dma_wait3A_261] : memref<2x512x64xf32, #tpu.memory_space<vmem>> -> memref<1x512x64xf32, #tpu.memory_space<vmem>>
      %dma_wait3A_263 = tpu.memref_squeeze %dma_wait3A_262 : memref<1x512x64xf32, #tpu.memory_space<vmem>> -> memref<512x64xf32, #tpu.memory_space<vmem>>
      %dma_wait3A_264 = arith.constant 256 : i32
      %dma_wait3A_265 = arith.constant 0 : i32
      %dma_wait3A_266 = tpu.memref_slice %dma_wait3A_263[%dma_wait3A_264, %dma_wait3A_265] : memref<512x64xf32, #tpu.memory_space<vmem>> -> memref<128x64xf32, #tpu.memory_space<vmem>>
      %dma_wait3A_267 = arith.constant 0 : i32
      %dma_wait3A_268 = arith.constant 0 : i32
      %dma_wait3A_269 = tpu.memref_slice %arg5[%dma_wait3A_257, %dma_wait3A_267, %dma_wait3A_268] : memref<2x4x128xi32, #tpu.memory_space<vmem>> -> memref<1x4x128xi32, #tpu.memory_space<vmem>>
      %dma_wait3A_270 = tpu.memref_squeeze %dma_wait3A_269 : memref<1x4x128xi32, #tpu.memory_space<vmem>> -> memref<4x128xi32, #tpu.memory_space<vmem>>
      %dma_wait3A_271 = arith.constant 0 : i32
      %dma_wait3A_272 = tpu.memref_slice %dma_wait3A_270[%dma_wait3A_258, %dma_wait3A_271] : memref<4x128xi32, #tpu.memory_space<vmem>> -> memref<1x128xi32, #tpu.memory_space<vmem>>
      %dma_wait3A_273 = tpu.memref_squeeze %dma_wait3A_272 : memref<1x128xi32, #tpu.memory_space<vmem>> -> memref<128xi32, #tpu.memory_space<vmem>>
      %dma_wait3A_274 = arith.constant 0 : i32
      %dma_wait3A_275 = arith.constant 0 : i32
      %dma_wait3A_276 = tpu.memref_slice %arg2[%dma_wait3A_274, %dma_wait3A_275] : memref<1007616x64xf32, #tpu.memory_space<hbm>> -> memref<1007616x64xf32, #tpu.memory_space<hbm>>
      tpu.wait_indirect_dma semaphore(%arg7 : memref<!tpu.dma_semaphore, #tpu.memory_space<semaphore_mem>>) src(%dma_wait3A_276 : memref<1007616x64xf32, #tpu.memory_space<hbm>>) dst(%dma_wait3A_266 : memref<128x64xf32, #tpu.memory_space<vmem>>)
      %dma_wait3A_277 = arith.constant 0 : i32
      %dma_wait3A_278 = arith.constant 3 : i32
      %dma_wait3A_279 = arith.constant 0 : i32
      %dma_wait3A_280 = arith.constant 0 : i32
      %dma_wait3A_281 = arith.constant 0 : i32
      %dma_wait3A_282 = tpu.memref_slice %arg6[%dma_wait3A_279, %dma_wait3A_280, %dma_wait3A_281] : memref<2x512x64xf32, #tpu.memory_space<vmem>> -> memref<1x512x64xf32, #tpu.memory_space<vmem>>
      %dma_wait3A_283 = tpu.memref_squeeze %dma_wait3A_282 : memref<1x512x64xf32, #tpu.memory_space<vmem>> -> memref<512x64xf32, #tpu.memory_space<vmem>>
      %dma_wait3A_284 = arith.constant 384 : i32
      %dma_wait3A_285 = arith.constant 0 : i32
      %dma_wait3A_286 = tpu.memref_slice %dma_wait3A_283[%dma_wait3A_284, %dma_wait3A_285] : memref<512x64xf32, #tpu.memory_space<vmem>> -> memref<128x64xf32, #tpu.memory_space<vmem>>
      %dma_wait3A_287 = arith.constant 0 : i32
      %dma_wait3A_288 = arith.constant 0 : i32
      %dma_wait3A_289 = tpu.memref_slice %arg5[%dma_wait3A_277, %dma_wait3A_287, %dma_wait3A_288] : memref<2x4x128xi32, #tpu.memory_space<vmem>> -> memref<1x4x128xi32, #tpu.memory_space<vmem>>
      %dma_wait3A_290 = tpu.memref_squeeze %dma_wait3A_289 : memref<1x4x128xi32, #tpu.memory_space<vmem>> -> memref<4x128xi32, #tpu.memory_space<vmem>>
      %dma_wait3A_291 = arith.constant 0 : i32
      %dma_wait3A_292 = tpu.memref_slice %dma_wait3A_290[%dma_wait3A_278, %dma_wait3A_291] : memref<4x128xi32, #tpu.memory_space<vmem>> -> memref<1x128xi32, #tpu.memory_space<vmem>>
      %dma_wait3A_293 = tpu.memref_squeeze %dma_wait3A_292 : memref<1x128xi32, #tpu.memory_space<vmem>> -> memref<128xi32, #tpu.memory_space<vmem>>
      %dma_wait3A_294 = arith.constant 0 : i32
      %dma_wait3A_295 = arith.constant 0 : i32
      %dma_wait3A_296 = tpu.memref_slice %arg2[%dma_wait3A_294, %dma_wait3A_295] : memref<1007616x64xf32, #tpu.memory_space<hbm>> -> memref<1007616x64xf32, #tpu.memory_space<hbm>>
      tpu.wait_indirect_dma semaphore(%arg7 : memref<!tpu.dma_semaphore, #tpu.memory_space<semaphore_mem>>) src(%dma_wait3A_296 : memref<1007616x64xf32, #tpu.memory_space<hbm>>) dst(%dma_wait3A_286 : memref<128x64xf32, #tpu.memory_space<vmem>>)
      %mul3A_297 = arith.constant 512 : i32
      %mul3A_298 = arith.muli %mul3A_107, %mul3A_297 : i32
      %add3A_299 = arith.addi %mul3A_2, %mul3A_298 : i32
      %run_scoped3A_300 = arith.constant 0 : i32
      "tpu.region"() ({
        %run_scoped3A_391 = tpu.sem_alloc : memref<!tpu.dma_semaphore, #tpu.memory_space<semaphore_mem>>
        %dma_start3A_392 = arith.constant 0 : i32
        %dma_start3A_393 = arith.constant 0 : i32
        %dma_start3A_394 = tpu.memref_slice %arg6[%run_scoped3A_300, %dma_start3A_392, %dma_start3A_393] : memref<2x512x64xf32, #tpu.memory_space<vmem>> -> memref<1x512x64xf32, #tpu.memory_space<vmem>>
        %dma_start3A_395 = tpu.memref_squeeze %dma_start3A_394 : memref<1x512x64xf32, #tpu.memory_space<vmem>> -> memref<512x64xf32, #tpu.memory_space<vmem>>
        %dma_start3A_396 = arith.constant 0 : i32
        %dma_start3A_397 = tpu.memref_slice %arg4[%add3A_299, %dma_start3A_396] : memref<819200x64xf32, #tpu.memory_space<hbm>> -> memref<512x64xf32, #tpu.memory_space<hbm>>
        %dma_start3A_398 = arith.constant 0 : i32
        %dma_start3A_399 = tpu.memref_slice %arg4[%add3A_299, %dma_start3A_398] : memref<819200x64xf32, #tpu.memory_space<hbm>> -> memref<512x64xf32, #tpu.memory_space<hbm>>
        %dma_start3A_400 = arith.constant 0 : i32
        %dma_start3A_401 = arith.constant 0 : i32
        %dma_start3A_402 = tpu.memref_slice %arg6[%run_scoped3A_300, %dma_start3A_400, %dma_start3A_401] : memref<2x512x64xf32, #tpu.memory_space<vmem>> -> memref<1x512x64xf32, #tpu.memory_space<vmem>>
        %dma_start3A_403 = tpu.memref_squeeze %dma_start3A_402 : memref<1x512x64xf32, #tpu.memory_space<vmem>> -> memref<512x64xf32, #tpu.memory_space<vmem>>
        tpu.enqueue_dma source(%dma_start3A_403 : memref<512x64xf32, #tpu.memory_space<vmem>>) target(%dma_start3A_399 : memref<512x64xf32, #tpu.memory_space<hbm>>) target_semaphore(%run_scoped3A_391 : memref<!tpu.dma_semaphore, #tpu.memory_space<semaphore_mem>>)
        %dma_wait3A_404 = arith.constant 0 : i32
        %dma_wait3A_405 = arith.constant 0 : i32
        %dma_wait3A_406 = tpu.memref_slice %arg6[%run_scoped3A_300, %dma_wait3A_404, %dma_wait3A_405] : memref<2x512x64xf32, #tpu.memory_space<vmem>> -> memref<1x512x64xf32, #tpu.memory_space<vmem>>
        %dma_wait3A_407 = tpu.memref_squeeze %dma_wait3A_406 : memref<1x512x64xf32, #tpu.memory_space<vmem>> -> memref<512x64xf32, #tpu.memory_space<vmem>>
        %dma_wait3A_408 = arith.constant 0 : i32
        %dma_wait3A_409 = tpu.memref_slice %arg4[%add3A_299, %dma_wait3A_408] : memref<819200x64xf32, #tpu.memory_space<hbm>> -> memref<512x64xf32, #tpu.memory_space<hbm>>
        %dma_wait3A_410 = arith.constant 0 : i32
        %dma_wait3A_411 = tpu.memref_slice %arg4[%add3A_299, %dma_wait3A_410] : memref<819200x64xf32, #tpu.memory_space<hbm>> -> memref<512x64xf32, #tpu.memory_space<hbm>>
        %dma_wait3A_412 = arith.constant 0 : i32
        %dma_wait3A_413 = arith.constant 0 : i32
        %dma_wait3A_414 = tpu.memref_slice %arg6[%run_scoped3A_300, %dma_wait3A_412, %dma_wait3A_413] : memref<2x512x64xf32, #tpu.memory_space<vmem>> -> memref<1x512x64xf32, #tpu.memory_space<vmem>>
        %dma_wait3A_415 = tpu.memref_squeeze %dma_wait3A_414 : memref<1x512x64xf32, #tpu.memory_space<vmem>> -> memref<512x64xf32, #tpu.memory_space<vmem>>
        tpu.wait_dma2 semaphore(%run_scoped3A_391 : memref<!tpu.dma_semaphore, #tpu.memory_space<semaphore_mem>>) src(%dma_wait3A_415 : memref<512x64xf32, #tpu.memory_space<vmem>>) dst(%dma_wait3A_411 : memref<512x64xf32, #tpu.memory_space<hbm>>)
        tpu.yield
      }) : () -> ()
      %add3A_301 = arith.constant 1 : i32
      %add3A_302 = arith.addi %scan3A_105, %add3A_301 : i32
      %lt3A = arith.constant 25 : i32
      %lt3A_303 = arith.cmpi slt, %add3A_302, %lt3A : i32
      %convert_element_type3A = arith.extui %lt3A_303 : i1 to i32
      %cond3A = arith.constant 0 : i32
      %cond3A_304 = arith.cmpi ne, %convert_element_type3A, %cond3A : i32
      scf.if %cond3A_304 {
        %add3A_391 = arith.constant 2 : i32
        %add3A_392 = arith.addi %mul3A_107, %add3A_391 : i32
        %mul3A_393 = arith.constant 512 : i32
        %mul3A_394 = arith.muli %add3A_392, %mul3A_393 : i32
        %add3A_395 = arith.addi %mul3A_2, %mul3A_394 : i32
        %jit3A_396 = arith.constant 128 : i32
        %div3A_397 = arith.divsi %add3A_395, %jit3A_396 : i32
        %sign3A_398 = arith.constant 0 : i32
        %sign3A_399 = arith.cmpi sgt, %add3A_395, %sign3A_398 : i32
        %sign3A_400 = arith.extui %sign3A_399 : i1 to i32
        %sign3A_401 = arith.constant 0 : i32
        %sign3A_402 = arith.cmpi slt, %add3A_395, %sign3A_401 : i32
        %sign3A_403 = arith.extui %sign3A_402 : i1 to i32
        %sign3A_404 = arith.subi %sign3A_400, %sign3A_403 : i32
        %sign3A_405 = arith.constant 0 : i32
        %sign3A_406 = arith.cmpi sgt, %jit3A_396, %sign3A_405 : i32
        %sign3A_407 = arith.extui %sign3A_406 : i1 to i32
        %sign3A_408 = arith.constant 0 : i32
        %sign3A_409 = arith.cmpi slt, %jit3A_396, %sign3A_408 : i32
        %sign3A_410 = arith.extui %sign3A_409 : i1 to i32
        %sign3A_411 = arith.subi %sign3A_407, %sign3A_410 : i32
        %ne3A_412 = arith.cmpi ne, %sign3A_404, %sign3A_411 : i32
        %rem3A_413 = arith.remsi %add3A_395, %jit3A_396 : i32
        %ne3A_414 = arith.constant 0 : i32
        %ne3A_415 = arith.cmpi ne, %rem3A_413, %ne3A_414 : i32
        %and3A_416 = arith.andi %ne3A_412, %ne3A_415 : i1
        %sub3A_417 = arith.constant 1 : i32
        %sub3A_418 = arith.subi %div3A_397, %sub3A_417 : i32
        %select_n3A_419 = arith.select %and3A_416, %sub3A_418, %div3A_397 : i32
        %run_scoped3A_420 = arith.constant 0 : i32
        "tpu.region"() ({
          %run_scoped3A_501 = tpu.sem_alloc : memref<!tpu.dma_semaphore, #tpu.memory_space<semaphore_mem>>
          %dma_start3A_502 = arith.constant 0 : i32
          %dma_start3A_503 = arith.constant 0 : i32
          %dma_start3A_504 = tpu.memref_slice %arg5[%run_scoped3A_420, %dma_start3A_502, %dma_start3A_503] : memref<2x4x128xi32, #tpu.memory_space<vmem>> -> memref<1x4x128xi32, #tpu.memory_space<vmem>>
          %dma_start3A_505 = tpu.memref_squeeze %dma_start3A_504 : memref<1x4x128xi32, #tpu.memory_space<vmem>> -> memref<4x128xi32, #tpu.memory_space<vmem>>
          %dma_start3A_506 = arith.constant 0 : i32
          %dma_start3A_507 = tpu.memref_slice %arg3[%select_n3A_419, %dma_start3A_506] : memref<6400x128xi32, #tpu.memory_space<hbm>> -> memref<4x128xi32, #tpu.memory_space<hbm>>
          %dma_start3A_508 = arith.constant 0 : i32
          %dma_start3A_509 = arith.constant 0 : i32
          %dma_start3A_510 = tpu.memref_slice %arg5[%run_scoped3A_420, %dma_start3A_508, %dma_start3A_509] : memref<2x4x128xi32, #tpu.memory_space<vmem>> -> memref<1x4x128xi32, #tpu.memory_space<vmem>>
          %dma_start3A_511 = tpu.memref_squeeze %dma_start3A_510 : memref<1x4x128xi32, #tpu.memory_space<vmem>> -> memref<4x128xi32, #tpu.memory_space<vmem>>
          %dma_start3A_512 = arith.constant 0 : i32
          %dma_start3A_513 = tpu.memref_slice %arg3[%select_n3A_419, %dma_start3A_512] : memref<6400x128xi32, #tpu.memory_space<hbm>> -> memref<4x128xi32, #tpu.memory_space<hbm>>
          tpu.enqueue_dma source(%dma_start3A_513 : memref<4x128xi32, #tpu.memory_space<hbm>>) target(%dma_start3A_511 : memref<4x128xi32, #tpu.memory_space<vmem>>) target_semaphore(%run_scoped3A_501 : memref<!tpu.dma_semaphore, #tpu.memory_space<semaphore_mem>>)
          %dma_wait3A_514 = arith.constant 0 : i32
          %dma_wait3A_515 = arith.constant 0 : i32
          %dma_wait3A_516 = tpu.memref_slice %arg5[%run_scoped3A_420, %dma_wait3A_514, %dma_wait3A_515] : memref<2x4x128xi32, #tpu.memory_space<vmem>> -> memref<1x4x128xi32, #tpu.memory_space<vmem>>
          %dma_wait3A_517 = tpu.memref_squeeze %dma_wait3A_516 : memref<1x4x128xi32, #tpu.memory_space<vmem>> -> memref<4x128xi32, #tpu.memory_space<vmem>>
          %dma_wait3A_518 = arith.constant 0 : i32
          %dma_wait3A_519 = tpu.memref_slice %arg3[%select_n3A_419, %dma_wait3A_518] : memref<6400x128xi32, #tpu.memory_space<hbm>> -> memref<4x128xi32, #tpu.memory_space<hbm>>
          %dma_wait3A_520 = arith.constant 0 : i32
          %dma_wait3A_521 = arith.constant 0 : i32
          %dma_wait3A_522 = tpu.memref_slice %arg5[%run_scoped3A_420, %dma_wait3A_520, %dma_wait3A_521] : memref<2x4x128xi32, #tpu.memory_space<vmem>> -> memref<1x4x128xi32, #tpu.memory_space<vmem>>
          %dma_wait3A_523 = tpu.memref_squeeze %dma_wait3A_522 : memref<1x4x128xi32, #tpu.memory_space<vmem>> -> memref<4x128xi32, #tpu.memory_space<vmem>>
          %dma_wait3A_524 = arith.constant 0 : i32
          %dma_wait3A_525 = tpu.memref_slice %arg3[%select_n3A_419, %dma_wait3A_524] : memref<6400x128xi32, #tpu.memory_space<hbm>> -> memref<4x128xi32, #tpu.memory_space<hbm>>
          tpu.wait_dma2 semaphore(%run_scoped3A_501 : memref<!tpu.dma_semaphore, #tpu.memory_space<semaphore_mem>>) src(%dma_wait3A_525 : memref<4x128xi32, #tpu.memory_space<hbm>>) dst(%dma_wait3A_523 : memref<4x128xi32, #tpu.memory_space<vmem>>)
          tpu.yield
        }) : () -> ()
        %dma_start3A_421 = arith.constant 0 : i32
        %dma_start3A_422 = arith.constant 0 : i32
        %dma_start3A_423 = arith.constant 0 : i32
        %dma_start3A_424 = arith.constant 0 : i32
        %dma_start3A_425 = arith.constant 0 : i32
        %dma_start3A_426 = tpu.memref_slice %arg6[%dma_start3A_423, %dma_start3A_424, %dma_start3A_425] : memref<2x512x64xf32, #tpu.memory_space<vmem>> -> memref<1x512x64xf32, #tpu.memory_space<vmem>>
        %dma_start3A_427 = tpu.memref_squeeze %dma_start3A_426 : memref<1x512x64xf32, #tpu.memory_space<vmem>> -> memref<512x64xf32, #tpu.memory_space<vmem>>
        %dma_start3A_428 = arith.constant 0 : i32
        %dma_start3A_429 = arith.constant 0 : i32
        %dma_start3A_430 = tpu.memref_slice %dma_start3A_427[%dma_start3A_428, %dma_start3A_429] : memref<512x64xf32, #tpu.memory_space<vmem>> -> memref<128x64xf32, #tpu.memory_space<vmem>>
        %dma_start3A_431 = arith.constant 0 : i32
        %dma_start3A_432 = arith.constant 0 : i32
        %dma_start3A_433 = tpu.memref_slice %arg5[%dma_start3A_421, %dma_start3A_431, %dma_start3A_432] : memref<2x4x128xi32, #tpu.memory_space<vmem>> -> memref<1x4x128xi32, #tpu.memory_space<vmem>>
        %dma_start3A_434 = tpu.memref_squeeze %dma_start3A_433 : memref<1x4x128xi32, #tpu.memory_space<vmem>> -> memref<4x128xi32, #tpu.memory_space<vmem>>
        %dma_start3A_435 = arith.constant 0 : i32
        %dma_start3A_436 = tpu.memref_slice %dma_start3A_434[%dma_start3A_422, %dma_start3A_435] : memref<4x128xi32, #tpu.memory_space<vmem>> -> memref<1x128xi32, #tpu.memory_space<vmem>>
        %dma_start3A_437 = tpu.memref_squeeze %dma_start3A_436 : memref<1x128xi32, #tpu.memory_space<vmem>> -> memref<128xi32, #tpu.memory_space<vmem>>
        %dma_start3A_438 = arith.constant 0 : i32
        %dma_start3A_439 = arith.constant 0 : i32
        %dma_start3A_440 = tpu.memref_slice %arg2[%dma_start3A_438, %dma_start3A_439] : memref<1007616x64xf32, #tpu.memory_space<hbm>> -> memref<1007616x64xf32, #tpu.memory_space<hbm>>
        tpu.enqueue_indirect_dma source(%dma_start3A_440 : memref<1007616x64xf32, #tpu.memory_space<hbm>>) target(%dma_start3A_430 : memref<128x64xf32, #tpu.memory_space<vmem>>) offsets(%dma_start3A_437 : memref<128xi32, #tpu.memory_space<vmem>>) semaphore(%arg7 : memref<!tpu.dma_semaphore, #tpu.memory_space<semaphore_mem>>)
        %dma_start3A_441 = arith.constant 0 : i32
        %dma_start3A_442 = arith.constant 1 : i32
        %dma_start3A_443 = arith.constant 0 : i32
        %dma_start3A_444 = arith.constant 0 : i32
        %dma_start3A_445 = arith.constant 0 : i32
        %dma_start3A_446 = tpu.memref_slice %arg6[%dma_start3A_443, %dma_start3A_444, %dma_start3A_445] : memref<2x512x64xf32, #tpu.memory_space<vmem>> -> memref<1x512x64xf32, #tpu.memory_space<vmem>>
        %dma_start3A_447 = tpu.memref_squeeze %dma_start3A_446 : memref<1x512x64xf32, #tpu.memory_space<vmem>> -> memref<512x64xf32, #tpu.memory_space<vmem>>
        %dma_start3A_448 = arith.constant 128 : i32
        %dma_start3A_449 = arith.constant 0 : i32
        %dma_start3A_450 = tpu.memref_slice %dma_start3A_447[%dma_start3A_448, %dma_start3A_449] : memref<512x64xf32, #tpu.memory_space<vmem>> -> memref<128x64xf32, #tpu.memory_space<vmem>>
        %dma_start3A_451 = arith.constant 0 : i32
        %dma_start3A_452 = arith.constant 0 : i32
        %dma_start3A_453 = tpu.memref_slice %arg5[%dma_start3A_441, %dma_start3A_451, %dma_start3A_452] : memref<2x4x128xi32, #tpu.memory_space<vmem>> -> memref<1x4x128xi32, #tpu.memory_space<vmem>>
        %dma_start3A_454 = tpu.memref_squeeze %dma_start3A_453 : memref<1x4x128xi32, #tpu.memory_space<vmem>> -> memref<4x128xi32, #tpu.memory_space<vmem>>
        %dma_start3A_455 = arith.constant 0 : i32
        %dma_start3A_456 = tpu.memref_slice %dma_start3A_454[%dma_start3A_442, %dma_start3A_455] : memref<4x128xi32, #tpu.memory_space<vmem>> -> memref<1x128xi32, #tpu.memory_space<vmem>>
        %dma_start3A_457 = tpu.memref_squeeze %dma_start3A_456 : memref<1x128xi32, #tpu.memory_space<vmem>> -> memref<128xi32, #tpu.memory_space<vmem>>
        %dma_start3A_458 = arith.constant 0 : i32
        %dma_start3A_459 = arith.constant 0 : i32
        %dma_start3A_460 = tpu.memref_slice %arg2[%dma_start3A_458, %dma_start3A_459] : memref<1007616x64xf32, #tpu.memory_space<hbm>> -> memref<1007616x64xf32, #tpu.memory_space<hbm>>
        tpu.enqueue_indirect_dma source(%dma_start3A_460 : memref<1007616x64xf32, #tpu.memory_space<hbm>>) target(%dma_start3A_450 : memref<128x64xf32, #tpu.memory_space<vmem>>) offsets(%dma_start3A_457 : memref<128xi32, #tpu.memory_space<vmem>>) semaphore(%arg7 : memref<!tpu.dma_semaphore, #tpu.memory_space<semaphore_mem>>)
        %dma_start3A_461 = arith.constant 0 : i32
        %dma_start3A_462 = arith.constant 2 : i32
        %dma_start3A_463 = arith.constant 0 : i32
        %dma_start3A_464 = arith.constant 0 : i32
        %dma_start3A_465 = arith.constant 0 : i32
        %dma_start3A_466 = tpu.memref_slice %arg6[%dma_start3A_463, %dma_start3A_464, %dma_start3A_465] : memref<2x512x64xf32, #tpu.memory_space<vmem>> -> memref<1x512x64xf32, #tpu.memory_space<vmem>>
        %dma_start3A_467 = tpu.memref_squeeze %dma_start3A_466 : memref<1x512x64xf32, #tpu.memory_space<vmem>> -> memref<512x64xf32, #tpu.memory_space<vmem>>
        %dma_start3A_468 = arith.constant 256 : i32
        %dma_start3A_469 = arith.constant 0 : i32
        %dma_start3A_470 = tpu.memref_slice %dma_start3A_467[%dma_start3A_468, %dma_start3A_469] : memref<512x64xf32, #tpu.memory_space<vmem>> -> memref<128x64xf32, #tpu.memory_space<vmem>>
        %dma_start3A_471 = arith.constant 0 : i32
        %dma_start3A_472 = arith.constant 0 : i32
        %dma_start3A_473 = tpu.memref_slice %arg5[%dma_start3A_461, %dma_start3A_471, %dma_start3A_472] : memref<2x4x128xi32, #tpu.memory_space<vmem>> -> memref<1x4x128xi32, #tpu.memory_space<vmem>>
        %dma_start3A_474 = tpu.memref_squeeze %dma_start3A_473 : memref<1x4x128xi32, #tpu.memory_space<vmem>> -> memref<4x128xi32, #tpu.memory_space<vmem>>
        %dma_start3A_475 = arith.constant 0 : i32
        %dma_start3A_476 = tpu.memref_slice %dma_start3A_474[%dma_start3A_462, %dma_start3A_475] : memref<4x128xi32, #tpu.memory_space<vmem>> -> memref<1x128xi32, #tpu.memory_space<vmem>>
        %dma_start3A_477 = tpu.memref_squeeze %dma_start3A_476 : memref<1x128xi32, #tpu.memory_space<vmem>> -> memref<128xi32, #tpu.memory_space<vmem>>
        %dma_start3A_478 = arith.constant 0 : i32
        %dma_start3A_479 = arith.constant 0 : i32
        %dma_start3A_480 = tpu.memref_slice %arg2[%dma_start3A_478, %dma_start3A_479] : memref<1007616x64xf32, #tpu.memory_space<hbm>> -> memref<1007616x64xf32, #tpu.memory_space<hbm>>
        tpu.enqueue_indirect_dma source(%dma_start3A_480 : memref<1007616x64xf32, #tpu.memory_space<hbm>>) target(%dma_start3A_470 : memref<128x64xf32, #tpu.memory_space<vmem>>) offsets(%dma_start3A_477 : memref<128xi32, #tpu.memory_space<vmem>>) semaphore(%arg7 : memref<!tpu.dma_semaphore, #tpu.memory_space<semaphore_mem>>)
        %dma_start3A_481 = arith.constant 0 : i32
        %dma_start3A_482 = arith.constant 3 : i32
        %dma_start3A_483 = arith.constant 0 : i32
        %dma_start3A_484 = arith.constant 0 : i32
        %dma_start3A_485 = arith.constant 0 : i32
        %dma_start3A_486 = tpu.memref_slice %arg6[%dma_start3A_483, %dma_start3A_484, %dma_start3A_485] : memref<2x512x64xf32, #tpu.memory_space<vmem>> -> memref<1x512x64xf32, #tpu.memory_space<vmem>>
        %dma_start3A_487 = tpu.memref_squeeze %dma_start3A_486 : memref<1x512x64xf32, #tpu.memory_space<vmem>> -> memref<512x64xf32, #tpu.memory_space<vmem>>
        %dma_start3A_488 = arith.constant 384 : i32
        %dma_start3A_489 = arith.constant 0 : i32
        %dma_start3A_490 = tpu.memref_slice %dma_start3A_487[%dma_start3A_488, %dma_start3A_489] : memref<512x64xf32, #tpu.memory_space<vmem>> -> memref<128x64xf32, #tpu.memory_space<vmem>>
        %dma_start3A_491 = arith.constant 0 : i32
        %dma_start3A_492 = arith.constant 0 : i32
        %dma_start3A_493 = tpu.memref_slice %arg5[%dma_start3A_481, %dma_start3A_491, %dma_start3A_492] : memref<2x4x128xi32, #tpu.memory_space<vmem>> -> memref<1x4x128xi32, #tpu.memory_space<vmem>>
        %dma_start3A_494 = tpu.memref_squeeze %dma_start3A_493 : memref<1x4x128xi32, #tpu.memory_space<vmem>> -> memref<4x128xi32, #tpu.memory_space<vmem>>
        %dma_start3A_495 = arith.constant 0 : i32
        %dma_start3A_496 = tpu.memref_slice %dma_start3A_494[%dma_start3A_482, %dma_start3A_495] : memref<4x128xi32, #tpu.memory_space<vmem>> -> memref<1x128xi32, #tpu.memory_space<vmem>>
        %dma_start3A_497 = tpu.memref_squeeze %dma_start3A_496 : memref<1x128xi32, #tpu.memory_space<vmem>> -> memref<128xi32, #tpu.memory_space<vmem>>
        %dma_start3A_498 = arith.constant 0 : i32
        %dma_start3A_499 = arith.constant 0 : i32
        %dma_start3A_500 = tpu.memref_slice %arg2[%dma_start3A_498, %dma_start3A_499] : memref<1007616x64xf32, #tpu.memory_space<hbm>> -> memref<1007616x64xf32, #tpu.memory_space<hbm>>
        tpu.enqueue_indirect_dma source(%dma_start3A_500 : memref<1007616x64xf32, #tpu.memory_space<hbm>>) target(%dma_start3A_490 : memref<128x64xf32, #tpu.memory_space<vmem>>) offsets(%dma_start3A_497 : memref<128xi32, #tpu.memory_space<vmem>>) semaphore(%arg7 : memref<!tpu.dma_semaphore, #tpu.memory_space<semaphore_mem>>)
      } else {
      }
      %add3A_305 = arith.constant 1 : i32
      %add3A_306 = arith.addi %mul3A_107, %add3A_305 : i32
      %dma_wait3A_307 = arith.constant 1 : i32
      %dma_wait3A_308 = arith.constant 0 : i32
      %dma_wait3A_309 = arith.constant 1 : i32
      %dma_wait3A_310 = arith.constant 0 : i32
      %dma_wait3A_311 = arith.constant 0 : i32
      %dma_wait3A_312 = tpu.memref_slice %arg6[%dma_wait3A_309, %dma_wait3A_310, %dma_wait3A_311] : memref<2x512x64xf32, #tpu.memory_space<vmem>> -> memref<1x512x64xf32, #tpu.memory_space<vmem>>
      %dma_wait3A_313 = tpu.memref_squeeze %dma_wait3A_312 : memref<1x512x64xf32, #tpu.memory_space<vmem>> -> memref<512x64xf32, #tpu.memory_space<vmem>>
      %dma_wait3A_314 = arith.constant 0 : i32
      %dma_wait3A_315 = arith.constant 0 : i32
      %dma_wait3A_316 = tpu.memref_slice %dma_wait3A_313[%dma_wait3A_314, %dma_wait3A_315] : memref<512x64xf32, #tpu.memory_space<vmem>> -> memref<128x64xf32, #tpu.memory_space<vmem>>
      %dma_wait3A_317 = arith.constant 0 : i32
      %dma_wait3A_318 = arith.constant 0 : i32
      %dma_wait3A_319 = tpu.memref_slice %arg5[%dma_wait3A_307, %dma_wait3A_317, %dma_wait3A_318] : memref<2x4x128xi32, #tpu.memory_space<vmem>> -> memref<1x4x128xi32, #tpu.memory_space<vmem>>
      %dma_wait3A_320 = tpu.memref_squeeze %dma_wait3A_319 : memref<1x4x128xi32, #tpu.memory_space<vmem>> -> memref<4x128xi32, #tpu.memory_space<vmem>>
      %dma_wait3A_321 = arith.constant 0 : i32
      %dma_wait3A_322 = tpu.memref_slice %dma_wait3A_320[%dma_wait3A_308, %dma_wait3A_321] : memref<4x128xi32, #tpu.memory_space<vmem>> -> memref<1x128xi32, #tpu.memory_space<vmem>>
      %dma_wait3A_323 = tpu.memref_squeeze %dma_wait3A_322 : memref<1x128xi32, #tpu.memory_space<vmem>> -> memref<128xi32, #tpu.memory_space<vmem>>
      %dma_wait3A_324 = arith.constant 0 : i32
      %dma_wait3A_325 = arith.constant 0 : i32
      %dma_wait3A_326 = tpu.memref_slice %arg2[%dma_wait3A_324, %dma_wait3A_325] : memref<1007616x64xf32, #tpu.memory_space<hbm>> -> memref<1007616x64xf32, #tpu.memory_space<hbm>>
      tpu.wait_indirect_dma semaphore(%arg8 : memref<!tpu.dma_semaphore, #tpu.memory_space<semaphore_mem>>) src(%dma_wait3A_326 : memref<1007616x64xf32, #tpu.memory_space<hbm>>) dst(%dma_wait3A_316 : memref<128x64xf32, #tpu.memory_space<vmem>>)
      %dma_wait3A_327 = arith.constant 1 : i32
      %dma_wait3A_328 = arith.constant 1 : i32
      %dma_wait3A_329 = arith.constant 1 : i32
      %dma_wait3A_330 = arith.constant 0 : i32
      %dma_wait3A_331 = arith.constant 0 : i32
      %dma_wait3A_332 = tpu.memref_slice %arg6[%dma_wait3A_329, %dma_wait3A_330, %dma_wait3A_331] : memref<2x512x64xf32, #tpu.memory_space<vmem>> -> memref<1x512x64xf32, #tpu.memory_space<vmem>>
      %dma_wait3A_333 = tpu.memref_squeeze %dma_wait3A_332 : memref<1x512x64xf32, #tpu.memory_space<vmem>> -> memref<512x64xf32, #tpu.memory_space<vmem>>
      %dma_wait3A_334 = arith.constant 128 : i32
      %dma_wait3A_335 = arith.constant 0 : i32
      %dma_wait3A_336 = tpu.memref_slice %dma_wait3A_333[%dma_wait3A_334, %dma_wait3A_335] : memref<512x64xf32, #tpu.memory_space<vmem>> -> memref<128x64xf32, #tpu.memory_space<vmem>>
      %dma_wait3A_337 = arith.constant 0 : i32
      %dma_wait3A_338 = arith.constant 0 : i32
      %dma_wait3A_339 = tpu.memref_slice %arg5[%dma_wait3A_327, %dma_wait3A_337, %dma_wait3A_338] : memref<2x4x128xi32, #tpu.memory_space<vmem>> -> memref<1x4x128xi32, #tpu.memory_space<vmem>>
      %dma_wait3A_340 = tpu.memref_squeeze %dma_wait3A_339 : memref<1x4x128xi32, #tpu.memory_space<vmem>> -> memref<4x128xi32, #tpu.memory_space<vmem>>
      %dma_wait3A_341 = arith.constant 0 : i32
      %dma_wait3A_342 = tpu.memref_slice %dma_wait3A_340[%dma_wait3A_328, %dma_wait3A_341] : memref<4x128xi32, #tpu.memory_space<vmem>> -> memref<1x128xi32, #tpu.memory_space<vmem>>
      %dma_wait3A_343 = tpu.memref_squeeze %dma_wait3A_342 : memref<1x128xi32, #tpu.memory_space<vmem>> -> memref<128xi32, #tpu.memory_space<vmem>>
      %dma_wait3A_344 = arith.constant 0 : i32
      %dma_wait3A_345 = arith.constant 0 : i32
      %dma_wait3A_346 = tpu.memref_slice %arg2[%dma_wait3A_344, %dma_wait3A_345] : memref<1007616x64xf32, #tpu.memory_space<hbm>> -> memref<1007616x64xf32, #tpu.memory_space<hbm>>
      tpu.wait_indirect_dma semaphore(%arg8 : memref<!tpu.dma_semaphore, #tpu.memory_space<semaphore_mem>>) src(%dma_wait3A_346 : memref<1007616x64xf32, #tpu.memory_space<hbm>>) dst(%dma_wait3A_336 : memref<128x64xf32, #tpu.memory_space<vmem>>)
      %dma_wait3A_347 = arith.constant 1 : i32
      %dma_wait3A_348 = arith.constant 2 : i32
      %dma_wait3A_349 = arith.constant 1 : i32
      %dma_wait3A_350 = arith.constant 0 : i32
      %dma_wait3A_351 = arith.constant 0 : i32
      %dma_wait3A_352 = tpu.memref_slice %arg6[%dma_wait3A_349, %dma_wait3A_350, %dma_wait3A_351] : memref<2x512x64xf32, #tpu.memory_space<vmem>> -> memref<1x512x64xf32, #tpu.memory_space<vmem>>
      %dma_wait3A_353 = tpu.memref_squeeze %dma_wait3A_352 : memref<1x512x64xf32, #tpu.memory_space<vmem>> -> memref<512x64xf32, #tpu.memory_space<vmem>>
      %dma_wait3A_354 = arith.constant 256 : i32
      %dma_wait3A_355 = arith.constant 0 : i32
      %dma_wait3A_356 = tpu.memref_slice %dma_wait3A_353[%dma_wait3A_354, %dma_wait3A_355] : memref<512x64xf32, #tpu.memory_space<vmem>> -> memref<128x64xf32, #tpu.memory_space<vmem>>
      %dma_wait3A_357 = arith.constant 0 : i32
      %dma_wait3A_358 = arith.constant 0 : i32
      %dma_wait3A_359 = tpu.memref_slice %arg5[%dma_wait3A_347, %dma_wait3A_357, %dma_wait3A_358] : memref<2x4x128xi32, #tpu.memory_space<vmem>> -> memref<1x4x128xi32, #tpu.memory_space<vmem>>
      %dma_wait3A_360 = tpu.memref_squeeze %dma_wait3A_359 : memref<1x4x128xi32, #tpu.memory_space<vmem>> -> memref<4x128xi32, #tpu.memory_space<vmem>>
      %dma_wait3A_361 = arith.constant 0 : i32
      %dma_wait3A_362 = tpu.memref_slice %dma_wait3A_360[%dma_wait3A_348, %dma_wait3A_361] : memref<4x128xi32, #tpu.memory_space<vmem>> -> memref<1x128xi32, #tpu.memory_space<vmem>>
      %dma_wait3A_363 = tpu.memref_squeeze %dma_wait3A_362 : memref<1x128xi32, #tpu.memory_space<vmem>> -> memref<128xi32, #tpu.memory_space<vmem>>
      %dma_wait3A_364 = arith.constant 0 : i32
      %dma_wait3A_365 = arith.constant 0 : i32
      %dma_wait3A_366 = tpu.memref_slice %arg2[%dma_wait3A_364, %dma_wait3A_365] : memref<1007616x64xf32, #tpu.memory_space<hbm>> -> memref<1007616x64xf32, #tpu.memory_space<hbm>>
      tpu.wait_indirect_dma semaphore(%arg8 : memref<!tpu.dma_semaphore, #tpu.memory_space<semaphore_mem>>) src(%dma_wait3A_366 : memref<1007616x64xf32, #tpu.memory_space<hbm>>) dst(%dma_wait3A_356 : memref<128x64xf32, #tpu.memory_space<vmem>>)
      %dma_wait3A_367 = arith.constant 1 : i32
      %dma_wait3A_368 = arith.constant 3 : i32
      %dma_wait3A_369 = arith.constant 1 : i32
      %dma_wait3A_370 = arith.constant 0 : i32
      %dma_wait3A_371 = arith.constant 0 : i32
      %dma_wait3A_372 = tpu.memref_slice %arg6[%dma_wait3A_369, %dma_wait3A_370, %dma_wait3A_371] : memref<2x512x64xf32, #tpu.memory_space<vmem>> -> memref<1x512x64xf32, #tpu.memory_space<vmem>>
      %dma_wait3A_373 = tpu.memref_squeeze %dma_wait3A_372 : memref<1x512x64xf32, #tpu.memory_space<vmem>> -> memref<512x64xf32, #tpu.memory_space<vmem>>
      %dma_wait3A_374 = arith.constant 384 : i32
      %dma_wait3A_375 = arith.constant 0 : i32
      %dma_wait3A_376 = tpu.memref_slice %dma_wait3A_373[%dma_wait3A_374, %dma_wait3A_375] : memref<512x64xf32, #tpu.memory_space<vmem>> -> memref<128x64xf32, #tpu.memory_space<vmem>>
      %dma_wait3A_377 = arith.constant 0 : i32
      %dma_wait3A_378 = arith.constant 0 : i32
      %dma_wait3A_379 = tpu.memref_slice %arg5[%dma_wait3A_367, %dma_wait3A_377, %dma_wait3A_378] : memref<2x4x128xi32, #tpu.memory_space<vmem>> -> memref<1x4x128xi32, #tpu.memory_space<vmem>>
      %dma_wait3A_380 = tpu.memref_squeeze %dma_wait3A_379 : memref<1x4x128xi32, #tpu.memory_space<vmem>> -> memref<4x128xi32, #tpu.memory_space<vmem>>
      %dma_wait3A_381 = arith.constant 0 : i32
      %dma_wait3A_382 = tpu.memref_slice %dma_wait3A_380[%dma_wait3A_368, %dma_wait3A_381] : memref<4x128xi32, #tpu.memory_space<vmem>> -> memref<1x128xi32, #tpu.memory_space<vmem>>
      %dma_wait3A_383 = tpu.memref_squeeze %dma_wait3A_382 : memref<1x128xi32, #tpu.memory_space<vmem>> -> memref<128xi32, #tpu.memory_space<vmem>>
      %dma_wait3A_384 = arith.constant 0 : i32
      %dma_wait3A_385 = arith.constant 0 : i32
      %dma_wait3A_386 = tpu.memref_slice %arg2[%dma_wait3A_384, %dma_wait3A_385] : memref<1007616x64xf32, #tpu.memory_space<hbm>> -> memref<1007616x64xf32, #tpu.memory_space<hbm>>
      tpu.wait_indirect_dma semaphore(%arg8 : memref<!tpu.dma_semaphore, #tpu.memory_space<semaphore_mem>>) src(%dma_wait3A_386 : memref<1007616x64xf32, #tpu.memory_space<hbm>>) dst(%dma_wait3A_376 : memref<128x64xf32, #tpu.memory_space<vmem>>)
      %mul3A_387 = arith.constant 512 : i32
      %mul3A_388 = arith.muli %add3A_306, %mul3A_387 : i32
      %add3A_389 = arith.addi %mul3A_2, %mul3A_388 : i32
      %run_scoped3A_390 = arith.constant 1 : i32
      "tpu.region"() ({
        %run_scoped3A_391 = tpu.sem_alloc : memref<!tpu.dma_semaphore, #tpu.memory_space<semaphore_mem>>
        %dma_start3A_392 = arith.constant 0 : i32
        %dma_start3A_393 = arith.constant 0 : i32
        %dma_start3A_394 = tpu.memref_slice %arg6[%run_scoped3A_390, %dma_start3A_392, %dma_start3A_393] : memref<2x512x64xf32, #tpu.memory_space<vmem>> -> memref<1x512x64xf32, #tpu.memory_space<vmem>>
        %dma_start3A_395 = tpu.memref_squeeze %dma_start3A_394 : memref<1x512x64xf32, #tpu.memory_space<vmem>> -> memref<512x64xf32, #tpu.memory_space<vmem>>
        %dma_start3A_396 = arith.constant 0 : i32
        %dma_start3A_397 = tpu.memref_slice %arg4[%add3A_389, %dma_start3A_396] : memref<819200x64xf32, #tpu.memory_space<hbm>> -> memref<512x64xf32, #tpu.memory_space<hbm>>
        %dma_start3A_398 = arith.constant 0 : i32
        %dma_start3A_399 = tpu.memref_slice %arg4[%add3A_389, %dma_start3A_398] : memref<819200x64xf32, #tpu.memory_space<hbm>> -> memref<512x64xf32, #tpu.memory_space<hbm>>
        %dma_start3A_400 = arith.constant 0 : i32
        %dma_start3A_401 = arith.constant 0 : i32
        %dma_start3A_402 = tpu.memref_slice %arg6[%run_scoped3A_390, %dma_start3A_400, %dma_start3A_401] : memref<2x512x64xf32, #tpu.memory_space<vmem>> -> memref<1x512x64xf32, #tpu.memory_space<vmem>>
        %dma_start3A_403 = tpu.memref_squeeze %dma_start3A_402 : memref<1x512x64xf32, #tpu.memory_space<vmem>> -> memref<512x64xf32, #tpu.memory_space<vmem>>
        tpu.enqueue_dma source(%dma_start3A_403 : memref<512x64xf32, #tpu.memory_space<vmem>>) target(%dma_start3A_399 : memref<512x64xf32, #tpu.memory_space<hbm>>) target_semaphore(%run_scoped3A_391 : memref<!tpu.dma_semaphore, #tpu.memory_space<semaphore_mem>>)
        %dma_wait3A_404 = arith.constant 0 : i32
        %dma_wait3A_405 = arith.constant 0 : i32
        %dma_wait3A_406 = tpu.memref_slice %arg6[%run_scoped3A_390, %dma_wait3A_404, %dma_wait3A_405] : memref<2x512x64xf32, #tpu.memory_space<vmem>> -> memref<1x512x64xf32, #tpu.memory_space<vmem>>
        %dma_wait3A_407 = tpu.memref_squeeze %dma_wait3A_406 : memref<1x512x64xf32, #tpu.memory_space<vmem>> -> memref<512x64xf32, #tpu.memory_space<vmem>>
        %dma_wait3A_408 = arith.constant 0 : i32
        %dma_wait3A_409 = tpu.memref_slice %arg4[%add3A_389, %dma_wait3A_408] : memref<819200x64xf32, #tpu.memory_space<hbm>> -> memref<512x64xf32, #tpu.memory_space<hbm>>
        %dma_wait3A_410 = arith.constant 0 : i32
        %dma_wait3A_411 = tpu.memref_slice %arg4[%add3A_389, %dma_wait3A_410] : memref<819200x64xf32, #tpu.memory_space<hbm>> -> memref<512x64xf32, #tpu.memory_space<hbm>>
        %dma_wait3A_412 = arith.constant 0 : i32
        %dma_wait3A_413 = arith.constant 0 : i32
        %dma_wait3A_414 = tpu.memref_slice %arg6[%run_scoped3A_390, %dma_wait3A_412, %dma_wait3A_413] : memref<2x512x64xf32, #tpu.memory_space<vmem>> -> memref<1x512x64xf32, #tpu.memory_space<vmem>>
        %dma_wait3A_415 = tpu.memref_squeeze %dma_wait3A_414 : memref<1x512x64xf32, #tpu.memory_space<vmem>> -> memref<512x64xf32, #tpu.memory_space<vmem>>
        tpu.wait_dma2 semaphore(%run_scoped3A_391 : memref<!tpu.dma_semaphore, #tpu.memory_space<semaphore_mem>>) src(%dma_wait3A_415 : memref<512x64xf32, #tpu.memory_space<vmem>>) dst(%dma_wait3A_411 : memref<512x64xf32, #tpu.memory_space<hbm>>)
        tpu.yield
      }) : () -> ()
    }
    %scan3A_104 = arith.constant 25 : i32
    return
  }
}

module attributes {stable_mosaic.version = 14 : i64} {
  func.func @_repack_kernel(%arg0: i32, %arg1: memref<64x8192xf32, #tpu.memory_space<vmem>>, %arg2: memref<4096x128xf32, #tpu.memory_space<vmem>>) attributes {dimension_semantics = [#tpu.dimension_semantics<arbitrary>], iteration_bounds = array<i64: 123>, scalar_prefetch = 0 : i64, scratch_operands = 0 : i64, tpu.core_type = #tpu.core_type<tc>, window_params = [{transform_indices = @transform_0, window_bounds = array<i64: 64, 8192>}, {transform_indices = @transform_1, window_bounds = array<i64: 4096, 128>}]} {
    %get3A = arith.constant 0 : index
    %get3A_0 = arith.constant 0 : index
    %get3A_1 = vector.load %arg1[%get3A, %get3A_0] : memref<64x8192xf32, #tpu.memory_space<vmem>>, vector<64x8192xf32>
    %slice3A = vector.extract_strided_slice %get3A_1 {offsets = [0, 0], sizes = [64, 4096], strides = [1, 1]} : vector<64x8192xf32> to vector<64x4096xf32>
    %transpose3A = tpu.transpose %slice3A, [1, 0] : vector<64x4096xf32> -> vector<4096x64xf32>
    %slice3A_2 = vector.extract_strided_slice %get3A_1 {offsets = [0, 4096], sizes = [64, 4096], strides = [1, 1]} : vector<64x8192xf32> to vector<64x4096xf32>
    %transpose3A_3 = tpu.transpose %slice3A_2, [1, 0] : vector<64x4096xf32> -> vector<4096x64xf32>
    %concatenate3A = tpu.concatenate %transpose3A, %transpose3A_3 in 1 : vector<4096x64xf32>, vector<4096x64xf32> -> vector<4096x128xf32>
    %swap3A = arith.constant 0 : index
    %swap3A_4 = arith.constant 0 : index
    %swap3A_5 = vector.load %arg2[%swap3A, %swap3A_4] : memref<4096x128xf32, #tpu.memory_space<vmem>>, vector<4096x128xf32>
    tpu.vector_store %arg2[%swap3A, %swap3A_4], %concatenate3A {strides = array<i32>} : memref<4096x128xf32, #tpu.memory_space<vmem>>, vector<4096x128xf32>,
    return
  }
  func.func @transform_0(%arg0: i32) -> (i32, i32) {
    %c0_i32 = arith.constant 0 : i32
    %c0_i32_0 = arith.constant 0 : i32
    return %c0_i32, %arg0 : i32, i32
  }
  func.func @transform_1(%arg0: i32) -> (i32, i32) {
    %c0_i32 = arith.constant 0 : i32
    %c0_i32_0 = arith.constant 0 : i32
    return %arg0, %c0_i32 : i32, i32
  }
}

module attributes {stable_mosaic.version = 14 : i64} {
  func.func @_dense_kernel(%arg0: i32, %arg1: memref<50x128x128xf32, #tpu.memory_space<vmem>>, %arg2: memref<50x128x128xf32, #tpu.memory_space<vmem>>, %arg3: memref<128x256xf32, #tpu.memory_space<vmem>>, %arg4: memref<1x256xf32, #tpu.memory_space<vmem>>, %arg5: memref<128x128xf32, #tpu.memory_space<vmem>>, %arg6: memref<128x128xf32, #tpu.memory_space<vmem>>, %arg7: memref<1x128xf32, #tpu.memory_space<vmem>>, %arg8: memref<1x128xf32, #tpu.memory_space<vmem>>, %arg9: memref<1xf32, #tpu.memory_space<smem>>, %arg10: memref<1x2x128xf32, #tpu.memory_space<vmem>>) attributes {dimension_semantics = [#tpu.dimension_semantics<arbitrary>], iteration_bounds = array<i64: 32>, scalar_prefetch = 0 : i64, scratch_operands = 0 : i64, tpu.core_type = #tpu.core_type<tc>, window_params = [{transform_indices = @transform_0, window_bounds = array<i64: 50, 128, 128>}, {transform_indices = @transform_1, window_bounds = array<i64: 50, 128, 128>}, {pipeline_mode = #tpu.pipeline_mode<synchronous>, transform_indices = @transform_2, window_bounds = array<i64: 128, 256>}, {pipeline_mode = #tpu.pipeline_mode<synchronous>, transform_indices = @transform_3, window_bounds = array<i64: 1, 256>}, {pipeline_mode = #tpu.pipeline_mode<synchronous>, transform_indices = @transform_4, window_bounds = array<i64: 128, 128>}, {pipeline_mode = #tpu.pipeline_mode<synchronous>, transform_indices = @transform_5, window_bounds = array<i64: 128, 128>}, {pipeline_mode = #tpu.pipeline_mode<synchronous>, transform_indices = @transform_6, window_bounds = array<i64: 1, 128>}, {pipeline_mode = #tpu.pipeline_mode<synchronous>, transform_indices = @transform_7, window_bounds = array<i64: 1, 128>}, {transform_indices = @transform_8, window_bounds = array<i64: 1>}, {transform_indices = @transform_9, window_bounds = array<i64: 1, 2, 128>}]} {
    %get3A = arith.constant 0 : index
    %get3A_0 = arith.constant 0 : index
    %get3A_1 = vector.load %arg3[%get3A, %get3A_0] : memref<128x256xf32, #tpu.memory_space<vmem>>, vector<128x256xf32>
    %convert_element_type3A = arith.truncf %get3A_1 : vector<128x256xf32> to vector<128x256xbf16>
    %get3A_2 = arith.constant 0 : index
    %get3A_3 = arith.constant 0 : index
    %get3A_4 = vector.load %arg4[%get3A_2, %get3A_3] : memref<1x256xf32, #tpu.memory_space<vmem>>, vector<1x256xf32>
    %get3A_5 = arith.constant 0 : index
    %get3A_6 = arith.constant 0 : index
    %get3A_7 = arith.constant 0 : index
    %get3A_8 = vector.load %arg1[%get3A_5, %get3A_6, %get3A_7] : memref<50x128x128xf32, #tpu.memory_space<vmem>>, vector<50x128x128xf32>
    %reshape3A = vector.shape_cast %get3A_8 : vector<50x128x128xf32> to vector<6400x128xf32>
    %convert_element_type3A_9 = arith.truncf %reshape3A : vector<6400x128xf32> to vector<6400x128xbf16>
    %dot_general3A = arith.constant dense<0.000000e+00> : vector<6400x256xf32>
    %dot_general3A_10 = tpu.matmul %convert_element_type3A_9, %convert_element_type3A, %dot_general3A {dimension_numbers = #tpu.dot_dimension_numbers<[1], [0], [0], [1], [0, 0, 1, 1], [], []>, transpose_lhs_hint = false} : vector<6400x128xbf16>, vector<128x256xbf16>, vector<6400x256xf32> -> vector<6400x256xf32>
    %add3A = vector.broadcast %get3A_4 : vector<1x256xf32> to vector<6400x256xf32>
    %add3A_11 = arith.addf %dot_general3A_10, %add3A : vector<6400x256xf32>
    %max3A = arith.constant 0.000000e+00 : f32
    %max3A_12 = vector.broadcast %max3A : f32 to vector<6400x256xf32>
    %max3A_13 = arith.maximumf %add3A_11, %max3A_12 : vector<6400x256xf32>
    %reshape3A_14 = vector.shape_cast %max3A_13 : vector<6400x256xf32> to vector<50x128x256xf32>
    %reduce_sum3A = arith.constant dense<0.000000e+00> : vector<128x256xf32>
    %reduce_sum3A_15 = vector.multi_reduction <add>, %reshape3A_14, %reduce_sum3A [0] : vector<50x128x256xf32> to vector<128x256xf32>
    %slice3A = vector.extract_strided_slice %reduce_sum3A_15 {offsets = [0, 0], sizes = [128, 128], strides = [1, 1]} : vector<128x256xf32> to vector<128x128xf32>
    %mul3A = arith.constant 2.000000e-02 : f32
    %mul3A_16 = vector.broadcast %mul3A : f32 to vector<128x128xf32>
    %mul3A_17 = arith.mulf %slice3A, %mul3A_16 : vector<128x128xf32>
    %slice3A_18 = vector.extract_strided_slice %reduce_sum3A_15 {offsets = [0, 128], sizes = [128, 128], strides = [1, 1]} : vector<128x256xf32> to vector<128x128xf32>
    %mul3A_19 = arith.constant 2.000000e-02 : f32
    %mul3A_20 = vector.broadcast %mul3A_19 : f32 to vector<128x128xf32>
    %mul3A_21 = arith.mulf %slice3A_18, %mul3A_20 : vector<128x128xf32>
    %get3A_22 = arith.constant 0 : index
    %get3A_23 = arith.constant 0 : index
    %get3A_24 = arith.constant 0 : index
    %get3A_25 = vector.load %arg2[%get3A_22, %get3A_23, %get3A_24] : memref<50x128x128xf32, #tpu.memory_space<vmem>>, vector<50x128x128xf32>
    %reshape3A_26 = vector.shape_cast %get3A_25 : vector<50x128x128xf32> to vector<6400x128xf32>
    %convert_element_type3A_27 = arith.truncf %reshape3A_26 : vector<6400x128xf32> to vector<6400x128xbf16>
    %dot_general3A_28 = arith.constant dense<0.000000e+00> : vector<6400x256xf32>
    %dot_general3A_29 = tpu.matmul %convert_element_type3A_27, %convert_element_type3A, %dot_general3A_28 {dimension_numbers = #tpu.dot_dimension_numbers<[1], [0], [0], [1], [0, 0, 1, 1], [], []>, transpose_lhs_hint = false} : vector<6400x128xbf16>, vector<128x256xbf16>, vector<6400x256xf32> -> vector<6400x256xf32>
    %add3A_30 = vector.broadcast %get3A_4 : vector<1x256xf32> to vector<6400x256xf32>
    %add3A_31 = arith.addf %dot_general3A_29, %add3A_30 : vector<6400x256xf32>
    %max3A_32 = arith.constant 0.000000e+00 : f32
    %max3A_33 = vector.broadcast %max3A_32 : f32 to vector<6400x256xf32>
    %max3A_34 = arith.maximumf %add3A_31, %max3A_33 : vector<6400x256xf32>
    %reshape3A_35 = vector.shape_cast %max3A_34 : vector<6400x256xf32> to vector<50x128x256xf32>
    %reduce_sum3A_36 = arith.constant dense<0.000000e+00> : vector<128x256xf32>
    %reduce_sum3A_37 = vector.multi_reduction <add>, %reshape3A_35, %reduce_sum3A_36 [0] : vector<50x128x256xf32> to vector<128x256xf32>
    %slice3A_38 = vector.extract_strided_slice %reduce_sum3A_37 {offsets = [0, 0], sizes = [128, 128], strides = [1, 1]} : vector<128x256xf32> to vector<128x128xf32>
    %mul3A_39 = arith.constant 2.000000e-02 : f32
    %mul3A_40 = vector.broadcast %mul3A_39 : f32 to vector<128x128xf32>
    %mul3A_41 = arith.mulf %slice3A_38, %mul3A_40 : vector<128x128xf32>
    %slice3A_42 = vector.extract_strided_slice %reduce_sum3A_37 {offsets = [0, 128], sizes = [128, 128], strides = [1, 1]} : vector<128x256xf32> to vector<128x128xf32>
    %mul3A_43 = arith.constant 2.000000e-02 : f32
    %mul3A_44 = vector.broadcast %mul3A_43 : f32 to vector<128x128xf32>
    %mul3A_45 = arith.mulf %slice3A_42, %mul3A_44 : vector<128x128xf32>
    %get3A_46 = arith.constant 0 : index
    %get3A_47 = arith.constant 0 : index
    %get3A_48 = vector.load %arg5[%get3A_46, %get3A_47] : memref<128x128xf32, #tpu.memory_space<vmem>>, vector<128x128xf32>
    %convert_element_type3A_49 = arith.truncf %get3A_48 : vector<128x128xf32> to vector<128x128xbf16>
    %get3A_50 = arith.constant 0 : index
    %get3A_51 = arith.constant 0 : index
    %get3A_52 = vector.load %arg6[%get3A_50, %get3A_51] : memref<128x128xf32, #tpu.memory_space<vmem>>, vector<128x128xf32>
    %convert_element_type3A_53 = arith.truncf %get3A_52 : vector<128x128xf32> to vector<128x128xbf16>
    %convert_element_type3A_54 = arith.truncf %mul3A_17 : vector<128x128xf32> to vector<128x128xbf16>
    %dot_general3A_55 = arith.constant dense<0.000000e+00> : vector<128x128xf32>
    %dot_general3A_56 = tpu.matmul %convert_element_type3A_54, %convert_element_type3A_49, %dot_general3A_55 {dimension_numbers = #tpu.dot_dimension_numbers<[1], [0], [0], [1], [0, 0, 1, 1], [], []>, transpose_lhs_hint = false} : vector<128x128xbf16>, vector<128x128xbf16>, vector<128x128xf32> -> vector<128x128xf32>
    %convert_element_type3A_57 = arith.truncf %mul3A_41 : vector<128x128xf32> to vector<128x128xbf16>
    %dot_general3A_58 = arith.constant dense<0.000000e+00> : vector<128x128xf32>
    %dot_general3A_59 = tpu.matmul %convert_element_type3A_57, %convert_element_type3A_53, %dot_general3A_58 {dimension_numbers = #tpu.dot_dimension_numbers<[1], [0], [0], [1], [0, 0, 1, 1], [], []>, transpose_lhs_hint = false} : vector<128x128xbf16>, vector<128x128xbf16>, vector<128x128xf32> -> vector<128x128xf32>
    %add3A_60 = arith.addf %dot_general3A_56, %dot_general3A_59 : vector<128x128xf32>
    %get3A_61 = arith.constant 0 : index
    %get3A_62 = arith.constant 0 : index
    %get3A_63 = vector.load %arg7[%get3A_61, %get3A_62] : memref<1x128xf32, #tpu.memory_space<vmem>>, vector<1x128xf32>
    %add3A_64 = vector.broadcast %get3A_63 : vector<1x128xf32> to vector<128x128xf32>
    %add3A_65 = arith.addf %add3A_60, %add3A_64 : vector<128x128xf32>
    %max3A_66 = arith.constant 0.000000e+00 : f32
    %max3A_67 = vector.broadcast %max3A_66 : f32 to vector<128x128xf32>
    %max3A_68 = arith.maximumf %add3A_65, %max3A_67 : vector<128x128xf32>
    %get3A_69 = arith.constant 0 : index
    %get3A_70 = arith.constant 0 : index
    %get3A_71 = vector.load %arg8[%get3A_69, %get3A_70] : memref<1x128xf32, #tpu.memory_space<vmem>>, vector<1x128xf32>
    %mul3A_72 = vector.broadcast %get3A_71 : vector<1x128xf32> to vector<128x128xf32>
    %mul3A_73 = arith.mulf %max3A_68, %mul3A_72 : vector<128x128xf32>
    %reduce_sum3A_74 = arith.constant dense<0.000000e+00> : vector<128xf32>
    %reduce_sum3A_75 = vector.multi_reduction <add>, %mul3A_73, %reduce_sum3A_74 [1] : vector<128x128xf32> to vector<128xf32>
    %get3A_76 = arith.constant 0 : index
    %get3A_77 = memref.load %arg9[%get3A_76] : memref<1xf32, #tpu.memory_space<smem>>
    %add3A_78 = vector.broadcast %get3A_77 : f32 to vector<128xf32>
    %add3A_79 = arith.addf %reduce_sum3A_75, %add3A_78 : vector<128xf32>
    %swap3A = arith.constant 0 : index
    %swap3A_80 = arith.constant 0 : index
    %swap3A_81 = arith.constant 0 : index
    %swap3A_82 = vector.load %arg10[%swap3A, %swap3A_80, %swap3A_81] : memref<1x2x128xf32, #tpu.memory_space<vmem>>, vector<1x1x128xf32>
    %swap3A_83 = vector.shape_cast %swap3A_82 : vector<1x1x128xf32> to vector<128xf32>
    %swap3A_84 = vector.shape_cast %add3A_79 : vector<128xf32> to vector<1x1x128xf32>
    tpu.vector_store %arg10[%swap3A, %swap3A_80, %swap3A_81], %swap3A_84 {strides = array<i32>} : memref<1x2x128xf32, #tpu.memory_space<vmem>>, vector<1x1x128xf32>,
    %convert_element_type3A_85 = arith.truncf %mul3A_21 : vector<128x128xf32> to vector<128x128xbf16>
    %dot_general3A_86 = arith.constant dense<0.000000e+00> : vector<128x128xf32>
    %dot_general3A_87 = tpu.matmul %convert_element_type3A_85, %convert_element_type3A_49, %dot_general3A_86 {dimension_numbers = #tpu.dot_dimension_numbers<[1], [0], [0], [1], [0, 0, 1, 1], [], []>, transpose_lhs_hint = false} : vector<128x128xbf16>, vector<128x128xbf16>, vector<128x128xf32> -> vector<128x128xf32>
    %convert_element_type3A_88 = arith.truncf %mul3A_45 : vector<128x128xf32> to vector<128x128xbf16>
    %dot_general3A_89 = arith.constant dense<0.000000e+00> : vector<128x128xf32>
    %dot_general3A_90 = tpu.matmul %convert_element_type3A_88, %convert_element_type3A_53, %dot_general3A_89 {dimension_numbers = #tpu.dot_dimension_numbers<[1], [0], [0], [1], [0, 0, 1, 1], [], []>, transpose_lhs_hint = false} : vector<128x128xbf16>, vector<128x128xbf16>, vector<128x128xf32> -> vector<128x128xf32>
    %add3A_91 = arith.addf %dot_general3A_87, %dot_general3A_90 : vector<128x128xf32>
    %get3A_92 = arith.constant 0 : index
    %get3A_93 = arith.constant 0 : index
    %get3A_94 = vector.load %arg7[%get3A_92, %get3A_93] : memref<1x128xf32, #tpu.memory_space<vmem>>, vector<1x128xf32>
    %add3A_95 = vector.broadcast %get3A_94 : vector<1x128xf32> to vector<128x128xf32>
    %add3A_96 = arith.addf %add3A_91, %add3A_95 : vector<128x128xf32>
    %max3A_97 = arith.constant 0.000000e+00 : f32
    %max3A_98 = vector.broadcast %max3A_97 : f32 to vector<128x128xf32>
    %max3A_99 = arith.maximumf %add3A_96, %max3A_98 : vector<128x128xf32>
    %get3A_100 = arith.constant 0 : index
    %get3A_101 = arith.constant 0 : index
    %get3A_102 = vector.load %arg8[%get3A_100, %get3A_101] : memref<1x128xf32, #tpu.memory_space<vmem>>, vector<1x128xf32>
    %mul3A_103 = vector.broadcast %get3A_102 : vector<1x128xf32> to vector<128x128xf32>
    %mul3A_104 = arith.mulf %max3A_99, %mul3A_103 : vector<128x128xf32>
    %reduce_sum3A_105 = arith.constant dense<0.000000e+00> : vector<128xf32>
    %reduce_sum3A_106 = vector.multi_reduction <add>, %mul3A_104, %reduce_sum3A_105 [1] : vector<128x128xf32> to vector<128xf32>
    %get3A_107 = arith.constant 0 : index
    %get3A_108 = memref.load %arg9[%get3A_107] : memref<1xf32, #tpu.memory_space<smem>>
    %add3A_109 = vector.broadcast %get3A_108 : f32 to vector<128xf32>
    %add3A_110 = arith.addf %reduce_sum3A_106, %add3A_109 : vector<128xf32>
    %swap3A_111 = arith.constant 0 : index
    %swap3A_112 = arith.constant 1 : index
    %swap3A_113 = arith.constant 0 : index
    %swap3A_114 = vector.load %arg10[%swap3A_111, %swap3A_112, %swap3A_113] : memref<1x2x128xf32, #tpu.memory_space<vmem>>, vector<1x1x128xf32>
    %swap3A_115 = vector.shape_cast %swap3A_114 : vector<1x1x128xf32> to vector<128xf32>
    %swap3A_116 = vector.shape_cast %add3A_110 : vector<128xf32> to vector<1x1x128xf32>
    tpu.vector_store %arg10[%swap3A_111, %swap3A_112, %swap3A_113], %swap3A_116 {strides = array<i32>} : memref<1x2x128xf32, #tpu.memory_space<vmem>>, vector<1x1x128xf32>,
    return
  }
  func.func @transform_0(%arg0: i32) -> (i32, i32, i32) {
    %c0_i32 = arith.constant 0 : i32
    %c0_i32_0 = arith.constant 0 : i32
    %c0_i32_1 = arith.constant 0 : i32
    return %c0_i32, %arg0, %c0_i32_0 : i32, i32, i32
  }
  func.func @transform_1(%arg0: i32) -> (i32, i32, i32) {
    %c1_i32 = arith.constant 1 : i32
    %c0_i32 = arith.constant 0 : i32
    %c0_i32_0 = arith.constant 0 : i32
    return %c1_i32, %arg0, %c0_i32 : i32, i32, i32
  }
  func.func @transform_2(%arg0: i32) -> (i32, i32) {
    %c0_i32 = arith.constant 0 : i32
    %c0_i32_0 = arith.constant 0 : i32
    %c0_i32_1 = arith.constant 0 : i32
    return %c0_i32, %c0_i32_0 : i32, i32
  }
  func.func @transform_3(%arg0: i32) -> (i32, i32) {
    %c0_i32 = arith.constant 0 : i32
    %c0_i32_0 = arith.constant 0 : i32
    %c0_i32_1 = arith.constant 0 : i32
    return %c0_i32, %c0_i32_0 : i32, i32
  }
  func.func @transform_4(%arg0: i32) -> (i32, i32) {
    %c0_i32 = arith.constant 0 : i32
    %c0_i32_0 = arith.constant 0 : i32
    %c0_i32_1 = arith.constant 0 : i32
    return %c0_i32, %c0_i32_0 : i32, i32
  }
  func.func @transform_5(%arg0: i32) -> (i32, i32) {
    %c0_i32 = arith.constant 0 : i32
    %c0_i32_0 = arith.constant 0 : i32
    %c0_i32_1 = arith.constant 0 : i32
    return %c0_i32, %c0_i32_0 : i32, i32
  }
  func.func @transform_6(%arg0: i32) -> (i32, i32) {
    %c0_i32 = arith.constant 0 : i32
    %c0_i32_0 = arith.constant 0 : i32
    %c0_i32_1 = arith.constant 0 : i32
    return %c0_i32, %c0_i32_0 : i32, i32
  }
  func.func @transform_7(%arg0: i32) -> (i32, i32) {
    %c0_i32 = arith.constant 0 : i32
    %c0_i32_0 = arith.constant 0 : i32
    %c0_i32_1 = arith.constant 0 : i32
    return %c0_i32, %c0_i32_0 : i32, i32
  }
  func.func @transform_8(%arg0: i32) -> i32 {
    %c0_i32 = arith.constant 0 : i32
    %c0_i32_0 = arith.constant 0 : i32
    return %c0_i32 : i32
  }
  func.func @transform_9(%arg0: i32) -> (i32, i32, i32) {
    %c0_i32 = arith.constant 0 : i32
    %c0_i32_0 = arith.constant 0 : i32
    %c0_i32_1 = arith.constant 0 : i32
    return %arg0, %c0_i32, %c0_i32_0 : i32, i32, i32
  }
}

</mosaic_0001>

<sc_bundles>
// kernel: kernel.10.cloned.1.call-start
scs
__scs_entry_jumppad:
0x0: {  	(pc) =	sbr.rel $0x88, $3  }
0x1: {  	(tag) =	ssettag $0x0;
	lr =	simm.s32 $0x1  }
0x2: {  	[smem:$0x3F98] =	sst lr;
	_ =	strace $0xD0000000  }
0x3: {  	_ = 	snop  }
0x4: {  	_ = 	snop  }
0x5: {  	_ = 	snop  }
0x6: {  	_ = 	snop  }
0x7: {  	_ = 	snop  }
__scs_overlays_trampoline_lowered:
0x8: {  	[smem:$0x3FA7] =	sst s0  }
0x9: {  	[smem:$0x3FA8] =	sst s1  }
0xa: {  	[smem:$0x3FA9] =	sst s2  }
0xb: {  	[smem:$0x3FAA] =	sst s3  }
0xc: {  	[smem:$0x3FAB] =	sst s4  }
0xd: {  	[smem:$0x3FAC] =	sst s5  }
0xe: {  	[smem:$0x3FAD] =	sst s6  }
0xf: {  	[smem:$0x3FAE] =	sst s7  }
0x10: {  	[smem:$0x3FAF] =	sst s8  }
0x11: {  	[smem:$0x3FB0] =	sst s9;
	s0 =	simm.s32 @!p0 $0x0  }
0x12: {  	s1 =	sld [smem:$0x3F96];
	s0 =	simm.s32 @p0 $0x1  }
0x13: {  	[smem:$0x3FB1] =	sst s0;
	s0 =	simm.s32 @!p1 $0x0  }
0x14: {  	s2 =	sld [smem:$0x3F95];
	s0 =	simm.s32 @p1 $0x1  }
0x15: {  	[smem:$0x3FB2] =	sst s0;
	s0 =	simm.s32 @!p2 $0x0  }
0x16: {  	s3 =	sld [smem:$0x3FDB];
	s0 =	simm.s32 @p2 $0x1  }
0x17: {  	s4 =	simm.s32 $0x1BF5;
	[smem:$0x3FB4] =	sst s0  }
0x18: {  	s0 =	sld [smem:$0x3F97];
	_ =	swait.ge [sflag:s4], $0x0  }
0x19: {  	s7 =	sld [smem:$0x3F98]  }
0x1a: {  	s8 =	sadd.s32 $0xFFFFE003, lr  }
0x1b: {  	s9 =	sadd.s32 $0xFFFFFEF7, lr;
	s5 =	simm.s32 $0xFFFFFFFF;
	p2 =	slt.u32 s8, $0xFFFFF086  }
0x1c: {  	p1 =	slt.u32 s9, $0xF7A;
	s5 =	simm.s32 @!p2 $0x0  }
0x1d: {  	s5 =	simm.s32 @p1 $0x1;
	p0 =	seq.s32 s7, s2  }
0x1e: {  	s7 =	smul.u32 @!p0 $0xF7A, s2;
	p2 =	seq.s32 @!p0 s5, $0x0  }
0x1f: {  	s9 =	smul.u32 $0xF7A, s1;
	s8 =	simm.s32 @!p0 $0x1BF5;
	p2 =	por !p2, p0  }
0x20: {  	[sflag:s8] =	ssyncset.s32 @!p0 $0xFFFFF086;
	s6 =	sadd.s32 @!p0 s3, s7;
	s7 =	simm.s32 @!p0 $0x108  }
0x21: {  	s3 =	sadd.s32 s3, s9;
	s6 =	sadd.s32 @!p0 $0x88, s6;
	s7 =	simm.s32 @p2 $0x1082  }
0x22: {  	[simem:s7], [sflag:s8] =	dma.local @!p0 [hbm:s6], $0xF7A  }
0x23: {  	s9 =	sor.u32 $0xD0000000, s2;
	s6 =	simm.s32 $0x108;
	_ =	swait.ge @!p0 [sflag:s8], $0x0  }
0x24: {  	s3 =	sadd.s32 $0x88, s3;
	s6 =	simm.s32 @!p1 $0x1082;
	[sflag:s4] =	ssyncset.s32 $0xFFFFF086  }
0x25: {  	[simem:s6], [sflag:s4] =	dma.local [hbm:s3], $0xF7A  }
0x26: {  	[smem:$0x3F98] =	sst s1;
	(tag) =	ssettag s2;
	_ =	strace s9  }
0x27: {  	s1 =	sld [smem:$0x3FA8]  }
0x28: {  	s2 =	sld [smem:$0x3FA9]  }
0x29: {  	s4 =	sld [smem:$0x3FAB]  }
0x2a: {  	p0 =	seq.s32 s5, $0x0;
	s5 =	sld [smem:$0x3FAC]  }
0x2b: {  	s6 =	sld [smem:$0x3FAD]  }
0x2c: {  	s7 =	sld [smem:$0x3FAE]  }
0x2d: {  	s3 =	simm.s32 $0x108;
	s8 =	sld [smem:$0x3FAF]  }
0x2e: {  	s3 =	simm.s32 @!p0 $0x1082;
	s9 =	sld [smem:$0x3FB0]  }
0x2f: {  	lr =	sadd.s32 s0, s3;
	s0 =	sld [smem:$0x3FA7]  }
0x30: {  	s3 =	sld [smem:$0x3FAA]  }
0x31: {  	[smem:$0x3FB3] =	sst s10  }
0x32: {  	s10 =	sld [smem:$0x3FB1];
	_ =	sdelay $0x3  }
0x33: {  	p0 =	seq.s32 s10, $0x1;
	s10 =	sld [smem:$0x3FB3];
	_ =	sdelay $0x3  }
0x34: {  	[smem:$0x3FB3] =	sst s10  }
0x35: {  	s10 =	sld [smem:$0x3FB2];
	_ =	sdelay $0x3  }
0x36: {  	p1 =	seq.s32 s10, $0x1;
	s10 =	sld [smem:$0x3FB3];
	_ =	sdelay $0x3  }
0x37: {  	[smem:$0x3FB3] =	sst s10  }
0x38: {  	s10 =	sld [smem:$0x3FB4]  }
0x39: {  	_ = 	snop;
	(pc) =	sbr.ind lr, $3  }
0x3a: {  	_ = 	snop  }
0x3b: {  	_ = 	snop  }
0x3c: {  	p2 =	seq.s32 s10, $0x1;
	s10 =	sld [smem:$0x3FB3]  }
0x3d: {  	_ =	shalt  }
0x3e: {  	_ =	shalt  }
0x3f: {  	_ =	shalt  }
0x40: {  	_ =	shalt  }
0x41: {  	_ =	shalt  }
0x42: {  	_ =	shalt  }
0x43: {  	_ =	shalt  }
0x44: {  	_ =	shalt  }
0x45: {  	_ =	shalt  }
0x46: {  	_ =	shalt  }
0x47: {  	_ =	shalt  }
0x48: {  	_ =	shalt  }
0x49: {  	_ =	shalt  }
0x4a: {  	_ =	shalt  }
0x4b: {  	_ =	shalt  }
0x4c: {  	_ =	shalt  }
0x4d: {  	_ =	shalt  }
0x4e: {  	_ =	shalt  }
0x4f: {  	_ =	shalt  }
0x50: {  	_ =	shalt  }
0x51: {  	_ =	shalt  }
0x52: {  	_ =	shalt  }
0x53: {  	_ =	shalt  }
0x54: {  	_ =	shalt  }
0x55: {  	_ =	shalt  }
0x56: {  	_ =	shalt  }
0x57: {  	_ =	shalt  }
0x58: {  	_ =	shalt  }
0x59: {  	_ =	shalt  }
0x5a: {  	_ =	shalt  }
0x5b: {  	_ =	shalt  }
0x5c: {  	_ =	shalt  }
0x5d: {  	_ =	shalt  }
0x5e: {  	_ =	shalt  }
0x5f: {  	_ =	shalt  }
0x60: {  	_ =	shalt  }
0x61: {  	_ =	shalt  }
0x62: {  	_ =	shalt  }
0x63: {  	_ =	shalt  }
0x64: {  	_ =	shalt  }
0x65: {  	_ =	shalt  }
0x66: {  	_ =	shalt  }
0x67: {  	_ =	shalt  }
0x68: {  	_ =	shalt  }
0x69: {  	_ =	shalt  }
0x6a: {  	_ =	shalt  }
0x6b: {  	_ =	shalt  }
0x6c: {  	_ =	shalt  }
0x6d: {  	_ =	shalt  }
0x6e: {  	_ =	shalt  }
0x6f: {  	_ =	shalt  }
0x70: {  	_ =	shalt  }
0x71: {  	_ =	shalt  }
0x72: {  	_ =	shalt  }
0x73: {  	_ =	shalt  }
0x74: {  	_ =	shalt  }
0x75: {  	_ =	shalt  }
0x76: {  	_ =	shalt  }
0x77: {  	_ =	shalt  }
0x78: {  	_ =	shalt  }
0x79: {  	_ =	shalt  }
0x7a: {  	_ =	shalt  }
0x7b: {  	_ =	shalt  }
0x7c: {  	_ =	shalt  }
0x7d: {  	_ =	shalt  }
0x7e: {  	_ =	shalt  }
0x7f: {  	_ =	shalt  }
0x80: {  	_ =	shalt  }
0x81: {  	_ =	shalt  }
0x82: {  	_ =	shalt  }
0x83: {  	_ =	shalt  }
0x84: {  	_ =	shalt  }
0x85: {  	_ =	shalt  }
0x86: {  	_ =	shalt  }
0x87: {  	_ =	shalt  }
.Lfunc_end0:
.L_simem_size_0:
called_computation.1_lowered:
.L_overlay_start_0:
0x88: {  	s2 =	sld [smem:$0x3FD9]  }
0x89: {  	s3 =	sld [smem:$0x3FFE];
	_ =	sdelay $0x1  }
0x8a: {  	s1 =	srdreg.scid  }
0x8b: {  	s0 =	sand.u32 $0x1, s1  }
0x8c: {  	s16 =	sshll.u32 s0, $0xA;
	s2 =	sadd.s32 s3, s2  }
0x8d: {  	s2 =	sadd.s32 s2, s16  }
0x8e: {  	[smem:$0x3FBF] =	sst s2  }
0x8f: {  	_ = 	snop  }
0x90: {  	(tm) =	ssettm $0x1  }
0x91: {  	s17 =	sld [smem:$0x3FFB];
	_ =	sdelay $0x3  }
0x92: {  	_ =	strace s17  }
0x93: {  	s2 =	sld [smem:$0x3FFC];
	_ =	sdelay $0x3  }
0x94: {  	_ =	strace s2  }
0x95: {  	s2 =	sld [smem:$0x3FFD];
	_ =	sdelay $0x3  }
0x96: {  	_ =	strace s2  }
0x97: {  	_ =	strace $0x8FFFFFFF  }
0x98: {  	s18 =	sld [smem:$0x3FDB];
	_ =	sdelay $0x1  }
0x99: {  	s19 =	simm.s32 $_scs_section_size  }
0x9a: {  	s4 =	simm.s32 $_size__tile_overlayer_lowered;
	s5 =	simm.s32 $_tile_overlayer_lowered  }
0x9b: {  	s22 =	simm.s32 $0x1BFF;
	s21 =	sshll.u32 s5, $0x1;
	s2 =	sadd.s32 s19, s18  }
0x9c: {  	s6 =	simm.s32 $0x0;
	s20 =	sshll.u32 s4, $0x1;
	s4 =	sadd.s32 s21, s2  }
0x9d: {  	[timem:s6], [sflag:s22] =	dma.local [hbm:s4], s20  }
0x9e: {  	_ =	swait.ge [sflag:s22], s20  }
0x9f: {  	s3 =	ssub.s32 $0x0, s20;
	[sflag:s22] =	ssyncset.done $0x0  }
0xa0: {  	[sflag:s22] =	ssyncadd.s32 s3;
	_ =	sdelay $0x1  }
0xa1: {  	s23 =	simm.s32 $0x1B8B  }
0xa2: {  	_ =	swait.ge [sflag:s23], $0x1  }
0xa3: {  	[sflag:s23] =	ssyncset.done $0x0  }
0xa4: {  	s25 =	simm.s32 $0x1B8E;
	s24 =	sld [smem:$0x3FFE];
	[sflag:s23] =	ssyncadd.s32 $0xFFFFFFFF  }
0xa5: {  	s26 =	simm.s32 $execute0_lowered;
	[smem:$0x3FD2] =	sst s25  }
0xa6: {  	s4 =	sshll.u32 s26, $0x1;
	_ =	strace $0x80000046;
	[dreg:$0x1] =	wrdreg $0xFFFFFFFF  }
0xa7: {  	s28 =	simm.s32 $_size_execute0_lowered;
	s2 =	sadd.s32 s2, s4;
	[dreg:$0x0] =	wrdreg $0x0  }
0xa8: {  	s4 =	sshll.u32 s28, $0x1;
	[dreg:$0x2] =	wrdreg s2  }
0xa9: {  	[dreg:$0x3] =	wrdreg s4  }
0xaa: {  	[dreg:$0x4] =	wrdreg $0xC0  }
0xab: {  	_ =	task [dreg:s6], $0x5FFFF  }
0xac: {  	[dreg:$0x1] =	wrdreg $0xFFFFFFFF  }
0xad: {  	[dreg:$0x0] =	wrdreg $0x60  }
0xae: {  	[dreg:$0x2] =	wrdreg s24  }
0xaf: {  	[dreg:$0x3] =	wrdreg $0xA  }
0xb0: {  	_ =	task.clear_ibuf [dreg:s6], $0x4FFFF;
	_ =	strace $0x90000046  }
0xb1: {  	s29 =	simm.s32 $0xA;
	_ =	strace $0x80000048  }
0xb2: {  	_ =	swait.ge [sflag:s29], $0x1  }
0xb3: {  	[sflag:s29] =	ssyncadd.s32 $0xFFFFFFFF  }
0xb4: {  	_ =	strace $0x90000048  }
0xb5: {  	_ =	sfence  }
0xb6: {  	s30 =	sld [smem:$0x0];
	_ =	sdelay $0x2  }
0xb7: {  	s31 =	sshll.u32 s1, $0xD;
	s1 =	sshrl.u32 s1, $0x2  }
0xb8: {  	s3 =	sand.u32 $0x4000, s31;
	s1 =	sadd.s32 s1, s30  }
0xb9: {  	s0 =	sor.u32 s3, s0;
	s1 =	sshll.u32 s1, $0x11  }
0xba: {  	s0 =	sor.u32 s1, s0  }
0xbb: {  	s0 =	sadd.s32 $0x8F2B, s0  }
0xbc: {  	[sflag:s0] =	ssyncadd.remote.s32 $0x1  }
0xbd: {  	_ =	sfence.sel $0xFFFF  }
0xbe: {  	[dreg:$0x0] =	wrdreg $0xFFFFFFFF;
	(pc) =	sbr.abs _section_cstart, $3  }
0xbf: {  	[dreg:$0x1] =	wrdreg $0xFFFFFFFF  }
0xc0: {  	_ =	task.clear_ibuf [dreg:s6], $0x2FFFF;
	_ =	strace $0x9FFFFFFF  }
0xc1: {  	(tm) =	ssettm $0x7FFFFFFF  }
tec
execute0_lowered:
.L_overlay_start_1:
0x0: {  	(tag) =	ssettag $0x1  }
0x1: {  	s5 =	rddreg [dreg:$0x0];
	s2 =	simm.s32 $0x0;
	s3 =	srdreg.scid  }
0x2: {  	s0 =	stileid.u32;
	s13 =	simm.s32 $0x100;
	s14 =	simm.s32 $0x4400  }
0x3: {  	s15 =	simm.s32 $0x180;
	s16 =	simm.s32 $0x6400;
	s17 =	simm.s32 $0x200  }
0x4: {  	s18 =	simm.s32 $0x8400;
	s19 =	simm.s32 $0x280;
	s20 =	simm.s32 $0x300  }
0x5: {  	s21 =	simm.s32 $0xC400;
	s22 =	simm.s32 $0x380;
	[smem:$0x7FF] =	sst s2  }
0x6: {  	s6 =	sand.u32 $0x1, s3;
	s7 =	smul.u32 $0x320000, s0;
	s3 =	sadd.s32 $0x36E00, s5  }
0x7: {  	s4 =	sadd.s32 $0x1DE00, s5;
	s10 =	smul.u32 $0xC800, s0;
	s12 =	sadd.s32 $0x7E6E00, s5  }
0x8: {  	s9 =	sshll.u32 s0, $0x1;
	_ =	strace $0x80000047;
	s8 =	smul.u32 $0x190000, s6  }
0x9: {  	s11 =	ssub.s32 $0x2, s6;
	s9 =	sor.u32 s6, s9;
	s6 =	smul.u32 $0x6400, s6  }
0xa: {  	[dreg:$0x4] =	wrdreg s19;
	s19 =	simm.s32 $0xA400;
	s23 =	sshrl.u32 s11, $0x1  }
0xb: {  	s9 =	smul.u32 $0x6400, s9;
	s11 =	ssub.s32 s11, s23;
	s24 =	sadd.s32 s8, s7  }
0xc: {  	s25 =	sadd.s32 s6, s10;
	s10 =	simm.s32 $0x80;
	s23 =	simm.s32 $0xE400  }
0xd: {  	s26 =	sshrl.u32 s9, $0x3;
	s8 =	sshrl.u32 s24, $0x3;
	s28 =	sor.u32 $0x200, s25  }
0xe: {  	s6 =	smax.u32 s11, $0x1;
	s7 =	sadd.s32 $0x400, s25;
	s9 =	simm.s32 $0x3  }
0xf: {  	s11 =	simm.s32 $0x400;
	s24 =	simm.s32 $0x1;
	s25 =	simm.s32 $0x2  }
0x10: {  	s5 =	sadd.s32 s4, s26;
	s8 =	sadd.s32 s8, s12;
	s29 =	sshll.u32 s28, $0x3  }
0x11: {  	s31 =	sshrl.u32 s28, $0x3;
	[dreg:$0x2] =	wrdreg s8;
	s30 =	sadd.s32 s29, s12  }
0x12: {  	s26 =	simm.s32 $0x0;
	s8 =	sadd.s32 s31, s4;
	[dreg:$0x3] =	wrdreg s30  }
.LBB2_1:
0x13: {  	[tilespmem:s2], [sflag:$0x3] =	stream.linear.gather [hbm4b:s5+s2], $0x200, $0x38;
	[tilespmem:$0x10400] =	vst v63  }
0x14: {  	_ =	swait.ge [sflag:s9], $0x200  }
0x15: {  	[sflag:s9] =	ssyncset.done $0x0  }
0x16: {  	[sflag:s9] =	ssyncadd.s32 $0xFFFFFE00  }
0x17: {  	[tilespmem:s11], [sflag:$0x1] =	stream.indirect.gather [hbm4b:s3+s10], $0x40, s2, s10, $0xb8;
	[tilespmem:$0x10400] =	vst v63  }
0x18: {  	s0 =	simm.s32 $0x2400  }
0x19: {  	[tilespmem:s0], [sflag:$0x1] =	stream.indirect.gather [hbm4b:s3+s10], $0x40, s10, s10, $0xb8;
	[tilespmem:$0x10400] =	vst v63  }
0x1a: {  	_ = 	snop  }
0x1b: {  	[tilespmem:s14], [sflag:$0x1] =	stream.indirect.gather [hbm4b:s3+s10], $0x40, s13, s10, $0xb8;
	[tilespmem:$0x10400] =	vst v63  }
0x1c: {  	_ = 	snop  }
0x1d: {  	[tilespmem:s16], [sflag:$0x1] =	stream.indirect.gather [hbm4b:s3+s10], $0x40, s15, s10, $0xb8;
	[tilespmem:$0x10400] =	vst v63  }
0x1e: {  	_ = 	snop  }
0x1f: {  	[tilespmem:s17], [sflag:$0x3] =	stream.linear.gather [hbm4b:s8+s2], $0x200, $0x38;
	[tilespmem:$0x10400] =	vst v63  }
0x20: {  	_ =	swait.ge [sflag:s9], $0x200  }
0x21: {  	[sflag:s9] =	ssyncset.done $0x0  }
0x22: {  	[sflag:s9] =	ssyncadd.s32 $0xFFFFFE00  }
0x23: {  	[tilespmem:s18], [sflag:$0x2] =	stream.indirect.gather [hbm4b:s3+s10], $0x40, s17, s10, $0xb8;
	[tilespmem:$0x10400] =	vst v63  }
0x24: {  	s28 =	rddreg [dreg:$0x4]  }
0x25: {  	[tilespmem:s19], [sflag:$0x2] =	stream.indirect.gather [hbm4b:s3+s10], $0x40, s28, s10, $0xb8;
	[tilespmem:$0x10400] =	vst v63  }
0x26: {  	_ = 	snop  }
0x27: {  	[tilespmem:s21], [sflag:$0x2] =	stream.indirect.gather [hbm4b:s3+s10], $0x40, s20, s10, $0xb8;
	[tilespmem:$0x10400] =	vst v63  }
0x28: {  	_ = 	snop  }
0x29: {  	[tilespmem:s23], [sflag:$0x2] =	stream.indirect.gather [hbm4b:s3+s10], $0x40, s22, s10, $0xb8;
	[tilespmem:$0x10400] =	vst v63  }
0x2a: {  	_ =	swait.ge [sflag:s24], $0x2000  }
0x2b: {  	[sflag:s24] =	ssyncset.done $0x0  }
0x2c: {  	[sflag:s24] =	ssyncadd.s32 $0xFFFFE000  }
0x2d: {  	_ =	swait.ge [sflag:s24], $0x2000  }
0x2e: {  	[sflag:s24] =	ssyncset.done $0x0  }
0x2f: {  	[sflag:s24] =	ssyncadd.s32 $0xFFFFE000  }
0x30: {  	_ =	swait.ge [sflag:s24], $0x2000  }
0x31: {  	[sflag:s24] =	ssyncset.done $0x0  }
0x32: {  	[sflag:s24] =	ssyncadd.s32 $0xFFFFE000  }
0x33: {  	_ =	swait.ge [sflag:s24], $0x2000  }
0x34: {  	s28 =	rddreg [dreg:$0x2];
	[sflag:s24] =	ssyncset.done $0x0  }
0x35: {  	[sflag:s24] =	ssyncadd.s32 $0xFFFFE000;
	s28 =	sadd.s32 $0x0, s28  }
0x36: {  	[hbm4b:s28+s2] =	stream.linear.scatter [tilespmem:s11], [sflag:$0x3], $0x8000, $0x38;
	[tilespmem:$0x10400] =	vst v63  }
0x37: {  	p0 =	por $0x0, $0x0;
	_ =	swait.ge [sflag:s9], $0x8000  }
0x38: {  	s29 =	simm.s32 @!p0 $0x3;
	s28 =	sshrl.u32 @!p0 s7, $0x3;
	[sflag:s9] =	ssyncset.done $0x0  }
0x39: {  	s30 =	simm.s32 @!p0 $0x0;
	s28 =	sadd.s32 @!p0 s4, s28;
	[sflag:s9] =	ssyncadd.s32 $0xFFFF8000  }
0x3a: {  	[tilespmem:s30], [sflag:$0x3] =	stream.linear.gather @!p0 [hbm4b:s28+s30], $0x200, $0x38;
	[tilespmem:$0x10400] =	vst v63  }
0x3b: {  	_ =	swait.ge @!p0 [sflag:s29], $0x200  }
0x3c: {  	[sflag:s29] =	ssyncset.done @!p0 $0x0  }
0x3d: {  	s28 =	simm.s32 @!p0 $0x80;
	[sflag:s29] =	ssyncadd.s32 @!p0 $0xFFFFFE00;
	s29 =	simm.s32 @!p0 $0x400  }
0x3e: {  	[tilespmem:s29], [sflag:$0x1] =	stream.indirect.gather @!p0 [hbm4b:s3+s28], $0x40, s30, s28, $0xb8;
	[tilespmem:$0x10400] =	vst v63  }
0x3f: {  	s29 =	simm.s32 @!p0 $0x2400  }
0x40: {  	[tilespmem:s29], [sflag:$0x1] =	stream.indirect.gather @!p0 [hbm4b:s3+s28], $0x40, s28, s28, $0xb8;
	[tilespmem:$0x10400] =	vst v63  }
0x41: {  	s30 =	simm.s32 @!p0 $0x4400;
	s29 =	simm.s32 @!p0 $0x100  }
0x42: {  	[tilespmem:s30], [sflag:$0x1] =	stream.indirect.gather @!p0 [hbm4b:s3+s28], $0x40, s29, s28, $0xb8;
	[tilespmem:$0x10400] =	vst v63  }
0x43: {  	s29 =	simm.s32 @!p0 $0x180;
	s30 =	simm.s32 @!p0 $0x6400  }
0x44: {  	[tilespmem:s30], [sflag:$0x1] =	stream.indirect.gather @!p0 [hbm4b:s3+s28], $0x40, s29, s28, $0xb8;
	[tilespmem:$0x10400] =	vst v63  }
0x45: {  	_ =	swait.ge [sflag:s25], $0x2000  }
0x46: {  	[sflag:s25] =	ssyncset.done $0x0  }
0x47: {  	[sflag:s25] =	ssyncadd.s32 $0xFFFFE000  }
0x48: {  	_ =	swait.ge [sflag:s25], $0x2000  }
0x49: {  	[sflag:s25] =	ssyncset.done $0x0  }
0x4a: {  	[sflag:s25] =	ssyncadd.s32 $0xFFFFE000  }
0x4b: {  	_ =	swait.ge [sflag:s25], $0x2000  }
0x4c: {  	[sflag:s25] =	ssyncset.done $0x0  }
0x4d: {  	[sflag:s25] =	ssyncadd.s32 $0xFFFFE000  }
0x4e: {  	_ =	swait.ge [sflag:s25], $0x2000  }
0x4f: {  	s28 =	rddreg [dreg:$0x3];
	[sflag:s25] =	ssyncset.done $0x0  }
0x50: {  	[sflag:s25] =	ssyncadd.s32 $0xFFFFE000;
	s28 =	sadd.s32 $0x0, s28  }
0x51: {  	[hbm4b:s28+s2] =	stream.linear.scatter [tilespmem:s18], [sflag:$0x3], $0x8000, $0x38;
	[tilespmem:$0x10400] =	vst v63  }
0x52: {  	s29 =	sadd.s32 $0x80, s8;
	_ =	swait.ge [sflag:s9], $0x8000  }
0x53: {  	s30 =	smov.u32 s7;
	s28 =	simm.s32 $0x2000;
	[sflag:s9] =	ssyncset.done $0x0  }
.LBB2_2:
0x54: {  	[sflag:s9] =	ssyncadd.s32 $0xFFFF8000  }
0x55: {  	[tilespmem:s17], [sflag:$0x3] =	stream.linear.gather [hbm4b:s29+s2], $0x200, $0x38;
	[tilespmem:$0x10400] =	vst v63  }
0x56: {  	_ =	swait.ge [sflag:s9], $0x200  }
0x57: {  	[sflag:s9] =	ssyncset.done $0x0  }
0x58: {  	[sflag:s9] =	ssyncadd.s32 $0xFFFFFE00  }
0x59: {  	[tilespmem:s18], [sflag:$0x2] =	stream.indirect.gather [hbm4b:s3+s10], $0x40, s17, s10, $0xb8;
	[tilespmem:$0x10400] =	vst v63  }
0x5a: {  	s0 =	rddreg [dreg:$0x4]  }
0x5b: {  	[tilespmem:s19], [sflag:$0x2] =	stream.indirect.gather [hbm4b:s3+s10], $0x40, s0, s10, $0xb8;
	[tilespmem:$0x10400] =	vst v63  }
0x5c: {  	_ = 	snop  }
0x5d: {  	[tilespmem:s21], [sflag:$0x2] =	stream.indirect.gather [hbm4b:s3+s10], $0x40, s20, s10, $0xb8;
	[tilespmem:$0x10400] =	vst v63  }
0x5e: {  	_ = 	snop  }
0x5f: {  	[tilespmem:s23], [sflag:$0x2] =	stream.indirect.gather [hbm4b:s3+s10], $0x40, s22, s10, $0xb8;
	[tilespmem:$0x10400] =	vst v63  }
0x60: {  	_ =	swait.ge [sflag:s24], $0x2000  }
0x61: {  	[sflag:s24] =	ssyncset.done $0x0  }
0x62: {  	[sflag:s24] =	ssyncadd.s32 $0xFFFFE000  }
0x63: {  	_ =	swait.ge [sflag:s24], $0x2000  }
0x64: {  	[sflag:s24] =	ssyncset.done $0x0  }
0x65: {  	[sflag:s24] =	ssyncadd.s32 $0xFFFFE000  }
0x66: {  	_ =	swait.ge [sflag:s24], $0x2000  }
0x67: {  	[sflag:s24] =	ssyncset.done $0x0  }
0x68: {  	[sflag:s24] =	ssyncadd.s32 $0xFFFFE000  }
0x69: {  	_ =	swait.ge [sflag:s24], $0x2000  }
0x6a: {  	s31 =	smov.u32 s28;
	s1 =	rddreg [dreg:$0x2];
	[sflag:s24] =	ssyncset.done $0x0  }
0x6b: {  	[sflag:s24] =	ssyncadd.s32 $0xFFFFE000;
	s0 =	sadd.s32 s31, s1  }
0x6c: {  	[hbm4b:s0+s2] =	stream.linear.scatter [tilespmem:s11], [sflag:$0x3], $0x8000, $0x38;
	[tilespmem:$0x10400] =	vst v63  }
0x6d: {  	s30 =	sadd.s32 $0x400, s30;
	p1 =	seq.s32 s31, $0x30000;
	_ =	swait.ge [sflag:s9], $0x8000  }
0x6e: {  	s12 =	simm.s32 @!p1 $0x0;
	s0 =	sshrl.u32 @!p1 s30, $0x3;
	[sflag:s9] =	ssyncset.done $0x0  }
0x6f: {  	s1 =	simm.s32 @!p1 $0x3;
	s0 =	sadd.s32 @!p1 s4, s0;
	[sflag:s9] =	ssyncadd.s32 $0xFFFF8000  }
0x70: {  	[tilespmem:s12], [sflag:$0x3] =	stream.linear.gather @!p1 [hbm4b:s0+s12], $0x200, $0x38;
	[tilespmem:$0x10400] =	vst v63  }
0x71: {  	_ =	swait.ge @!p1 [sflag:s1], $0x200  }
0x72: {  	[sflag:s1] =	ssyncset.done @!p1 $0x0  }
0x73: {  	s0 =	simm.s32 @!p1 $0x80;
	[sflag:s1] =	ssyncadd.s32 @!p1 $0xFFFFFE00;
	s1 =	simm.s32 @!p1 $0x400  }
0x74: {  	[tilespmem:s1], [sflag:$0x1] =	stream.indirect.gather @!p1 [hbm4b:s3+s0], $0x40, s12, s0, $0xb8;
	[tilespmem:$0x10400] =	vst v63  }
0x75: {  	s1 =	simm.s32 @!p1 $0x2400  }
0x76: {  	[tilespmem:s1], [sflag:$0x1] =	stream.indirect.gather @!p1 [hbm4b:s3+s0], $0x40, s0, s0, $0xb8;
	[tilespmem:$0x10400] =	vst v63  }
0x77: {  	s12 =	simm.s32 @!p1 $0x4400;
	s1 =	simm.s32 @!p1 $0x100  }
0x78: {  	[tilespmem:s12], [sflag:$0x1] =	stream.indirect.gather @!p1 [hbm4b:s3+s0], $0x40, s1, s0, $0xb8;
	[tilespmem:$0x10400] =	vst v63  }
0x79: {  	s1 =	simm.s32 @!p1 $0x180;
	s12 =	simm.s32 @!p1 $0x6400  }
0x7a: {  	[tilespmem:s12], [sflag:$0x1] =	stream.indirect.gather @!p1 [hbm4b:s3+s0], $0x40, s1, s0, $0xb8;
	[tilespmem:$0x10400] =	vst v63  }
0x7b: {  	_ =	swait.ge [sflag:s25], $0x2000  }
0x7c: {  	[sflag:s25] =	ssyncset.done $0x0  }
0x7d: {  	[sflag:s25] =	ssyncadd.s32 $0xFFFFE000  }
0x7e: {  	_ =	swait.ge [sflag:s25], $0x2000  }
0x7f: {  	[sflag:s25] =	ssyncset.done $0x0  }
0x80: {  	[sflag:s25] =	ssyncadd.s32 $0xFFFFE000  }
0x81: {  	_ =	swait.ge [sflag:s25], $0x2000  }
0x82: {  	[sflag:s25] =	ssyncset.done $0x0  }
0x83: {  	s28 =	sadd.s32 $0x2000, s28;
	[sflag:s25] =	ssyncadd.s32 $0xFFFFE000  }
0x84: {  	p0 =	sne.s32 s28, $0x32000;
	_ =	swait.ge [sflag:s25], $0x2000  }
.Ltmp0:
0x85: {  	s12 =	rddreg [dreg:$0x3];
	[sflag:s25] =	ssyncset.done $0x0;
	(pc) =	sbr.rel @p0 .LBB2_2-.Ltmp0, $4  }
0x86: {  	[sflag:s25] =	ssyncadd.s32 $0xFFFFE000;
	s0 =	sadd.s32 s31, s12  }
0x87: {  	[hbm4b:s0+s2] =	stream.linear.scatter [tilespmem:s18], [sflag:$0x3], $0x8000, $0x38;
	[tilespmem:$0x10400] =	vst v63  }
0x88: {  	_ =	swait.ge [sflag:s9], $0x8000  }
0x89: {  	s29 =	sadd.s32 $0x80, s29;
	[sflag:s9] =	ssyncset.done $0x0  }
0x8a: {  	s26 =	sadd.s32 $0x1, s26  }
0x8b: {  	p0 =	sne.s32 s26, s6  }
.Ltmp1:
0x8c: {  	_ = 	snop;
	(pc) =	sbr.rel @p0 .LBB2_1-.Ltmp1, $2  }
0x8d: {  	_ =	sdelay $0x2  }
0x8e: {  	[sflag:s9] =	ssyncadd.s32 $0xFFFF8000  }
0x8f: {  	_ =	sfence.sel $0x180000  }
0x90: {  	[bflag:$0x0] =	sbarrier.arrive $0xFFFF  }
0x91: {  	_ =	strace $0x90000047  }
0x92: {  	s0 =	stileid.u32;
	[bflag:$0x2] =	sbarrier.arrive $0xFFFF  }
0x93: {  	p0 =	sne.s32 s0, $0x0;
	s0 =	rddreg [dreg:$0x1]  }
0x94: {  	s0 =	sadd.s32 @!p0 $0x100000, s0  }
0x95: {  	[sflag:s0] =	ssyncadd.tile.s32 @!p0 $0x1;
	_ =	shalt  }
.Lfunc_end2:
_tile_overlayer_lowered:
.L_overlay_start_2:
0x96: {  	(tag) =	ssettag $0x2  }
0x97: {  	s0 =	rddreg [dreg:$0x0];
	s2 =	stileid.u32  }
0x98: {  	s1 =	rddreg [dreg:$0x1];
	p0 =	sne.s32 s2, $0x0  }
0x99: {  	s3 =	rddreg [dreg:$0x2];
	[bflag:$0x3] =	sbarrier.arrive $0xFFFF;
	s2 =	simm.s32 @!p0 $0x1C03  }
0x9a: {  	[timem:s3], [sflag:s2] =	dma.local @!p0 [hbm:s0], s1  }
0x9b: {  	s0 =	simm.s32 @!p0 $0x3  }
0x9c: {  	_ =	swait.ge @!p0 [sflag:s0], s1  }
0x9d: {  	s1 =	ssub.s32 @!p0 $0x0, s1;
	[sflag:s0] =	ssyncset.done @!p0 $0x0  }
0x9e: {  	[sflag:s0] =	ssyncadd.s32 @!p0 s1  }
0x9f: {  	[bflag:$0x3] =	sbarrier.arrive $0xFFFF  }
0xa0: {  	_ =	shalt  }

// kernel: kernel.7.cloned.1.call-start
scs
__scs_entry_jumppad:
0x0: {  	(pc) =	sbr.rel $0x88, $3  }
0x1: {  	(tag) =	ssettag $0x0;
	lr =	simm.s32 $0x1  }
0x2: {  	[smem:$0x3F98] =	sst lr;
	_ =	strace $0xD0000000  }
0x3: {  	_ = 	snop  }
0x4: {  	_ = 	snop  }
0x5: {  	_ = 	snop  }
0x6: {  	_ = 	snop  }
0x7: {  	_ = 	snop  }
__scs_overlays_trampoline_lowered:
0x8: {  	[smem:$0x3FA7] =	sst s0  }
0x9: {  	[smem:$0x3FA8] =	sst s1  }
0xa: {  	[smem:$0x3FA9] =	sst s2  }
0xb: {  	[smem:$0x3FAA] =	sst s3  }
0xc: {  	[smem:$0x3FAB] =	sst s4  }
0xd: {  	[smem:$0x3FAC] =	sst s5  }
0xe: {  	[smem:$0x3FAD] =	sst s6  }
0xf: {  	[smem:$0x3FAE] =	sst s7  }
0x10: {  	[smem:$0x3FAF] =	sst s8  }
0x11: {  	[smem:$0x3FB0] =	sst s9;
	s0 =	simm.s32 @!p0 $0x0  }
0x12: {  	s1 =	sld [smem:$0x3F96];
	s0 =	simm.s32 @p0 $0x1  }
0x13: {  	[smem:$0x3FB1] =	sst s0;
	s0 =	simm.s32 @!p1 $0x0  }
0x14: {  	s2 =	sld [smem:$0x3F95];
	s0 =	simm.s32 @p1 $0x1  }
0x15: {  	[smem:$0x3FB2] =	sst s0;
	s0 =	simm.s32 @!p2 $0x0  }
0x16: {  	s3 =	sld [smem:$0x3FDB];
	s0 =	simm.s32 @p2 $0x1  }
0x17: {  	s4 =	simm.s32 $0x1BF5;
	[smem:$0x3FB4] =	sst s0  }
0x18: {  	s0 =	sld [smem:$0x3F97];
	_ =	swait.ge [sflag:s4], $0x0  }
0x19: {  	s7 =	sld [smem:$0x3F98]  }
0x1a: {  	s8 =	sadd.s32 $0xFFFFE003, lr  }
0x1b: {  	s9 =	sadd.s32 $0xFFFFFEF7, lr;
	s5 =	simm.s32 $0xFFFFFFFF;
	p2 =	slt.u32 s8, $0xFFFFF086  }
0x1c: {  	p1 =	slt.u32 s9, $0xF7A;
	s5 =	simm.s32 @!p2 $0x0  }
0x1d: {  	s5 =	simm.s32 @p1 $0x1;
	p0 =	seq.s32 s7, s2  }
0x1e: {  	s7 =	smul.u32 @!p0 $0xF7A, s2;
	p2 =	seq.s32 @!p0 s5, $0x0  }
0x1f: {  	s9 =	smul.u32 $0xF7A, s1;
	s8 =	simm.s32 @!p0 $0x1BF5;
	p2 =	por !p2, p0  }
0x20: {  	[sflag:s8] =	ssyncset.s32 @!p0 $0xFFFFF086;
	s6 =	sadd.s32 @!p0 s3, s7;
	s7 =	simm.s32 @!p0 $0x108  }
0x21: {  	s3 =	sadd.s32 s3, s9;
	s6 =	sadd.s32 @!p0 $0x88, s6;
	s7 =	simm.s32 @p2 $0x1082  }
0x22: {  	[simem:s7], [sflag:s8] =	dma.local @!p0 [hbm:s6], $0xF7A  }
0x23: {  	s9 =	sor.u32 $0xD0000000, s2;
	s6 =	simm.s32 $0x108;
	_ =	swait.ge @!p0 [sflag:s8], $0x0  }
0x24: {  	s3 =	sadd.s32 $0x88, s3;
	s6 =	simm.s32 @!p1 $0x1082;
	[sflag:s4] =	ssyncset.s32 $0xFFFFF086  }
0x25: {  	[simem:s6], [sflag:s4] =	dma.local [hbm:s3], $0xF7A  }
0x26: {  	[smem:$0x3F98] =	sst s1;
	(tag) =	ssettag s2;
	_ =	strace s9  }
0x27: {  	s1 =	sld [smem:$0x3FA8]  }
0x28: {  	s2 =	sld [smem:$0x3FA9]  }
0x29: {  	s4 =	sld [smem:$0x3FAB]  }
0x2a: {  	p0 =	seq.s32 s5, $0x0;
	s5 =	sld [smem:$0x3FAC]  }
0x2b: {  	s6 =	sld [smem:$0x3FAD]  }
0x2c: {  	s7 =	sld [smem:$0x3FAE]  }
0x2d: {  	s3 =	simm.s32 $0x108;
	s8 =	sld [smem:$0x3FAF]  }
0x2e: {  	s3 =	simm.s32 @!p0 $0x1082;
	s9 =	sld [smem:$0x3FB0]  }
0x2f: {  	lr =	sadd.s32 s0, s3;
	s0 =	sld [smem:$0x3FA7]  }
0x30: {  	s3 =	sld [smem:$0x3FAA]  }
0x31: {  	[smem:$0x3FB3] =	sst s10  }
0x32: {  	s10 =	sld [smem:$0x3FB1];
	_ =	sdelay $0x3  }
0x33: {  	p0 =	seq.s32 s10, $0x1;
	s10 =	sld [smem:$0x3FB3];
	_ =	sdelay $0x3  }
0x34: {  	[smem:$0x3FB3] =	sst s10  }
0x35: {  	s10 =	sld [smem:$0x3FB2];
	_ =	sdelay $0x3  }
0x36: {  	p1 =	seq.s32 s10, $0x1;
	s10 =	sld [smem:$0x3FB3];
	_ =	sdelay $0x3  }
0x37: {  	[smem:$0x3FB3] =	sst s10  }
0x38: {  	s10 =	sld [smem:$0x3FB4]  }
0x39: {  	_ = 	snop;
	(pc) =	sbr.ind lr, $3  }
0x3a: {  	_ = 	snop  }
0x3b: {  	_ = 	snop  }
0x3c: {  	p2 =	seq.s32 s10, $0x1;
	s10 =	sld [smem:$0x3FB3]  }
0x3d: {  	_ =	shalt  }
0x3e: {  	_ =	shalt  }
0x3f: {  	_ =	shalt  }
0x40: {  	_ =	shalt  }
0x41: {  	_ =	shalt  }
0x42: {  	_ =	shalt  }
0x43: {  	_ =	shalt  }
0x44: {  	_ =	shalt  }
0x45: {  	_ =	shalt  }
0x46: {  	_ =	shalt  }
0x47: {  	_ =	shalt  }
0x48: {  	_ =	shalt  }
0x49: {  	_ =	shalt  }
0x4a: {  	_ =	shalt  }
0x4b: {  	_ =	shalt  }
0x4c: {  	_ =	shalt  }
0x4d: {  	_ =	shalt  }
0x4e: {  	_ =	shalt  }
0x4f: {  	_ =	shalt  }
0x50: {  	_ =	shalt  }
0x51: {  	_ =	shalt  }
0x52: {  	_ =	shalt  }
0x53: {  	_ =	shalt  }
0x54: {  	_ =	shalt  }
0x55: {  	_ =	shalt  }
0x56: {  	_ =	shalt  }
0x57: {  	_ =	shalt  }
0x58: {  	_ =	shalt  }
0x59: {  	_ =	shalt  }
0x5a: {  	_ =	shalt  }
0x5b: {  	_ =	shalt  }
0x5c: {  	_ =	shalt  }
0x5d: {  	_ =	shalt  }
0x5e: {  	_ =	shalt  }
0x5f: {  	_ =	shalt  }
0x60: {  	_ =	shalt  }
0x61: {  	_ =	shalt  }
0x62: {  	_ =	shalt  }
0x63: {  	_ =	shalt  }
0x64: {  	_ =	shalt  }
0x65: {  	_ =	shalt  }
0x66: {  	_ =	shalt  }
0x67: {  	_ =	shalt  }
0x68: {  	_ =	shalt  }
0x69: {  	_ =	shalt  }
0x6a: {  	_ =	shalt  }
0x6b: {  	_ =	shalt  }
0x6c: {  	_ =	shalt  }
0x6d: {  	_ =	shalt  }
0x6e: {  	_ =	shalt  }
0x6f: {  	_ =	shalt  }
0x70: {  	_ =	shalt  }
0x71: {  	_ =	shalt  }
0x72: {  	_ =	shalt  }
0x73: {  	_ =	shalt  }
0x74: {  	_ =	shalt  }
0x75: {  	_ =	shalt  }
0x76: {  	_ =	shalt  }
0x77: {  	_ =	shalt  }
0x78: {  	_ =	shalt  }
0x79: {  	_ =	shalt  }
0x7a: {  	_ =	shalt  }
0x7b: {  	_ =	shalt  }
0x7c: {  	_ =	shalt  }
0x7d: {  	_ =	shalt  }
0x7e: {  	_ =	shalt  }
0x7f: {  	_ =	shalt  }
0x80: {  	_ =	shalt  }
0x81: {  	_ =	shalt  }
0x82: {  	_ =	shalt  }
0x83: {  	_ =	shalt  }
0x84: {  	_ =	shalt  }
0x85: {  	_ =	shalt  }
0x86: {  	_ =	shalt  }
0x87: {  	_ =	shalt  }
.Lfunc_end0:
.L_simem_size_0:
called_computation_lowered:
.L_overlay_start_0:
0x88: {  	s2 =	sld [smem:$0x3FD9]  }
0x89: {  	s3 =	sld [smem:$0x3FFE];
	_ =	sdelay $0x1  }
0x8a: {  	s1 =	srdreg.scid  }
0x8b: {  	s0 =	sand.u32 $0x1, s1  }
0x8c: {  	s17 =	sshll.u32 s0, $0xA;
	s2 =	sadd.s32 s3, s2  }
0x8d: {  	s2 =	sadd.s32 s2, s17  }
0x8e: {  	[smem:$0x3FBF] =	sst s2  }
0x8f: {  	_ = 	snop  }
0x90: {  	(tm) =	ssettm $0x1  }
0x91: {  	s18 =	sld [smem:$0x3FFB];
	_ =	sdelay $0x3  }
0x92: {  	_ =	strace s18  }
0x93: {  	s2 =	sld [smem:$0x3FFC];
	_ =	sdelay $0x3  }
0x94: {  	_ =	strace s2  }
0x95: {  	s2 =	sld [smem:$0x3FFD];
	_ =	sdelay $0x3  }
0x96: {  	_ =	strace s2  }
0x97: {  	_ =	strace $0x8FFFFFFF  }
0x98: {  	s19 =	sld [smem:$0x3FDB];
	_ =	sdelay $0x1  }
0x99: {  	s20 =	simm.s32 $_scs_section_size  }
0x9a: {  	s4 =	simm.s32 $_size__tile_overlayer_lowered;
	s5 =	simm.s32 $_tile_overlayer_lowered  }
0x9b: {  	s6 =	simm.s32 $0x1BFF;
	s21 =	sshll.u32 s5, $0x1;
	s3 =	sadd.s32 s20, s19  }
0x9c: {  	s22 =	simm.s32 $0x0;
	s4 =	sshll.u32 s4, $0x1;
	s5 =	sadd.s32 s21, s3  }
0x9d: {  	[timem:s22], [sflag:s6] =	dma.local [hbm:s5], s4  }
0x9e: {  	_ =	swait.ge [sflag:s6], s4  }
0x9f: {  	s4 =	ssub.s32 $0x0, s4;
	[sflag:s6] =	ssyncset.done $0x0  }
0xa0: {  	[sflag:s6] =	ssyncadd.s32 s4;
	_ =	sdelay $0x1  }
0xa1: {  	s23 =	simm.s32 $0x1B8B  }
0xa2: {  	_ =	swait.ge [sflag:s23], $0x1  }
0xa3: {  	[sflag:s23] =	ssyncset.done $0x0  }
0xa4: {  	[sflag:s23] =	ssyncadd.s32 $0xFFFFFFFF  }
0xa5: {  	s4 =	sld [smem:$0x0]  }
0xa6: {  	s5 =	sand.u32 $0xFFFFFFFE, s1  }
0xa7: {  	p0 =	sne.s32 s1, s5  }
0xa8: {  	s5 =	sshll.u32 @p0 s5, $0xE  }
0xa9: {  	s5 =	sadd.s32 @p0 $0x11B8D, s5;
	s6 =	sshll.u32 @p0 s4, $0x11  }
0xaa: {  	s5 =	sor.u32 @p0 s6, s5  }
0xab: {  	[sflag:s5] =	ssyncadd.remote.s32 @p0 $0x1;
	_ =	sdelay $0x1  }
0xac: {  	s5 =	simm.s32 @p0 $0x1B8D  }
0xad: {  	_ =	swait.eq @p0 [sflag:s5], $0x1  }
0xae: {  	[sflag:s5] =	ssyncadd.s32 @p0 $0xFFFFFFFF  }
0xaf: {  	s6 =	sshll.u32 @!p0 s1, $0xE  }
0xb0: {  	s6 =	sor.u32 @!p0 $0x4000, s6;
	s5 =	simm.s32 @!p0 $0x1B8D  }
0xb1: {  	s4 =	sshll.u32 @!p0 s4, $0x11;
	s6 =	sadd.s32 @!p0 $0x11B8D, s6;
	_ =	swait.eq @!p0 [sflag:s5], $0x1  }
0xb2: {  	s4 =	sor.u32 @!p0 s4, s6;
	[sflag:s5] =	ssyncadd.s32 @!p0 $0xFFFFFFFF  }
0xb3: {  	s25 =	simm.s32 $0x1B8E;
	s24 =	sld [smem:$0x3FFE];
	[sflag:s4] =	ssyncadd.remote.s32 @!p0 $0x1  }
0xb4: {  	s26 =	simm.s32 $execute0_lowered;
	[smem:$0x3FD2] =	sst s25  }
0xb5: {  	s5 =	sshll.u32 s26, $0x1;
	_ =	strace $0x80000049;
	[dreg:$0x1] =	wrdreg $0xFFFFFFFF  }
0xb6: {  	s28 =	simm.s32 $_size_execute0_lowered;
	s3 =	sadd.s32 s3, s5;
	[dreg:$0x0] =	wrdreg $0x0  }
0xb7: {  	s5 =	sshll.u32 s28, $0x1;
	[dreg:$0x2] =	wrdreg s3  }
0xb8: {  	[dreg:$0x3] =	wrdreg s5  }
0xb9: {  	[dreg:$0x4] =	wrdreg $0xC0  }
0xba: {  	_ =	task [dreg:s22], $0x5FFFF  }
0xbb: {  	[dreg:$0x1] =	wrdreg $0xFFFFFFFF  }
0xbc: {  	[dreg:$0x0] =	wrdreg $0x60  }
0xbd: {  	[dreg:$0x2] =	wrdreg s24  }
0xbe: {  	[dreg:$0x3] =	wrdreg $0x9  }
0xbf: {  	_ =	task.clear_ibuf [dreg:s22], $0x4FFFF;
	_ =	strace $0x90000049  }
0xc0: {  	s29 =	simm.s32 $0x9;
	_ =	strace $0x8000004B  }
0xc1: {  	_ =	swait.ge [sflag:s29], $0x1  }
0xc2: {  	[sflag:s29] =	ssyncadd.s32 $0xFFFFFFFF  }
0xc3: {  	_ =	strace $0x9000004B  }
0xc4: {  	_ =	sfence  }
0xc5: {  	s30 =	sld [smem:$0x0];
	_ =	sdelay $0x2  }
0xc6: {  	s31 =	sshll.u32 s1, $0xD;
	s1 =	sshrl.u32 s1, $0x2  }
0xc7: {  	s4 =	sand.u32 $0x4000, s31;
	s1 =	sadd.s32 s1, s30  }
0xc8: {  	s0 =	sor.u32 s4, s0;
	s1 =	sshll.u32 s1, $0x11  }
0xc9: {  	s0 =	sor.u32 s1, s0  }
0xca: {  	s0 =	sadd.s32 $0x8F2B, s0  }
0xcb: {  	[sflag:s0] =	ssyncadd.remote.s32 $0x1  }
0xcc: {  	_ =	sfence.sel $0xFFFF  }
0xcd: {  	[dreg:$0x0] =	wrdreg $0xFFFFFFFF;
	(pc) =	sbr.abs _section_cstart, $3  }
0xce: {  	[dreg:$0x1] =	wrdreg $0xFFFFFFFF  }
0xcf: {  	_ =	task.clear_ibuf [dreg:s22], $0x2FFFF;
	_ =	strace $0x9FFFFFFF  }
0xd0: {  	(tm) =	ssettm $0x7FFFFFFF  }
0xd1: {  	_ =	shalt  }
tec
execute0_lowered:
.L_overlay_start_1:
0x0: {  	(tag) =	ssettag $0x1  }
0x1: {  	s5 =	rddreg [dreg:$0x0];
	s2 =	simm.s32 $0x0;
	s3 =	srdreg.scid  }
0x2: {  	s0 =	stileid.u32;
	s13 =	simm.s32 $0x100;
	s14 =	simm.s32 $0x4400  }
0x3: {  	s15 =	simm.s32 $0x180;
	s16 =	simm.s32 $0x6400;
	s17 =	simm.s32 $0x200  }
0x4: {  	s18 =	simm.s32 $0x8400;
	s19 =	simm.s32 $0x280;
	s20 =	simm.s32 $0x300  }
0x5: {  	s21 =	simm.s32 $0xC400;
	s22 =	simm.s32 $0x380;
	[smem:$0x7FF] =	sst s2  }
0x6: {  	s6 =	sand.u32 $0x1, s3;
	s7 =	smul.u32 $0x320000, s0;
	s3 =	sadd.s32 $0x36E00, s5  }
0x7: {  	s4 =	sadd.s32 $0x1E00, s5;
	s10 =	smul.u32 $0xC800, s0;
	s12 =	sadd.s32 $0xE26E00, s5  }
0x8: {  	s9 =	sshll.u32 s0, $0x1;
	_ =	strace $0x8000004A;
	s8 =	smul.u32 $0x190000, s6  }
0x9: {  	s11 =	ssub.s32 $0x2, s6;
	s9 =	sor.u32 s6, s9;
	s6 =	smul.u32 $0x6400, s6  }
0xa: {  	[dreg:$0x4] =	wrdreg s19;
	s19 =	simm.s32 $0xA400;
	s23 =	sshrl.u32 s11, $0x1  }
0xb: {  	s9 =	smul.u32 $0x6400, s9;
	s11 =	ssub.s32 s11, s23;
	s24 =	sadd.s32 s8, s7  }
0xc: {  	s25 =	sadd.s32 s6, s10;
	s10 =	simm.s32 $0x80;
	s23 =	simm.s32 $0xE400  }
0xd: {  	s26 =	sshrl.u32 s9, $0x3;
	s8 =	sshrl.u32 s24, $0x3;
	s28 =	sor.u32 $0x200, s25  }
0xe: {  	s6 =	smax.u32 s11, $0x1;
	s7 =	sadd.s32 $0x400, s25;
	s9 =	simm.s32 $0x3  }
0xf: {  	s11 =	simm.s32 $0x400;
	s24 =	simm.s32 $0x1;
	s25 =	simm.s32 $0x2  }
0x10: {  	s5 =	sadd.s32 s4, s26;
	s8 =	sadd.s32 s8, s12;
	s29 =	sshll.u32 s28, $0x3  }
0x11: {  	s31 =	sshrl.u32 s28, $0x3;
	[dreg:$0x2] =	wrdreg s8;
	s30 =	sadd.s32 s29, s12  }
0x12: {  	s26 =	simm.s32 $0x0;
	s8 =	sadd.s32 s31, s4;
	[dreg:$0x3] =	wrdreg s30  }
.LBB2_1:
0x13: {  	[tilespmem:s2], [sflag:$0x3] =	stream.linear.gather [hbm4b:s5+s2], $0x200, $0x38;
	[tilespmem:$0x10400] =	vst v63  }
0x14: {  	_ =	swait.ge [sflag:s9], $0x200  }
0x15: {  	[sflag:s9] =	ssyncset.done $0x0  }
0x16: {  	[sflag:s9] =	ssyncadd.s32 $0xFFFFFE00  }
0x17: {  	[tilespmem:s11], [sflag:$0x1] =	stream.indirect.gather [hbm4b:s3+s10], $0x40, s2, s10, $0xb8;
	[tilespmem:$0x10400] =	vst v63  }
0x18: {  	s0 =	simm.s32 $0x2400  }
0x19: {  	[tilespmem:s0], [sflag:$0x1] =	stream.indirect.gather [hbm4b:s3+s10], $0x40, s10, s10, $0xb8;
	[tilespmem:$0x10400] =	vst v63  }
0x1a: {  	_ = 	snop  }
0x1b: {  	[tilespmem:s14], [sflag:$0x1] =	stream.indirect.gather [hbm4b:s3+s10], $0x40, s13, s10, $0xb8;
	[tilespmem:$0x10400] =	vst v63  }
0x1c: {  	_ = 	snop  }
0x1d: {  	[tilespmem:s16], [sflag:$0x1] =	stream.indirect.gather [hbm4b:s3+s10], $0x40, s15, s10, $0xb8;
	[tilespmem:$0x10400] =	vst v63  }
0x1e: {  	_ = 	snop  }
0x1f: {  	[tilespmem:s17], [sflag:$0x3] =	stream.linear.gather [hbm4b:s8+s2], $0x200, $0x38;
	[tilespmem:$0x10400] =	vst v63  }
0x20: {  	_ =	swait.ge [sflag:s9], $0x200  }
0x21: {  	[sflag:s9] =	ssyncset.done $0x0  }
0x22: {  	[sflag:s9] =	ssyncadd.s32 $0xFFFFFE00  }
0x23: {  	[tilespmem:s18], [sflag:$0x2] =	stream.indirect.gather [hbm4b:s3+s10], $0x40, s17, s10, $0xb8;
	[tilespmem:$0x10400] =	vst v63  }
0x24: {  	s28 =	rddreg [dreg:$0x4]  }
0x25: {  	[tilespmem:s19], [sflag:$0x2] =	stream.indirect.gather [hbm4b:s3+s10], $0x40, s28, s10, $0xb8;
	[tilespmem:$0x10400] =	vst v63  }
0x26: {  	_ = 	snop  }
0x27: {  	[tilespmem:s21], [sflag:$0x2] =	stream.indirect.gather [hbm4b:s3+s10], $0x40, s20, s10, $0xb8;
	[tilespmem:$0x10400] =	vst v63  }
0x28: {  	_ = 	snop  }
0x29: {  	[tilespmem:s23], [sflag:$0x2] =	stream.indirect.gather [hbm4b:s3+s10], $0x40, s22, s10, $0xb8;
	[tilespmem:$0x10400] =	vst v63  }
0x2a: {  	_ =	swait.ge [sflag:s24], $0x2000  }
0x2b: {  	[sflag:s24] =	ssyncset.done $0x0  }
0x2c: {  	[sflag:s24] =	ssyncadd.s32 $0xFFFFE000  }
0x2d: {  	_ =	swait.ge [sflag:s24], $0x2000  }
0x2e: {  	[sflag:s24] =	ssyncset.done $0x0  }
0x2f: {  	[sflag:s24] =	ssyncadd.s32 $0xFFFFE000  }
0x30: {  	_ =	swait.ge [sflag:s24], $0x2000  }
0x31: {  	[sflag:s24] =	ssyncset.done $0x0  }
0x32: {  	[sflag:s24] =	ssyncadd.s32 $0xFFFFE000  }
0x33: {  	_ =	swait.ge [sflag:s24], $0x2000  }
0x34: {  	s28 =	rddreg [dreg:$0x2];
	[sflag:s24] =	ssyncset.done $0x0  }
0x35: {  	[sflag:s24] =	ssyncadd.s32 $0xFFFFE000;
	s28 =	sadd.s32 $0x0, s28  }
0x36: {  	[hbm4b:s28+s2] =	stream.linear.scatter [tilespmem:s11], [sflag:$0x3], $0x8000, $0x38;
	[tilespmem:$0x10400] =	vst v63  }
0x37: {  	p0 =	por $0x0, $0x0;
	_ =	swait.ge [sflag:s9], $0x8000  }
0x38: {  	s29 =	simm.s32 @!p0 $0x3;
	s28 =	sshrl.u32 @!p0 s7, $0x3;
	[sflag:s9] =	ssyncset.done $0x0  }
0x39: {  	s30 =	simm.s32 @!p0 $0x0;
	s28 =	sadd.s32 @!p0 s4, s28;
	[sflag:s9] =	ssyncadd.s32 $0xFFFF8000  }
0x3a: {  	[tilespmem:s30], [sflag:$0x3] =	stream.linear.gather @!p0 [hbm4b:s28+s30], $0x200, $0x38;
	[tilespmem:$0x10400] =	vst v63  }
0x3b: {  	_ =	swait.ge @!p0 [sflag:s29], $0x200  }
0x3c: {  	[sflag:s29] =	ssyncset.done @!p0 $0x0  }
0x3d: {  	s28 =	simm.s32 @!p0 $0x80;
	[sflag:s29] =	ssyncadd.s32 @!p0 $0xFFFFFE00;
	s29 =	simm.s32 @!p0 $0x400  }
0x3e: {  	[tilespmem:s29], [sflag:$0x1] =	stream.indirect.gather @!p0 [hbm4b:s3+s28], $0x40, s30, s28, $0xb8;
	[tilespmem:$0x10400] =	vst v63  }
0x3f: {  	s29 =	simm.s32 @!p0 $0x2400  }
0x40: {  	[tilespmem:s29], [sflag:$0x1] =	stream.indirect.gather @!p0 [hbm4b:s3+s28], $0x40, s28, s28, $0xb8;
	[tilespmem:$0x10400] =	vst v63  }
0x41: {  	s30 =	simm.s32 @!p0 $0x4400;
	s29 =	simm.s32 @!p0 $0x100  }
0x42: {  	[tilespmem:s30], [sflag:$0x1] =	stream.indirect.gather @!p0 [hbm4b:s3+s28], $0x40, s29, s28, $0xb8;
	[tilespmem:$0x10400] =	vst v63  }
0x43: {  	s29 =	simm.s32 @!p0 $0x180;
	s30 =	simm.s32 @!p0 $0x6400  }
0x44: {  	[tilespmem:s30], [sflag:$0x1] =	stream.indirect.gather @!p0 [hbm4b:s3+s28], $0x40, s29, s28, $0xb8;
	[tilespmem:$0x10400] =	vst v63  }
0x45: {  	_ =	swait.ge [sflag:s25], $0x2000  }
0x46: {  	[sflag:s25] =	ssyncset.done $0x0  }
0x47: {  	[sflag:s25] =	ssyncadd.s32 $0xFFFFE000  }
0x48: {  	_ =	swait.ge [sflag:s25], $0x2000  }
0x49: {  	[sflag:s25] =	ssyncset.done $0x0  }
0x4a: {  	[sflag:s25] =	ssyncadd.s32 $0xFFFFE000  }
0x4b: {  	_ =	swait.ge [sflag:s25], $0x2000  }
0x4c: {  	[sflag:s25] =	ssyncset.done $0x0  }
0x4d: {  	[sflag:s25] =	ssyncadd.s32 $0xFFFFE000  }
0x4e: {  	_ =	swait.ge [sflag:s25], $0x2000  }
0x4f: {  	s28 =	rddreg [dreg:$0x3];
	[sflag:s25] =	ssyncset.done $0x0  }
0x50: {  	[sflag:s25] =	ssyncadd.s32 $0xFFFFE000;
	s28 =	sadd.s32 $0x0, s28  }
0x51: {  	[hbm4b:s28+s2] =	stream.linear.scatter [tilespmem:s18], [sflag:$0x3], $0x8000, $0x38;
	[tilespmem:$0x10400] =	vst v63  }
0x52: {  	s29 =	sadd.s32 $0x80, s8;
	_ =	swait.ge [sflag:s9], $0x8000  }
0x53: {  	s30 =	smov.u32 s7;
	s28 =	simm.s32 $0x2000;
	[sflag:s9] =	ssyncset.done $0x0  }
.LBB2_2:
0x54: {  	[sflag:s9] =	ssyncadd.s32 $0xFFFF8000  }
0x55: {  	[tilespmem:s17], [sflag:$0x3] =	stream.linear.gather [hbm4b:s29+s2], $0x200, $0x38;
	[tilespmem:$0x10400] =	vst v63  }
0x56: {  	_ =	swait.ge [sflag:s9], $0x200  }
0x57: {  	[sflag:s9] =	ssyncset.done $0x0  }
0x58: {  	[sflag:s9] =	ssyncadd.s32 $0xFFFFFE00  }
0x59: {  	[tilespmem:s18], [sflag:$0x2] =	stream.indirect.gather [hbm4b:s3+s10], $0x40, s17, s10, $0xb8;
	[tilespmem:$0x10400] =	vst v63  }
0x5a: {  	s0 =	rddreg [dreg:$0x4]  }
0x5b: {  	[tilespmem:s19], [sflag:$0x2] =	stream.indirect.gather [hbm4b:s3+s10], $0x40, s0, s10, $0xb8;
	[tilespmem:$0x10400] =	vst v63  }
0x5c: {  	_ = 	snop  }
0x5d: {  	[tilespmem:s21], [sflag:$0x2] =	stream.indirect.gather [hbm4b:s3+s10], $0x40, s20, s10, $0xb8;
	[tilespmem:$0x10400] =	vst v63  }
0x5e: {  	_ = 	snop  }
0x5f: {  	[tilespmem:s23], [sflag:$0x2] =	stream.indirect.gather [hbm4b:s3+s10], $0x40, s22, s10, $0xb8;
	[tilespmem:$0x10400] =	vst v63  }
0x60: {  	_ =	swait.ge [sflag:s24], $0x2000  }
0x61: {  	[sflag:s24] =	ssyncset.done $0x0  }
0x62: {  	[sflag:s24] =	ssyncadd.s32 $0xFFFFE000  }
0x63: {  	_ =	swait.ge [sflag:s24], $0x2000  }
0x64: {  	[sflag:s24] =	ssyncset.done $0x0  }
0x65: {  	[sflag:s24] =	ssyncadd.s32 $0xFFFFE000  }
0x66: {  	_ =	swait.ge [sflag:s24], $0x2000  }
0x67: {  	[sflag:s24] =	ssyncset.done $0x0  }
0x68: {  	[sflag:s24] =	ssyncadd.s32 $0xFFFFE000  }
0x69: {  	_ =	swait.ge [sflag:s24], $0x2000  }
0x6a: {  	s31 =	smov.u32 s28;
	s1 =	rddreg [dreg:$0x2];
	[sflag:s24] =	ssyncset.done $0x0  }
0x6b: {  	[sflag:s24] =	ssyncadd.s32 $0xFFFFE000;
	s0 =	sadd.s32 s31, s1  }
0x6c: {  	[hbm4b:s0+s2] =	stream.linear.scatter [tilespmem:s11], [sflag:$0x3], $0x8000, $0x38;
	[tilespmem:$0x10400] =	vst v63  }
0x6d: {  	s30 =	sadd.s32 $0x400, s30;
	p1 =	seq.s32 s31, $0x30000;
	_ =	swait.ge [sflag:s9], $0x8000  }
0x6e: {  	s12 =	simm.s32 @!p1 $0x0;
	s0 =	sshrl.u32 @!p1 s30, $0x3;
	[sflag:s9] =	ssyncset.done $0x0  }
0x6f: {  	s1 =	simm.s32 @!p1 $0x3;
	s0 =	sadd.s32 @!p1 s4, s0;
	[sflag:s9] =	ssyncadd.s32 $0xFFFF8000  }
0x70: {  	[tilespmem:s12], [sflag:$0x3] =	stream.linear.gather @!p1 [hbm4b:s0+s12], $0x200, $0x38;
	[tilespmem:$0x10400] =	vst v63  }
0x71: {  	_ =	swait.ge @!p1 [sflag:s1], $0x200  }
0x72: {  	[sflag:s1] =	ssyncset.done @!p1 $0x0  }
0x73: {  	s0 =	simm.s32 @!p1 $0x80;
	[sflag:s1] =	ssyncadd.s32 @!p1 $0xFFFFFE00;
	s1 =	simm.s32 @!p1 $0x400  }
0x74: {  	[tilespmem:s1], [sflag:$0x1] =	stream.indirect.gather @!p1 [hbm4b:s3+s0], $0x40, s12, s0, $0xb8;
	[tilespmem:$0x10400] =	vst v63  }
0x75: {  	s1 =	simm.s32 @!p1 $0x2400  }
0x76: {  	[tilespmem:s1], [sflag:$0x1] =	stream.indirect.gather @!p1 [hbm4b:s3+s0], $0x40, s0, s0, $0xb8;
	[tilespmem:$0x10400] =	vst v63  }
0x77: {  	s12 =	simm.s32 @!p1 $0x4400;
	s1 =	simm.s32 @!p1 $0x100  }
0x78: {  	[tilespmem:s12], [sflag:$0x1] =	stream.indirect.gather @!p1 [hbm4b:s3+s0], $0x40, s1, s0, $0xb8;
	[tilespmem:$0x10400] =	vst v63  }
0x79: {  	s1 =	simm.s32 @!p1 $0x180;
	s12 =	simm.s32 @!p1 $0x6400  }
0x7a: {  	[tilespmem:s12], [sflag:$0x1] =	stream.indirect.gather @!p1 [hbm4b:s3+s0], $0x40, s1, s0, $0xb8;
	[tilespmem:$0x10400] =	vst v63  }
0x7b: {  	_ =	swait.ge [sflag:s25], $0x2000  }
0x7c: {  	[sflag:s25] =	ssyncset.done $0x0  }
0x7d: {  	[sflag:s25] =	ssyncadd.s32 $0xFFFFE000  }
0x7e: {  	_ =	swait.ge [sflag:s25], $0x2000  }
0x7f: {  	[sflag:s25] =	ssyncset.done $0x0  }
0x80: {  	[sflag:s25] =	ssyncadd.s32 $0xFFFFE000  }
0x81: {  	_ =	swait.ge [sflag:s25], $0x2000  }
0x82: {  	[sflag:s25] =	ssyncset.done $0x0  }
0x83: {  	s28 =	sadd.s32 $0x2000, s28;
	[sflag:s25] =	ssyncadd.s32 $0xFFFFE000  }
0x84: {  	p0 =	sne.s32 s28, $0x32000;
	_ =	swait.ge [sflag:s25], $0x2000  }
.Ltmp0:
0x85: {  	s12 =	rddreg [dreg:$0x3];
	[sflag:s25] =	ssyncset.done $0x0;
	(pc) =	sbr.rel @p0 .LBB2_2-.Ltmp0, $4  }
0x86: {  	[sflag:s25] =	ssyncadd.s32 $0xFFFFE000;
	s0 =	sadd.s32 s31, s12  }
0x87: {  	[hbm4b:s0+s2] =	stream.linear.scatter [tilespmem:s18], [sflag:$0x3], $0x8000, $0x38;
	[tilespmem:$0x10400] =	vst v63  }
0x88: {  	_ =	swait.ge [sflag:s9], $0x8000  }
0x89: {  	s29 =	sadd.s32 $0x80, s29;
	[sflag:s9] =	ssyncset.done $0x0  }
0x8a: {  	s26 =	sadd.s32 $0x1, s26  }
0x8b: {  	p0 =	sne.s32 s26, s6  }
.Ltmp1:
0x8c: {  	_ = 	snop;
	(pc) =	sbr.rel @p0 .LBB2_1-.Ltmp1, $2  }
0x8d: {  	_ =	sdelay $0x2  }
0x8e: {  	[sflag:s9] =	ssyncadd.s32 $0xFFFF8000  }
0x8f: {  	_ =	sfence.sel $0x180000  }
0x90: {  	[bflag:$0x0] =	sbarrier.arrive $0xFFFF  }
0x91: {  	_ =	strace $0x9000004A  }
0x92: {  	s0 =	stileid.u32;
	[bflag:$0x2] =	sbarrier.arrive $0xFFFF  }
0x93: {  	p0 =	sne.s32 s0, $0x0;
	s0 =	rddreg [dreg:$0x1]  }
0x94: {  	s0 =	sadd.s32 @!p0 $0x100000, s0  }
0x95: {  	[sflag:s0] =	ssyncadd.tile.s32 @!p0 $0x1;
	_ =	shalt  }
.Lfunc_end2:
_tile_overlayer_lowered:
.L_overlay_start_2:
0x96: {  	(tag) =	ssettag $0x2  }
0x97: {  	s0 =	rddreg [dreg:$0x0];
	s2 =	stileid.u32  }
0x98: {  	s1 =	rddreg [dreg:$0x1];
	p0 =	sne.s32 s2, $0x0  }
0x99: {  	s3 =	rddreg [dreg:$0x2];
	[bflag:$0x3] =	sbarrier.arrive $0xFFFF;
	s2 =	simm.s32 @!p0 $0x1C03  }
0x9a: {  	[timem:s3], [sflag:s2] =	dma.local @!p0 [hbm:s0], s1  }
0x9b: {  	s0 =	simm.s32 @!p0 $0x3  }
0x9c: {  	_ =	swait.ge @!p0 [sflag:s0], s1  }
0x9d: {  	s1 =	ssub.s32 @!p0 $0x0, s1;
	[sflag:s0] =	ssyncset.done @!p0 $0x0  }
0x9e: {  	[sflag:s0] =	ssyncadd.s32 @!p0 s1  }
0x9f: {  	[bflag:$0x3] =	sbarrier.arrive $0xFFFF  }
0xa0: {  	_ =	shalt  }

</sc_bundles>
